<compile_context>
chip_gen: v7x
topology: tpu7x:2x2x1
jax: 0.10.2.dev20260603
libtpu: 0.0.44.dev20260713+nightly
codegen_flags: <defaults>
</compile_context>

<pallas_src>
import functools

import jax
import jax.numpy as jnp
from jax import lax
from jax.experimental import pallas as pl
from jax.experimental.pallas import tpu as pltpu
from jax.experimental.pallas import tpu_sc as plsc


_B = 512


def _k1_body(NL, NC, trow_ref, tlanes_ref, tgtT_ref,
             c16_ref, offs_ref, m_ref, m0_ref, m1_ref, scale_ref):
    t = trow_ref[...]
    c = jnp.min(t)
    mask = t == c
    m = jnp.sum(mask.astype(jnp.int32))
    m_ref[0, 0] = m
    idx = lax.broadcasted_iota(jnp.int32, t.shape, 1)
    fi = jnp.min(jnp.where(mask, idx, jnp.int32(2**30)))
    sel = (idx == fi).astype(jnp.float32)
    tg = tgtT_ref[...]
    dxs = jnp.sum((tg[2:3, :] - tg[0:1, :]) * sel)
    dys = jnp.sum((tg[3:4, :] - tg[1:2, :]) * sel)
    scale_ref[0, 0] = jnp.sqrt(dxs * dxs + dys * dys)
    c16_ref[...] = jnp.zeros((1, 16), jnp.int32) + c
    cts = jnp.sum((tlanes_ref[...] == c).astype(jnp.float32), axis=1,
                  keepdims=True)
    row = lax.broadcasted_iota(jnp.int32, (NL, NL), 0)
    col = lax.broadcasted_iota(jnp.int32, (NL, NL), 1)
    H = NL // NC
    lower = ((col < row) & ((col // H) == (row // H))).astype(jnp.float32)
    offs = jnp.dot(lower, cts, preferred_element_type=jnp.float32)
    offs_ref[...] = offs.astype(jnp.int32)
    riota = lax.broadcasted_iota(jnp.int32, (NL, 1), 0)
    m0 = jnp.sum(cts * (riota < H).astype(jnp.float32))
    m0_ref[0, 0] = m0.astype(jnp.int32)
    m1_ref[0, 0] = m - m0.astype(jnp.int32)


def _k2_body(NS, Cw, SEG,
             t_hbm, x1_hbm, y1_hbm, x2_hbm, y2_hbm, c_hbm, offs_hbm,
             xs_hbm, ys_hbm,
             tbuf, x1b, y1b, x2b, y2b, cxb, cyb, cbuf, obuf, idxbuf,
             sxs, sys_, semx):
    core = lax.axis_index("c")
    sub = lax.axis_index("s")
    wid = core * NS + sub
    base = wid * Cw
    pltpu.sync_copy(t_hbm.at[pl.ds(base, Cw)], tbuf)
    pltpu.sync_copy(x1_hbm.at[pl.ds(base, Cw)], x1b)
    pltpu.sync_copy(y1_hbm.at[pl.ds(base, Cw)], y1b)
    pltpu.sync_copy(x2_hbm.at[pl.ds(base, Cw)], x2b)
    pltpu.sync_copy(y2_hbm.at[pl.ds(base, Cw)], y2b)
    pltpu.sync_copy(c_hbm, cbuf)
    pltpu.sync_copy(offs_hbm.at[pl.ds(wid * 16, 16)], obuf)
    c_v = cbuf[...]
    run = obuf[...]
    lane = lax.broadcasted_iota(jnp.int32, (16,), 0)
    trash = lane + (NS * Cw + sub * 16)
    one = jnp.zeros((16,), jnp.int32) + 1
    for g in range(Cw // 16):
        sl = pl.ds(g * 16, 16)
        t_g = tbuf[sl]
        mi = one - jnp.minimum(jnp.abs(t_g - c_v), one)
        fidx = mi * run + (one - mi) * trash
        idxbuf[g // 8, pl.ds((g % 8) * 16, 16)] = fidx
        cxb[sl] = (x1b[sl] + x2b[sl]) * 0.5
        cyb[sl] = (y1b[sl] + y2b[sl]) * 0.5
        run = run + mi
    descs = []
    for b in range(Cw // 128):
        vs = pl.ds(b * 128, 128)
        descs.append(pltpu.async_copy(cxb.at[vs], sxs.at[idxbuf.at[b]], semx))
        descs.append(pltpu.async_copy(cyb.at[vs], sys_.at[idxbuf.at[b]], semx))
    for d in descs:
        d.wait()
    plsc.subcore_barrier()

    @pl.when(sub == 0)
    def _flush():
        pltpu.sync_copy(sxs, xs_hbm.at[pl.ds(core * SEG, SEG)])
        pltpu.sync_copy(sys_, ys_hbm.at[pl.ds(core * SEG, SEG)])


def _k3_body(SEGB, xr_ref, yr_ref, xc_ref, yc_ref,
             m0_ref, m1_ref, out_ref):
    i = pl.program_id(0)
    m0 = m0_ref[0, 0]
    m1 = m1_ref[0, 0]
    segc = SEGB * _B

    row_active = (i * _B < m0) | ((i >= SEGB) & (i * _B < segc + m1))

    @pl.when(row_active)
    def _main():
        riota = lax.broadcasted_iota(jnp.int32, (_B, 1), 0) + i * _B
        vrow = (riota < m0) | ((riota >= segc) & (riota < segc + m1))
        xc = jnp.where(vrow, xc_ref[...], 0.0)
        yc = jnp.where(vrow, yc_ref[...], 0.0)
        vrowf = vrow.astype(jnp.float32)

        def jbody(j, accum):
            colbase = pl.multiple_of(j * _B, _B)
            ciota = lax.broadcasted_iota(jnp.int32, (1, _B), 1) + colbase
            vcol = (ciota < m0) | ((ciota >= segc) & (ciota < segc + m1))
            xr = jnp.where(vcol, xr_ref[:, pl.ds(colbase, _B)], 0.0)
            yr = jnp.where(vcol, yr_ref[:, pl.ds(colbase, _B)], 0.0)
            dx = xc - xr
            dy = yc - yr
            d = jnp.sqrt(dx * dx + dy * dy)
            col_interior = (colbase + _B <= m0) | (
                (colbase >= segc) & (colbase + _B <= segc + m1))
            rowsum = lax.cond(
                col_interior,
                lambda: jnp.sum(d, axis=1, keepdims=True),
                lambda: jnp.sum(d * vcol.astype(jnp.float32), axis=1,
                                keepdims=True))
            s = jnp.sum(rowsum * vrowf)
            return accum + s * jnp.where(j == i, 1.0, 2.0)

        nb0 = jnp.minimum(i + 1, (m0 + _B - 1) // _B)
        tot = lax.fori_loop(0, nb0, jbody, 0.0)
        tot = lax.fori_loop(SEGB, i + 1, jbody, tot)
        out_ref[...] = jnp.zeros((1, 1, 128), jnp.float32) + tot

    @pl.when(jnp.logical_not(row_active))
    def _dead():
        out_ref[...] = jnp.zeros((1, 1, 128), jnp.float32)


def _k4_body(part_ref, m_ref, scale_ref, stride_ref, out_ref):
    total = jnp.sum(part_ref[:, :, 0:1])
    m = m_ref[0, 0]
    denom = (m * (m - 1)).astype(jnp.float32)
    tot = jnp.where(m != 1, total / denom, total)
    res = tot / scale_ref[0, 0] / stride_ref[0, 0]
    out_ref[0, 0] = 2.0 / (1.0 + jnp.exp(-res)) - 1.0


def kernel(pos_target, pos_decode_bbox_pred, pos_decode_bbox_targets, stride):
    n = pos_target.shape[0]
    info = plsc.get_sparse_core_info()
    NC, NS = info.num_cores, info.num_subcores
    NW = NC * NS
    step = max(_B, NW * 128)
    N = -(-n // step) * step
    pad = N - n
    Cw = N // NW
    NL = NW * 16
    G = Cw // 16
    SEG = NS * Cw + _B
    SEGB = SEG // _B
    N3 = NC * SEG
    NB = N3 // _B

    t32 = pos_target.astype(jnp.int32)
    big = jnp.iinfo(jnp.int32).max
    t_pad = jnp.pad(t32, (0, pad), constant_values=big)
    pred_pad = jnp.pad(pos_decode_bbox_pred, ((0, pad), (0, 0)))
    tgtT = jnp.pad(pos_decode_bbox_targets, ((0, pad), (0, 0))).T
    stride_arr = jnp.asarray(stride, jnp.float32).reshape(1, 1)
    tlanes = t_pad.reshape(NW, G, 16).transpose(0, 2, 1).reshape(NL, G)

    c16, offs, m_arr, m0_arr, m1_arr, scale_arr = pl.pallas_call(
        functools.partial(_k1_body, NL, NC),
        in_specs=[
            pl.BlockSpec((1, N), lambda: (0, 0)),
            pl.BlockSpec((NL, G), lambda: (0, 0)),
            pl.BlockSpec((4, N), lambda: (0, 0)),
        ],
        out_specs=[
            pl.BlockSpec((1, 16), lambda: (0, 0)),
            pl.BlockSpec((NL, 1), lambda: (0, 0)),
            pl.BlockSpec(memory_space=pltpu.SMEM),
            pl.BlockSpec(memory_space=pltpu.SMEM),
            pl.BlockSpec(memory_space=pltpu.SMEM),
            pl.BlockSpec(memory_space=pltpu.SMEM),
        ],
        out_shape=[
            jax.ShapeDtypeStruct((1, 16), jnp.int32),
            jax.ShapeDtypeStruct((NL, 1), jnp.int32),
            jax.ShapeDtypeStruct((1, 1), jnp.int32),
            jax.ShapeDtypeStruct((1, 1), jnp.int32),
            jax.ShapeDtypeStruct((1, 1), jnp.int32),
            jax.ShapeDtypeStruct((1, 1), jnp.float32),
        ],
    )(t_pad.reshape(1, N), tlanes, tgtT)

    nbk = Cw // 128
    mesh = plsc.VectorSubcoreMesh(core_axis_name="c", subcore_axis_name="s")
    k2 = pl.kernel(
        functools.partial(_k2_body, NS, Cw, SEG),
        out_type=[
            jax.ShapeDtypeStruct((N3,), jnp.float32),
            jax.ShapeDtypeStruct((N3,), jnp.float32),
        ],
        mesh=mesh,
        scratch_types=[
            pltpu.VMEM((Cw,), jnp.int32),
            pltpu.VMEM((Cw,), jnp.float32),
            pltpu.VMEM((Cw,), jnp.float32),
            pltpu.VMEM((Cw,), jnp.float32),
            pltpu.VMEM((Cw,), jnp.float32),
            pltpu.VMEM((Cw,), jnp.float32),
            pltpu.VMEM((Cw,), jnp.float32),
            pltpu.VMEM((16,), jnp.int32),
            pltpu.VMEM((16,), jnp.int32),
            pltpu.VMEM((nbk, 128), jnp.int32),
            pltpu.VMEM_SHARED((SEG,), jnp.float32),
            pltpu.VMEM_SHARED((SEG,), jnp.float32),
            pltpu.SemaphoreType.DMA,
        ],
    )
    xs, ys = k2(t_pad, pred_pad[:, 0], pred_pad[:, 1], pred_pad[:, 2],
                pred_pad[:, 3], c16.reshape(16), offs.reshape(NL))

    parts = pl.pallas_call(
        functools.partial(_k3_body, SEGB),
        grid=(NB,),
        in_specs=[
            pl.BlockSpec((1, N3), lambda i: (0, 0)),
            pl.BlockSpec((1, N3), lambda i: (0, 0)),
            pl.BlockSpec((_B, 1), lambda i: (i, 0)),
            pl.BlockSpec((_B, 1), lambda i: (i, 0)),
            pl.BlockSpec(memory_space=pltpu.SMEM),
            pl.BlockSpec(memory_space=pltpu.SMEM),
        ],
        out_specs=pl.BlockSpec((1, 1, 128), lambda i: (i, 0, 0)),
        out_shape=jax.ShapeDtypeStruct((NB, 1, 128), jnp.float32),
        compiler_params=pltpu.CompilerParams(
            dimension_semantics=("parallel",)),
    )(xs.reshape(1, N3), ys.reshape(1, N3),
      xs.reshape(N3, 1), ys.reshape(N3, 1),
      m0_arr, m1_arr)

    out = pl.pallas_call(
        _k4_body,
        in_specs=[
            pl.BlockSpec((NB, 1, 128), lambda: (0, 0, 0)),
            pl.BlockSpec(memory_space=pltpu.SMEM),
            pl.BlockSpec(memory_space=pltpu.SMEM),
            pl.BlockSpec(memory_space=pltpu.SMEM),
        ],
        out_specs=pl.BlockSpec(memory_space=pltpu.SMEM),
        out_shape=jax.ShapeDtypeStruct((1, 1), jnp.float32),
    )(parts, m_arr, scale_arr, stride_arr)
    return out[0, 0]

# --- scband reference (transcript-rebuilt; emitter-appended) ---
"""Pipeline reference for scband-distance-loss-64510408786227 (READ-ONLY COPY).

The authoritative reference and input builder live on the scoring server;
editing this copy changes nothing except your own understanding.
"""

import jax, jax.numpy as jnp
import numpy as np


def euclidean_dist(x, mask):
    n = x.shape[0]
    m = jnp.sum(mask)
    xx = jnp.broadcast_to(jnp.sum(jnp.power(x, 2), axis=1, keepdims=True), (n, n))
    yy = xx.T
    dist = xx + yy - 2.0 * (x @ x.T)
    dist = jnp.sqrt(jnp.clip(dist, 0.0, None))
    denom = (m * (m - 1)).astype(dist.dtype)
    dist = jnp.where(m != 1, dist / denom, dist)
    pair_mask = mask[:, None] & mask[None, :]
    dist = jnp.where(pair_mask, dist, jnp.zeros_like(dist))
    return jnp.sum(dist)


def setup_inputs(seed: int = 0) -> dict:
    key = jax.random.key(seed)
    k1, k2, k3 = jax.random.split(key, 3)
    num_pos = 20000
    pos_target = jax.random.randint(k1, (num_pos,), 0, 4, dtype=jnp.int64) if jax.config.jax_enable_x64 else jax.random.randint(k1, (num_pos,), 0, 4).astype(jnp.int32)
    pos_decode_bbox_pred = jax.random.normal(k2, (num_pos, 4), dtype=jnp.float32)
    pos_decode_bbox_targets = jax.random.normal(k3, (num_pos, 4), dtype=jnp.float32)
    return {
        'pos_target': pos_target,
        'pos_decode_bbox_pred': pos_decode_bbox_pred,
        'pos_decode_bbox_targets': pos_decode_bbox_targets,
        'stride': 16,
    }


def reference(pos_target, pos_decode_bbox_pred, pos_decode_bbox_targets, stride):
    loss_weight = 1.0
    if pos_target.shape[0] != 0:
        c = jnp.min(pos_target)
        mask = pos_target == c
        first_ind = jnp.argmax(mask)
        tgt_one = pos_decode_bbox_targets[first_ind, :]
        target_scale_mean = jnp.sqrt((tgt_one[2] - tgt_one[0]) ** 2 + (tgt_one[3] - tgt_one[1]) ** 2)
        pred_center = (pos_decode_bbox_pred[:, :2] + pos_decode_bbox_pred[:, 2:]) / 2.0
        res0 = euclidean_dist(pred_center, mask) / target_scale_mean
        res_dis = res0 / stride
        res_dis = 2.0 * jax.nn.sigmoid(res_dis) - 1.0
        return loss_weight * res_dis
    return jnp.asarray(0.0, dtype=jnp.float32)

if __name__ == "__main__":
    import jax
    _d = setup_inputs()
    print(jax.jit(kernel)(*tuple(_d.values())))

</pallas_src>

<mosaic_0001>
#map = affine_map<(d0, d1) -> (0)>
module attributes {stable_mosaic.version = 14 : i64} {
  func.func @_k2_body(%arg0: i32, %arg1: i32, %arg2: memref<20480xi32, #tpu.memory_space<hbm>>, %arg3: memref<20480xf32, #tpu.memory_space<hbm>>, %arg4: memref<20480xf32, #tpu.memory_space<hbm>>, %arg5: memref<20480xf32, #tpu.memory_space<hbm>>, %arg6: memref<20480xf32, #tpu.memory_space<hbm>>, %arg7: memref<16xi32, #tpu.memory_space<hbm>>, %arg8: memref<512xi32, #tpu.memory_space<hbm>>, %arg9: memref<21504xf32, #tpu.memory_space<hbm>>, %arg10: memref<21504xf32, #tpu.memory_space<hbm>>, %arg11: memref<640xi32, #tpu.memory_space<vmem>>, %arg12: memref<640xf32, #tpu.memory_space<vmem>>, %arg13: memref<640xf32, #tpu.memory_space<vmem>>, %arg14: memref<640xf32, #tpu.memory_space<vmem>>, %arg15: memref<640xf32, #tpu.memory_space<vmem>>, %arg16: memref<640xf32, #tpu.memory_space<vmem>>, %arg17: memref<640xf32, #tpu.memory_space<vmem>>, %arg18: memref<16xi32, #tpu.memory_space<vmem>>, %arg19: memref<16xi32, #tpu.memory_space<vmem>>, %arg20: memref<5x128xi32, #tpu.memory_space<vmem>>, %arg21: memref<10752xf32, #tpu.memory_space<vmem_shared>>, %arg22: memref<10752xf32, #tpu.memory_space<vmem_shared>>, %arg23: memref<!tpu.dma_semaphore, #tpu.memory_space<semaphore_mem>>) attributes {dimension_semantics = [#tpu.dimension_semantics<core_parallel>, #tpu.dimension_semantics<subcore_parallel>], iteration_bounds = array<i64: 2, 16>, scalar_prefetch = 0 : i64, scratch_operands = 13 : i64, tpu.core_type = #tpu.core_type<sc_vector_subcore>, window_params = [{transform_indices = #map}, {transform_indices = #map}, {transform_indices = #map}, {transform_indices = #map}, {transform_indices = #map}, {transform_indices = #map}, {transform_indices = #map}, {transform_indices = #map}, {transform_indices = #map}]} {
    %mul3A = arith.constant 16 : i32
    %mul3A_0 = arith.muli %arg0, %mul3A : i32
    %add3A = arith.addi %mul3A_0, %arg1 : i32
    %mul3A_1 = arith.constant 640 : i32
    %mul3A_2 = arith.muli %add3A, %mul3A_1 : i32
    "tpu.region"() ({
      %run_scoped3A = tpu.sem_alloc : memref<!tpu.dma_semaphore, #tpu.memory_space<semaphore_mem>>
      %dma_start3A_2016 = tpu.memref_slice %arg2[%mul3A_2] : memref<20480xi32, #tpu.memory_space<hbm>> -> memref<640xi32, #tpu.memory_space<hbm>>
      %dma_start3A_2017 = tpu.memref_slice %arg2[%mul3A_2] : memref<20480xi32, #tpu.memory_space<hbm>> -> memref<640xi32, #tpu.memory_space<hbm>>
      tpu.enqueue_dma source(%dma_start3A_2017 : memref<640xi32, #tpu.memory_space<hbm>>) target(%arg11 : memref<640xi32, #tpu.memory_space<vmem>>) target_semaphore(%run_scoped3A : memref<!tpu.dma_semaphore, #tpu.memory_space<semaphore_mem>>)
      %dma_wait3A_2018 = tpu.memref_slice %arg2[%mul3A_2] : memref<20480xi32, #tpu.memory_space<hbm>> -> memref<640xi32, #tpu.memory_space<hbm>>
      %dma_wait3A_2019 = tpu.memref_slice %arg2[%mul3A_2] : memref<20480xi32, #tpu.memory_space<hbm>> -> memref<640xi32, #tpu.memory_space<hbm>>
      tpu.wait_dma2 semaphore(%run_scoped3A : memref<!tpu.dma_semaphore, #tpu.memory_space<semaphore_mem>>) src(%dma_wait3A_2019 : memref<640xi32, #tpu.memory_space<hbm>>) dst(%arg11 : memref<640xi32, #tpu.memory_space<vmem>>)
      tpu.yield
    }) : () -> ()
    "tpu.region"() ({
      %run_scoped3A = tpu.sem_alloc : memref<!tpu.dma_semaphore, #tpu.memory_space<semaphore_mem>>
      %dma_start3A_2016 = tpu.memref_slice %arg3[%mul3A_2] : memref<20480xf32, #tpu.memory_space<hbm>> -> memref<640xf32, #tpu.memory_space<hbm>>
      %dma_start3A_2017 = tpu.memref_slice %arg3[%mul3A_2] : memref<20480xf32, #tpu.memory_space<hbm>> -> memref<640xf32, #tpu.memory_space<hbm>>
      tpu.enqueue_dma source(%dma_start3A_2017 : memref<640xf32, #tpu.memory_space<hbm>>) target(%arg12 : memref<640xf32, #tpu.memory_space<vmem>>) target_semaphore(%run_scoped3A : memref<!tpu.dma_semaphore, #tpu.memory_space<semaphore_mem>>)
      %dma_wait3A_2018 = tpu.memref_slice %arg3[%mul3A_2] : memref<20480xf32, #tpu.memory_space<hbm>> -> memref<640xf32, #tpu.memory_space<hbm>>
      %dma_wait3A_2019 = tpu.memref_slice %arg3[%mul3A_2] : memref<20480xf32, #tpu.memory_space<hbm>> -> memref<640xf32, #tpu.memory_space<hbm>>
      tpu.wait_dma2 semaphore(%run_scoped3A : memref<!tpu.dma_semaphore, #tpu.memory_space<semaphore_mem>>) src(%dma_wait3A_2019 : memref<640xf32, #tpu.memory_space<hbm>>) dst(%arg12 : memref<640xf32, #tpu.memory_space<vmem>>)
      tpu.yield
    }) : () -> ()
    "tpu.region"() ({
      %run_scoped3A = tpu.sem_alloc : memref<!tpu.dma_semaphore, #tpu.memory_space<semaphore_mem>>
      %dma_start3A_2016 = tpu.memref_slice %arg4[%mul3A_2] : memref<20480xf32, #tpu.memory_space<hbm>> -> memref<640xf32, #tpu.memory_space<hbm>>
      %dma_start3A_2017 = tpu.memref_slice %arg4[%mul3A_2] : memref<20480xf32, #tpu.memory_space<hbm>> -> memref<640xf32, #tpu.memory_space<hbm>>
      tpu.enqueue_dma source(%dma_start3A_2017 : memref<640xf32, #tpu.memory_space<hbm>>) target(%arg13 : memref<640xf32, #tpu.memory_space<vmem>>) target_semaphore(%run_scoped3A : memref<!tpu.dma_semaphore, #tpu.memory_space<semaphore_mem>>)
      %dma_wait3A_2018 = tpu.memref_slice %arg4[%mul3A_2] : memref<20480xf32, #tpu.memory_space<hbm>> -> memref<640xf32, #tpu.memory_space<hbm>>
      %dma_wait3A_2019 = tpu.memref_slice %arg4[%mul3A_2] : memref<20480xf32, #tpu.memory_space<hbm>> -> memref<640xf32, #tpu.memory_space<hbm>>
      tpu.wait_dma2 semaphore(%run_scoped3A : memref<!tpu.dma_semaphore, #tpu.memory_space<semaphore_mem>>) src(%dma_wait3A_2019 : memref<640xf32, #tpu.memory_space<hbm>>) dst(%arg13 : memref<640xf32, #tpu.memory_space<vmem>>)
      tpu.yield
    }) : () -> ()
    "tpu.region"() ({
      %run_scoped3A = tpu.sem_alloc : memref<!tpu.dma_semaphore, #tpu.memory_space<semaphore_mem>>
      %dma_start3A_2016 = tpu.memref_slice %arg5[%mul3A_2] : memref<20480xf32, #tpu.memory_space<hbm>> -> memref<640xf32, #tpu.memory_space<hbm>>
      %dma_start3A_2017 = tpu.memref_slice %arg5[%mul3A_2] : memref<20480xf32, #tpu.memory_space<hbm>> -> memref<640xf32, #tpu.memory_space<hbm>>
      tpu.enqueue_dma source(%dma_start3A_2017 : memref<640xf32, #tpu.memory_space<hbm>>) target(%arg14 : memref<640xf32, #tpu.memory_space<vmem>>) target_semaphore(%run_scoped3A : memref<!tpu.dma_semaphore, #tpu.memory_space<semaphore_mem>>)
      %dma_wait3A_2018 = tpu.memref_slice %arg5[%mul3A_2] : memref<20480xf32, #tpu.memory_space<hbm>> -> memref<640xf32, #tpu.memory_space<hbm>>
      %dma_wait3A_2019 = tpu.memref_slice %arg5[%mul3A_2] : memref<20480xf32, #tpu.memory_space<hbm>> -> memref<640xf32, #tpu.memory_space<hbm>>
      tpu.wait_dma2 semaphore(%run_scoped3A : memref<!tpu.dma_semaphore, #tpu.memory_space<semaphore_mem>>) src(%dma_wait3A_2019 : memref<640xf32, #tpu.memory_space<hbm>>) dst(%arg14 : memref<640xf32, #tpu.memory_space<vmem>>)
      tpu.yield
    }) : () -> ()
    "tpu.region"() ({
      %run_scoped3A = tpu.sem_alloc : memref<!tpu.dma_semaphore, #tpu.memory_space<semaphore_mem>>
      %dma_start3A_2016 = tpu.memref_slice %arg6[%mul3A_2] : memref<20480xf32, #tpu.memory_space<hbm>> -> memref<640xf32, #tpu.memory_space<hbm>>
      %dma_start3A_2017 = tpu.memref_slice %arg6[%mul3A_2] : memref<20480xf32, #tpu.memory_space<hbm>> -> memref<640xf32, #tpu.memory_space<hbm>>
      tpu.enqueue_dma source(%dma_start3A_2017 : memref<640xf32, #tpu.memory_space<hbm>>) target(%arg15 : memref<640xf32, #tpu.memory_space<vmem>>) target_semaphore(%run_scoped3A : memref<!tpu.dma_semaphore, #tpu.memory_space<semaphore_mem>>)
      %dma_wait3A_2018 = tpu.memref_slice %arg6[%mul3A_2] : memref<20480xf32, #tpu.memory_space<hbm>> -> memref<640xf32, #tpu.memory_space<hbm>>
      %dma_wait3A_2019 = tpu.memref_slice %arg6[%mul3A_2] : memref<20480xf32, #tpu.memory_space<hbm>> -> memref<640xf32, #tpu.memory_space<hbm>>
      tpu.wait_dma2 semaphore(%run_scoped3A : memref<!tpu.dma_semaphore, #tpu.memory_space<semaphore_mem>>) src(%dma_wait3A_2019 : memref<640xf32, #tpu.memory_space<hbm>>) dst(%arg15 : memref<640xf32, #tpu.memory_space<vmem>>)
      tpu.yield
    }) : () -> ()
    "tpu.region"() ({
      %run_scoped3A = tpu.sem_alloc : memref<!tpu.dma_semaphore, #tpu.memory_space<semaphore_mem>>
      tpu.enqueue_dma source(%arg7 : memref<16xi32, #tpu.memory_space<hbm>>) target(%arg18 : memref<16xi32, #tpu.memory_space<vmem>>) target_semaphore(%run_scoped3A : memref<!tpu.dma_semaphore, #tpu.memory_space<semaphore_mem>>)
      tpu.wait_dma2 semaphore(%run_scoped3A : memref<!tpu.dma_semaphore, #tpu.memory_space<semaphore_mem>>) src(%arg7 : memref<16xi32, #tpu.memory_space<hbm>>) dst(%arg18 : memref<16xi32, #tpu.memory_space<vmem>>)
      tpu.yield
    }) : () -> ()
    %mul3A_3 = arith.constant 16 : i32
    %mul3A_4 = arith.muli %add3A, %mul3A_3 : i32
    "tpu.region"() ({
      %run_scoped3A = tpu.sem_alloc : memref<!tpu.dma_semaphore, #tpu.memory_space<semaphore_mem>>
      %dma_start3A_2016 = tpu.memref_slice %arg8[%mul3A_4] : memref<512xi32, #tpu.memory_space<hbm>> -> memref<16xi32, #tpu.memory_space<hbm>>
      %dma_start3A_2017 = tpu.memref_slice %arg8[%mul3A_4] : memref<512xi32, #tpu.memory_space<hbm>> -> memref<16xi32, #tpu.memory_space<hbm>>
      tpu.enqueue_dma source(%dma_start3A_2017 : memref<16xi32, #tpu.memory_space<hbm>>) target(%arg19 : memref<16xi32, #tpu.memory_space<vmem>>) target_semaphore(%run_scoped3A : memref<!tpu.dma_semaphore, #tpu.memory_space<semaphore_mem>>)
      %dma_wait3A_2018 = tpu.memref_slice %arg8[%mul3A_4] : memref<512xi32, #tpu.memory_space<hbm>> -> memref<16xi32, #tpu.memory_space<hbm>>
      %dma_wait3A_2019 = tpu.memref_slice %arg8[%mul3A_4] : memref<512xi32, #tpu.memory_space<hbm>> -> memref<16xi32, #tpu.memory_space<hbm>>
      tpu.wait_dma2 semaphore(%run_scoped3A : memref<!tpu.dma_semaphore, #tpu.memory_space<semaphore_mem>>) src(%dma_wait3A_2019 : memref<16xi32, #tpu.memory_space<hbm>>) dst(%arg19 : memref<16xi32, #tpu.memory_space<vmem>>)
      tpu.yield
    }) : () -> ()
    %get3A = arith.constant 0 : index
    %get3A_5 = tpu.vector_load %arg18[%get3A] {strides = array<i32>} : memref<16xi32, #tpu.memory_space<vmem>>, vector<16xi32>,
    %get3A_6 = vector.shape_cast %get3A_5 : vector<16xi32> to vector<16xi32>
    %get3A_7 = arith.constant 0 : index
    %get3A_8 = tpu.vector_load %arg19[%get3A_7] {strides = array<i32>} : memref<16xi32, #tpu.memory_space<vmem>>, vector<16xi32>,
    %get3A_9 = vector.shape_cast %get3A_8 : vector<16xi32> to vector<16xi32>
    %iota3A = tpu.iota {dimensions = array<i32: 0>} : vector<16xi32>
    %mul3A_10 = arith.constant 16 : i32
    %mul3A_11 = arith.muli %arg1, %mul3A_10 : i32
    %add3A_12 = arith.constant 10240 : i32
    %add3A_13 = arith.addi %add3A_12, %mul3A_11 : i32
    %add3A_14 = vector.broadcast %add3A_13 : i32 to vector<16xi32>
    %add3A_15 = arith.addi %iota3A, %add3A_14 : vector<16xi32>
    %broadcast_in_dim3A = arith.constant 0 : i32
    %broadcast_in_dim3A_16 = vector.broadcast %broadcast_in_dim3A : i32 to vector<16xi32>
    %add3A_17 = arith.constant 1 : i32
    %add3A_18 = vector.broadcast %add3A_17 : i32 to vector<16xi32>
    %add3A_19 = arith.addi %broadcast_in_dim3A_16, %add3A_18 : vector<16xi32>
    %get3A_20 = arith.constant 0 : index
    %get3A_21 = tpu.vector_load %arg11[%get3A_20] {strides = array<i32>} : memref<640xi32, #tpu.memory_space<vmem>>, vector<16xi32>,
    %get3A_22 = vector.shape_cast %get3A_21 : vector<16xi32> to vector<16xi32>
    %sub3A = arith.subi %get3A_22, %get3A_6 : vector<16xi32>
    %abs3A = math.absi %sub3A : vector<16xi32>
    %min3A = arith.minsi %abs3A, %add3A_19 : vector<16xi32>
    %sub3A_23 = arith.subi %add3A_19, %min3A : vector<16xi32>
    %mul3A_24 = arith.muli %sub3A_23, %get3A_9 : vector<16xi32>
    %sub3A_25 = arith.subi %add3A_19, %sub3A_23 : vector<16xi32>
    %mul3A_26 = arith.muli %sub3A_25, %add3A_15 : vector<16xi32>
    %add3A_27 = arith.addi %mul3A_24, %mul3A_26 : vector<16xi32>
    %swap3A = arith.constant 0 : i32
    %swap3A_28 = arith.index_cast %swap3A : i32 to index
    %swap3A_29 = arith.constant 0 : index
    %swap3A_30 = tpu.vector_load %arg20[%swap3A_28, %swap3A_29] {strides = array<i32>} : memref<5x128xi32, #tpu.memory_space<vmem>>, vector<1x16xi32>,
    %swap3A_31 = vector.shape_cast %swap3A_30 : vector<1x16xi32> to vector<16xi32>
    %swap3A_32 = vector.shape_cast %add3A_27 : vector<16xi32> to vector<1x16xi32>
    tpu.vector_store %arg20[%swap3A_28, %swap3A_29], %swap3A_32 {strides = array<i32>} : memref<5x128xi32, #tpu.memory_space<vmem>>, vector<1x16xi32>,
    %get3A_33 = arith.constant 0 : index
    %get3A_34 = tpu.vector_load %arg12[%get3A_33] {strides = array<i32>} : memref<640xf32, #tpu.memory_space<vmem>>, vector<16xf32>,
    %get3A_35 = vector.shape_cast %get3A_34 : vector<16xf32> to vector<16xf32>
    %get3A_36 = arith.constant 0 : index
    %get3A_37 = tpu.vector_load %arg14[%get3A_36] {strides = array<i32>} : memref<640xf32, #tpu.memory_space<vmem>>, vector<16xf32>,
    %get3A_38 = vector.shape_cast %get3A_37 : vector<16xf32> to vector<16xf32>
    %add3A_39 = arith.addf %get3A_35, %get3A_38 : vector<16xf32>
    %mul3A_40 = arith.constant 5.000000e-01 : f32
    %mul3A_41 = vector.broadcast %mul3A_40 : f32 to vector<16xf32>
    %mul3A_42 = arith.mulf %add3A_39, %mul3A_41 : vector<16xf32>
    %swap3A_43 = arith.constant 0 : index
    %swap3A_44 = tpu.vector_load %arg16[%swap3A_43] {strides = array<i32>} : memref<640xf32, #tpu.memory_space<vmem>>, vector<16xf32>,
    %swap3A_45 = vector.shape_cast %swap3A_44 : vector<16xf32> to vector<16xf32>
    %swap3A_46 = vector.shape_cast %mul3A_42 : vector<16xf32> to vector<16xf32>
    tpu.vector_store %arg16[%swap3A_43], %swap3A_46 {strides = array<i32>} : memref<640xf32, #tpu.memory_space<vmem>>, vector<16xf32>,
    %get3A_47 = arith.constant 0 : index
    %get3A_48 = tpu.vector_load %arg13[%get3A_47] {strides = array<i32>} : memref<640xf32, #tpu.memory_space<vmem>>, vector<16xf32>,
    %get3A_49 = vector.shape_cast %get3A_48 : vector<16xf32> to vector<16xf32>
    %get3A_50 = arith.constant 0 : index
    %get3A_51 = tpu.vector_load %arg15[%get3A_50] {strides = array<i32>} : memref<640xf32, #tpu.memory_space<vmem>>, vector<16xf32>,
    %get3A_52 = vector.shape_cast %get3A_51 : vector<16xf32> to vector<16xf32>
    %add3A_53 = arith.addf %get3A_49, %get3A_52 : vector<16xf32>
    %mul3A_54 = arith.constant 5.000000e-01 : f32
    %mul3A_55 = vector.broadcast %mul3A_54 : f32 to vector<16xf32>
    %mul3A_56 = arith.mulf %add3A_53, %mul3A_55 : vector<16xf32>
    %swap3A_57 = arith.constant 0 : index
    %swap3A_58 = tpu.vector_load %arg17[%swap3A_57] {strides = array<i32>} : memref<640xf32, #tpu.memory_space<vmem>>, vector<16xf32>,
    %swap3A_59 = vector.shape_cast %swap3A_58 : vector<16xf32> to vector<16xf32>
    %swap3A_60 = vector.shape_cast %mul3A_56 : vector<16xf32> to vector<16xf32>
    tpu.vector_store %arg17[%swap3A_57], %swap3A_60 {strides = array<i32>} : memref<640xf32, #tpu.memory_space<vmem>>, vector<16xf32>,
    %add3A_61 = arith.addi %get3A_9, %sub3A_23 : vector<16xi32>
    %get3A_62 = arith.constant 16 : index
    %get3A_63 = tpu.vector_load %arg11[%get3A_62] {strides = array<i32>} : memref<640xi32, #tpu.memory_space<vmem>>, vector<16xi32>,
    %get3A_64 = vector.shape_cast %get3A_63 : vector<16xi32> to vector<16xi32>
    %sub3A_65 = arith.subi %get3A_64, %get3A_6 : vector<16xi32>
    %abs3A_66 = math.absi %sub3A_65 : vector<16xi32>
    %min3A_67 = arith.minsi %abs3A_66, %add3A_19 : vector<16xi32>
    %sub3A_68 = arith.subi %add3A_19, %min3A_67 : vector<16xi32>
    %mul3A_69 = arith.muli %sub3A_68, %add3A_61 : vector<16xi32>
    %sub3A_70 = arith.subi %add3A_19, %sub3A_68 : vector<16xi32>
    %mul3A_71 = arith.muli %sub3A_70, %add3A_15 : vector<16xi32>
    %add3A_72 = arith.addi %mul3A_69, %mul3A_71 : vector<16xi32>
    %swap3A_73 = arith.constant 0 : i32
    %swap3A_74 = arith.index_cast %swap3A_73 : i32 to index
    %swap3A_75 = arith.constant 16 : index
    %swap3A_76 = tpu.vector_load %arg20[%swap3A_74, %swap3A_75] {strides = array<i32>} : memref<5x128xi32, #tpu.memory_space<vmem>>, vector<1x16xi32>,
    %swap3A_77 = vector.shape_cast %swap3A_76 : vector<1x16xi32> to vector<16xi32>
    %swap3A_78 = vector.shape_cast %add3A_72 : vector<16xi32> to vector<1x16xi32>
    tpu.vector_store %arg20[%swap3A_74, %swap3A_75], %swap3A_78 {strides = array<i32>} : memref<5x128xi32, #tpu.memory_space<vmem>>, vector<1x16xi32>,
    %get3A_79 = arith.constant 16 : index
    %get3A_80 = tpu.vector_load %arg12[%get3A_79] {strides = array<i32>} : memref<640xf32, #tpu.memory_space<vmem>>, vector<16xf32>,
    %get3A_81 = vector.shape_cast %get3A_80 : vector<16xf32> to vector<16xf32>
    %get3A_82 = arith.constant 16 : index
    %get3A_83 = tpu.vector_load %arg14[%get3A_82] {strides = array<i32>} : memref<640xf32, #tpu.memory_space<vmem>>, vector<16xf32>,
    %get3A_84 = vector.shape_cast %get3A_83 : vector<16xf32> to vector<16xf32>
    %add3A_85 = arith.addf %get3A_81, %get3A_84 : vector<16xf32>
    %mul3A_86 = arith.constant 5.000000e-01 : f32
    %mul3A_87 = vector.broadcast %mul3A_86 : f32 to vector<16xf32>
    %mul3A_88 = arith.mulf %add3A_85, %mul3A_87 : vector<16xf32>
    %swap3A_89 = arith.constant 16 : index
    %swap3A_90 = tpu.vector_load %arg16[%swap3A_89] {strides = array<i32>} : memref<640xf32, #tpu.memory_space<vmem>>, vector<16xf32>,
    %swap3A_91 = vector.shape_cast %swap3A_90 : vector<16xf32> to vector<16xf32>
    %swap3A_92 = vector.shape_cast %mul3A_88 : vector<16xf32> to vector<16xf32>
    tpu.vector_store %arg16[%swap3A_89], %swap3A_92 {strides = array<i32>} : memref<640xf32, #tpu.memory_space<vmem>>, vector<16xf32>,
    %get3A_93 = arith.constant 16 : index
    %get3A_94 = tpu.vector_load %arg13[%get3A_93] {strides = array<i32>} : memref<640xf32, #tpu.memory_space<vmem>>, vector<16xf32>,
    %get3A_95 = vector.shape_cast %get3A_94 : vector<16xf32> to vector<16xf32>
    %get3A_96 = arith.constant 16 : index
    %get3A_97 = tpu.vector_load %arg15[%get3A_96] {strides = array<i32>} : memref<640xf32, #tpu.memory_space<vmem>>, vector<16xf32>,
    %get3A_98 = vector.shape_cast %get3A_97 : vector<16xf32> to vector<16xf32>
    %add3A_99 = arith.addf %get3A_95, %get3A_98 : vector<16xf32>
    %mul3A_100 = arith.constant 5.000000e-01 : f32
    %mul3A_101 = vector.broadcast %mul3A_100 : f32 to vector<16xf32>
    %mul3A_102 = arith.mulf %add3A_99, %mul3A_101 : vector<16xf32>
    %swap3A_103 = arith.constant 16 : index
    %swap3A_104 = tpu.vector_load %arg17[%swap3A_103] {strides = array<i32>} : memref<640xf32, #tpu.memory_space<vmem>>, vector<16xf32>,
    %swap3A_105 = vector.shape_cast %swap3A_104 : vector<16xf32> to vector<16xf32>
    %swap3A_106 = vector.shape_cast %mul3A_102 : vector<16xf32> to vector<16xf32>
    tpu.vector_store %arg17[%swap3A_103], %swap3A_106 {strides = array<i32>} : memref<640xf32, #tpu.memory_space<vmem>>, vector<16xf32>,
    %add3A_107 = arith.addi %add3A_61, %sub3A_68 : vector<16xi32>
    %get3A_108 = arith.constant 32 : index
    %get3A_109 = tpu.vector_load %arg11[%get3A_108] {strides = array<i32>} : memref<640xi32, #tpu.memory_space<vmem>>, vector<16xi32>,
    %get3A_110 = vector.shape_cast %get3A_109 : vector<16xi32> to vector<16xi32>
    %sub3A_111 = arith.subi %get3A_110, %get3A_6 : vector<16xi32>
    %abs3A_112 = math.absi %sub3A_111 : vector<16xi32>
    %min3A_113 = arith.minsi %abs3A_112, %add3A_19 : vector<16xi32>
    %sub3A_114 = arith.subi %add3A_19, %min3A_113 : vector<16xi32>
    %mul3A_115 = arith.muli %sub3A_114, %add3A_107 : vector<16xi32>
    %sub3A_116 = arith.subi %add3A_19, %sub3A_114 : vector<16xi32>
    %mul3A_117 = arith.muli %sub3A_116, %add3A_15 : vector<16xi32>
    %add3A_118 = arith.addi %mul3A_115, %mul3A_117 : vector<16xi32>
    %swap3A_119 = arith.constant 0 : i32
    %swap3A_120 = arith.index_cast %swap3A_119 : i32 to index
    %swap3A_121 = arith.constant 32 : index
    %swap3A_122 = tpu.vector_load %arg20[%swap3A_120, %swap3A_121] {strides = array<i32>} : memref<5x128xi32, #tpu.memory_space<vmem>>, vector<1x16xi32>,
    %swap3A_123 = vector.shape_cast %swap3A_122 : vector<1x16xi32> to vector<16xi32>
    %swap3A_124 = vector.shape_cast %add3A_118 : vector<16xi32> to vector<1x16xi32>
    tpu.vector_store %arg20[%swap3A_120, %swap3A_121], %swap3A_124 {strides = array<i32>} : memref<5x128xi32, #tpu.memory_space<vmem>>, vector<1x16xi32>,
    %get3A_125 = arith.constant 32 : index
    %get3A_126 = tpu.vector_load %arg12[%get3A_125] {strides = array<i32>} : memref<640xf32, #tpu.memory_space<vmem>>, vector<16xf32>,
    %get3A_127 = vector.shape_cast %get3A_126 : vector<16xf32> to vector<16xf32>
    %get3A_128 = arith.constant 32 : index
    %get3A_129 = tpu.vector_load %arg14[%get3A_128] {strides = array<i32>} : memref<640xf32, #tpu.memory_space<vmem>>, vector<16xf32>,
    %get3A_130 = vector.shape_cast %get3A_129 : vector<16xf32> to vector<16xf32>
    %add3A_131 = arith.addf %get3A_127, %get3A_130 : vector<16xf32>
    %mul3A_132 = arith.constant 5.000000e-01 : f32
    %mul3A_133 = vector.broadcast %mul3A_132 : f32 to vector<16xf32>
    %mul3A_134 = arith.mulf %add3A_131, %mul3A_133 : vector<16xf32>
    %swap3A_135 = arith.constant 32 : index
    %swap3A_136 = tpu.vector_load %arg16[%swap3A_135] {strides = array<i32>} : memref<640xf32, #tpu.memory_space<vmem>>, vector<16xf32>,
    %swap3A_137 = vector.shape_cast %swap3A_136 : vector<16xf32> to vector<16xf32>
    %swap3A_138 = vector.shape_cast %mul3A_134 : vector<16xf32> to vector<16xf32>
    tpu.vector_store %arg16[%swap3A_135], %swap3A_138 {strides = array<i32>} : memref<640xf32, #tpu.memory_space<vmem>>, vector<16xf32>,
    %get3A_139 = arith.constant 32 : index
    %get3A_140 = tpu.vector_load %arg13[%get3A_139] {strides = array<i32>} : memref<640xf32, #tpu.memory_space<vmem>>, vector<16xf32>,
    %get3A_141 = vector.shape_cast %get3A_140 : vector<16xf32> to vector<16xf32>
    %get3A_142 = arith.constant 32 : index
    %get3A_143 = tpu.vector_load %arg15[%get3A_142] {strides = array<i32>} : memref<640xf32, #tpu.memory_space<vmem>>, vector<16xf32>,
    %get3A_144 = vector.shape_cast %get3A_143 : vector<16xf32> to vector<16xf32>
    %add3A_145 = arith.addf %get3A_141, %get3A_144 : vector<16xf32>
    %mul3A_146 = arith.constant 5.000000e-01 : f32
    %mul3A_147 = vector.broadcast %mul3A_146 : f32 to vector<16xf32>
    %mul3A_148 = arith.mulf %add3A_145, %mul3A_147 : vector<16xf32>
    %swap3A_149 = arith.constant 32 : index
    %swap3A_150 = tpu.vector_load %arg17[%swap3A_149] {strides = array<i32>} : memref<640xf32, #tpu.memory_space<vmem>>, vector<16xf32>,
    %swap3A_151 = vector.shape_cast %swap3A_150 : vector<16xf32> to vector<16xf32>
    %swap3A_152 = vector.shape_cast %mul3A_148 : vector<16xf32> to vector<16xf32>
    tpu.vector_store %arg17[%swap3A_149], %swap3A_152 {strides = array<i32>} : memref<640xf32, #tpu.memory_space<vmem>>, vector<16xf32>,
    %add3A_153 = arith.addi %add3A_107, %sub3A_114 : vector<16xi32>
    %get3A_154 = arith.constant 48 : index
    %get3A_155 = tpu.vector_load %arg11[%get3A_154] {strides = array<i32>} : memref<640xi32, #tpu.memory_space<vmem>>, vector<16xi32>,
    %get3A_156 = vector.shape_cast %get3A_155 : vector<16xi32> to vector<16xi32>
    %sub3A_157 = arith.subi %get3A_156, %get3A_6 : vector<16xi32>
    %abs3A_158 = math.absi %sub3A_157 : vector<16xi32>
    %min3A_159 = arith.minsi %abs3A_158, %add3A_19 : vector<16xi32>
    %sub3A_160 = arith.subi %add3A_19, %min3A_159 : vector<16xi32>
    %mul3A_161 = arith.muli %sub3A_160, %add3A_153 : vector<16xi32>
    %sub3A_162 = arith.subi %add3A_19, %sub3A_160 : vector<16xi32>
    %mul3A_163 = arith.muli %sub3A_162, %add3A_15 : vector<16xi32>
    %add3A_164 = arith.addi %mul3A_161, %mul3A_163 : vector<16xi32>
    %swap3A_165 = arith.constant 0 : i32
    %swap3A_166 = arith.index_cast %swap3A_165 : i32 to index
    %swap3A_167 = arith.constant 48 : index
    %swap3A_168 = tpu.vector_load %arg20[%swap3A_166, %swap3A_167] {strides = array<i32>} : memref<5x128xi32, #tpu.memory_space<vmem>>, vector<1x16xi32>,
    %swap3A_169 = vector.shape_cast %swap3A_168 : vector<1x16xi32> to vector<16xi32>
    %swap3A_170 = vector.shape_cast %add3A_164 : vector<16xi32> to vector<1x16xi32>
    tpu.vector_store %arg20[%swap3A_166, %swap3A_167], %swap3A_170 {strides = array<i32>} : memref<5x128xi32, #tpu.memory_space<vmem>>, vector<1x16xi32>,
    %get3A_171 = arith.constant 48 : index
    %get3A_172 = tpu.vector_load %arg12[%get3A_171] {strides = array<i32>} : memref<640xf32, #tpu.memory_space<vmem>>, vector<16xf32>,
    %get3A_173 = vector.shape_cast %get3A_172 : vector<16xf32> to vector<16xf32>
    %get3A_174 = arith.constant 48 : index
    %get3A_175 = tpu.vector_load %arg14[%get3A_174] {strides = array<i32>} : memref<640xf32, #tpu.memory_space<vmem>>, vector<16xf32>,
    %get3A_176 = vector.shape_cast %get3A_175 : vector<16xf32> to vector<16xf32>
    %add3A_177 = arith.addf %get3A_173, %get3A_176 : vector<16xf32>
    %mul3A_178 = arith.constant 5.000000e-01 : f32
    %mul3A_179 = vector.broadcast %mul3A_178 : f32 to vector<16xf32>
    %mul3A_180 = arith.mulf %add3A_177, %mul3A_179 : vector<16xf32>
    %swap3A_181 = arith.constant 48 : index
    %swap3A_182 = tpu.vector_load %arg16[%swap3A_181] {strides = array<i32>} : memref<640xf32, #tpu.memory_space<vmem>>, vector<16xf32>,
    %swap3A_183 = vector.shape_cast %swap3A_182 : vector<16xf32> to vector<16xf32>
    %swap3A_184 = vector.shape_cast %mul3A_180 : vector<16xf32> to vector<16xf32>
    tpu.vector_store %arg16[%swap3A_181], %swap3A_184 {strides = array<i32>} : memref<640xf32, #tpu.memory_space<vmem>>, vector<16xf32>,
    %get3A_185 = arith.constant 48 : index
    %get3A_186 = tpu.vector_load %arg13[%get3A_185] {strides = array<i32>} : memref<640xf32, #tpu.memory_space<vmem>>, vector<16xf32>,
    %get3A_187 = vector.shape_cast %get3A_186 : vector<16xf32> to vector<16xf32>
    %get3A_188 = arith.constant 48 : index
    %get3A_189 = tpu.vector_load %arg15[%get3A_188] {strides = array<i32>} : memref<640xf32, #tpu.memory_space<vmem>>, vector<16xf32>,
    %get3A_190 = vector.shape_cast %get3A_189 : vector<16xf32> to vector<16xf32>
    %add3A_191 = arith.addf %get3A_187, %get3A_190 : vector<16xf32>
    %mul3A_192 = arith.constant 5.000000e-01 : f32
    %mul3A_193 = vector.broadcast %mul3A_192 : f32 to vector<16xf32>
    %mul3A_194 = arith.mulf %add3A_191, %mul3A_193 : vector<16xf32>
    %swap3A_195 = arith.constant 48 : index
    %swap3A_196 = tpu.vector_load %arg17[%swap3A_195] {strides = array<i32>} : memref<640xf32, #tpu.memory_space<vmem>>, vector<16xf32>,
    %swap3A_197 = vector.shape_cast %swap3A_196 : vector<16xf32> to vector<16xf32>
    %swap3A_198 = vector.shape_cast %mul3A_194 : vector<16xf32> to vector<16xf32>
    tpu.vector_store %arg17[%swap3A_195], %swap3A_198 {strides = array<i32>} : memref<640xf32, #tpu.memory_space<vmem>>, vector<16xf32>,
    %add3A_199 = arith.addi %add3A_153, %sub3A_160 : vector<16xi32>
    %get3A_200 = arith.constant 64 : index
    %get3A_201 = tpu.vector_load %arg11[%get3A_200] {strides = array<i32>} : memref<640xi32, #tpu.memory_space<vmem>>, vector<16xi32>,
    %get3A_202 = vector.shape_cast %get3A_201 : vector<16xi32> to vector<16xi32>
    %sub3A_203 = arith.subi %get3A_202, %get3A_6 : vector<16xi32>
    %abs3A_204 = math.absi %sub3A_203 : vector<16xi32>
    %min3A_205 = arith.minsi %abs3A_204, %add3A_19 : vector<16xi32>
    %sub3A_206 = arith.subi %add3A_19, %min3A_205 : vector<16xi32>
    %mul3A_207 = arith.muli %sub3A_206, %add3A_199 : vector<16xi32>
    %sub3A_208 = arith.subi %add3A_19, %sub3A_206 : vector<16xi32>
    %mul3A_209 = arith.muli %sub3A_208, %add3A_15 : vector<16xi32>
    %add3A_210 = arith.addi %mul3A_207, %mul3A_209 : vector<16xi32>
    %swap3A_211 = arith.constant 0 : i32
    %swap3A_212 = arith.index_cast %swap3A_211 : i32 to index
    %swap3A_213 = arith.constant 64 : index
    %swap3A_214 = tpu.vector_load %arg20[%swap3A_212, %swap3A_213] {strides = array<i32>} : memref<5x128xi32, #tpu.memory_space<vmem>>, vector<1x16xi32>,
    %swap3A_215 = vector.shape_cast %swap3A_214 : vector<1x16xi32> to vector<16xi32>
    %swap3A_216 = vector.shape_cast %add3A_210 : vector<16xi32> to vector<1x16xi32>
    tpu.vector_store %arg20[%swap3A_212, %swap3A_213], %swap3A_216 {strides = array<i32>} : memref<5x128xi32, #tpu.memory_space<vmem>>, vector<1x16xi32>,
    %get3A_217 = arith.constant 64 : index
    %get3A_218 = tpu.vector_load %arg12[%get3A_217] {strides = array<i32>} : memref<640xf32, #tpu.memory_space<vmem>>, vector<16xf32>,
    %get3A_219 = vector.shape_cast %get3A_218 : vector<16xf32> to vector<16xf32>
    %get3A_220 = arith.constant 64 : index
    %get3A_221 = tpu.vector_load %arg14[%get3A_220] {strides = array<i32>} : memref<640xf32, #tpu.memory_space<vmem>>, vector<16xf32>,
    %get3A_222 = vector.shape_cast %get3A_221 : vector<16xf32> to vector<16xf32>
    %add3A_223 = arith.addf %get3A_219, %get3A_222 : vector<16xf32>
    %mul3A_224 = arith.constant 5.000000e-01 : f32
    %mul3A_225 = vector.broadcast %mul3A_224 : f32 to vector<16xf32>
    %mul3A_226 = arith.mulf %add3A_223, %mul3A_225 : vector<16xf32>
    %swap3A_227 = arith.constant 64 : index
    %swap3A_228 = tpu.vector_load %arg16[%swap3A_227] {strides = array<i32>} : memref<640xf32, #tpu.memory_space<vmem>>, vector<16xf32>,
    %swap3A_229 = vector.shape_cast %swap3A_228 : vector<16xf32> to vector<16xf32>
    %swap3A_230 = vector.shape_cast %mul3A_226 : vector<16xf32> to vector<16xf32>
    tpu.vector_store %arg16[%swap3A_227], %swap3A_230 {strides = array<i32>} : memref<640xf32, #tpu.memory_space<vmem>>, vector<16xf32>,
    %get3A_231 = arith.constant 64 : index
    %get3A_232 = tpu.vector_load %arg13[%get3A_231] {strides = array<i32>} : memref<640xf32, #tpu.memory_space<vmem>>, vector<16xf32>,
    %get3A_233 = vector.shape_cast %get3A_232 : vector<16xf32> to vector<16xf32>
    %get3A_234 = arith.constant 64 : index
    %get3A_235 = tpu.vector_load %arg15[%get3A_234] {strides = array<i32>} : memref<640xf32, #tpu.memory_space<vmem>>, vector<16xf32>,
    %get3A_236 = vector.shape_cast %get3A_235 : vector<16xf32> to vector<16xf32>
    %add3A_237 = arith.addf %get3A_233, %get3A_236 : vector<16xf32>
    %mul3A_238 = arith.constant 5.000000e-01 : f32
    %mul3A_239 = vector.broadcast %mul3A_238 : f32 to vector<16xf32>
    %mul3A_240 = arith.mulf %add3A_237, %mul3A_239 : vector<16xf32>
    %swap3A_241 = arith.constant 64 : index
    %swap3A_242 = tpu.vector_load %arg17[%swap3A_241] {strides = array<i32>} : memref<640xf32, #tpu.memory_space<vmem>>, vector<16xf32>,
    %swap3A_243 = vector.shape_cast %swap3A_242 : vector<16xf32> to vector<16xf32>
    %swap3A_244 = vector.shape_cast %mul3A_240 : vector<16xf32> to vector<16xf32>
    tpu.vector_store %arg17[%swap3A_241], %swap3A_244 {strides = array<i32>} : memref<640xf32, #tpu.memory_space<vmem>>, vector<16xf32>,
    %add3A_245 = arith.addi %add3A_199, %sub3A_206 : vector<16xi32>
    %get3A_246 = arith.constant 80 : index
    %get3A_247 = tpu.vector_load %arg11[%get3A_246] {strides = array<i32>} : memref<640xi32, #tpu.memory_space<vmem>>, vector<16xi32>,
    %get3A_248 = vector.shape_cast %get3A_247 : vector<16xi32> to vector<16xi32>
    %sub3A_249 = arith.subi %get3A_248, %get3A_6 : vector<16xi32>
    %abs3A_250 = math.absi %sub3A_249 : vector<16xi32>
    %min3A_251 = arith.minsi %abs3A_250, %add3A_19 : vector<16xi32>
    %sub3A_252 = arith.subi %add3A_19, %min3A_251 : vector<16xi32>
    %mul3A_253 = arith.muli %sub3A_252, %add3A_245 : vector<16xi32>
    %sub3A_254 = arith.subi %add3A_19, %sub3A_252 : vector<16xi32>
    %mul3A_255 = arith.muli %sub3A_254, %add3A_15 : vector<16xi32>
    %add3A_256 = arith.addi %mul3A_253, %mul3A_255 : vector<16xi32>
    %swap3A_257 = arith.constant 0 : i32
    %swap3A_258 = arith.index_cast %swap3A_257 : i32 to index
    %swap3A_259 = arith.constant 80 : index
    %swap3A_260 = tpu.vector_load %arg20[%swap3A_258, %swap3A_259] {strides = array<i32>} : memref<5x128xi32, #tpu.memory_space<vmem>>, vector<1x16xi32>,
    %swap3A_261 = vector.shape_cast %swap3A_260 : vector<1x16xi32> to vector<16xi32>
    %swap3A_262 = vector.shape_cast %add3A_256 : vector<16xi32> to vector<1x16xi32>
    tpu.vector_store %arg20[%swap3A_258, %swap3A_259], %swap3A_262 {strides = array<i32>} : memref<5x128xi32, #tpu.memory_space<vmem>>, vector<1x16xi32>,
    %get3A_263 = arith.constant 80 : index
    %get3A_264 = tpu.vector_load %arg12[%get3A_263] {strides = array<i32>} : memref<640xf32, #tpu.memory_space<vmem>>, vector<16xf32>,
    %get3A_265 = vector.shape_cast %get3A_264 : vector<16xf32> to vector<16xf32>
    %get3A_266 = arith.constant 80 : index
    %get3A_267 = tpu.vector_load %arg14[%get3A_266] {strides = array<i32>} : memref<640xf32, #tpu.memory_space<vmem>>, vector<16xf32>,
    %get3A_268 = vector.shape_cast %get3A_267 : vector<16xf32> to vector<16xf32>
    %add3A_269 = arith.addf %get3A_265, %get3A_268 : vector<16xf32>
    %mul3A_270 = arith.constant 5.000000e-01 : f32
    %mul3A_271 = vector.broadcast %mul3A_270 : f32 to vector<16xf32>
    %mul3A_272 = arith.mulf %add3A_269, %mul3A_271 : vector<16xf32>
    %swap3A_273 = arith.constant 80 : index
    %swap3A_274 = tpu.vector_load %arg16[%swap3A_273] {strides = array<i32>} : memref<640xf32, #tpu.memory_space<vmem>>, vector<16xf32>,
    %swap3A_275 = vector.shape_cast %swap3A_274 : vector<16xf32> to vector<16xf32>
    %swap3A_276 = vector.shape_cast %mul3A_272 : vector<16xf32> to vector<16xf32>
    tpu.vector_store %arg16[%swap3A_273], %swap3A_276 {strides = array<i32>} : memref<640xf32, #tpu.memory_space<vmem>>, vector<16xf32>,
    %get3A_277 = arith.constant 80 : index
    %get3A_278 = tpu.vector_load %arg13[%get3A_277] {strides = array<i32>} : memref<640xf32, #tpu.memory_space<vmem>>, vector<16xf32>,
    %get3A_279 = vector.shape_cast %get3A_278 : vector<16xf32> to vector<16xf32>
    %get3A_280 = arith.constant 80 : index
    %get3A_281 = tpu.vector_load %arg15[%get3A_280] {strides = array<i32>} : memref<640xf32, #tpu.memory_space<vmem>>, vector<16xf32>,
    %get3A_282 = vector.shape_cast %get3A_281 : vector<16xf32> to vector<16xf32>
    %add3A_283 = arith.addf %get3A_279, %get3A_282 : vector<16xf32>
    %mul3A_284 = arith.constant 5.000000e-01 : f32
    %mul3A_285 = vector.broadcast %mul3A_284 : f32 to vector<16xf32>
    %mul3A_286 = arith.mulf %add3A_283, %mul3A_285 : vector<16xf32>
    %swap3A_287 = arith.constant 80 : index
    %swap3A_288 = tpu.vector_load %arg17[%swap3A_287] {strides = array<i32>} : memref<640xf32, #tpu.memory_space<vmem>>, vector<16xf32>,
    %swap3A_289 = vector.shape_cast %swap3A_288 : vector<16xf32> to vector<16xf32>
    %swap3A_290 = vector.shape_cast %mul3A_286 : vector<16xf32> to vector<16xf32>
    tpu.vector_store %arg17[%swap3A_287], %swap3A_290 {strides = array<i32>} : memref<640xf32, #tpu.memory_space<vmem>>, vector<16xf32>,
    %add3A_291 = arith.addi %add3A_245, %sub3A_252 : vector<16xi32>
    %get3A_292 = arith.constant 96 : index
    %get3A_293 = tpu.vector_load %arg11[%get3A_292] {strides = array<i32>} : memref<640xi32, #tpu.memory_space<vmem>>, vector<16xi32>,
    %get3A_294 = vector.shape_cast %get3A_293 : vector<16xi32> to vector<16xi32>
    %sub3A_295 = arith.subi %get3A_294, %get3A_6 : vector<16xi32>
    %abs3A_296 = math.absi %sub3A_295 : vector<16xi32>
    %min3A_297 = arith.minsi %abs3A_296, %add3A_19 : vector<16xi32>
    %sub3A_298 = arith.subi %add3A_19, %min3A_297 : vector<16xi32>
    %mul3A_299 = arith.muli %sub3A_298, %add3A_291 : vector<16xi32>
    %sub3A_300 = arith.subi %add3A_19, %sub3A_298 : vector<16xi32>
    %mul3A_301 = arith.muli %sub3A_300, %add3A_15 : vector<16xi32>
    %add3A_302 = arith.addi %mul3A_299, %mul3A_301 : vector<16xi32>
    %swap3A_303 = arith.constant 0 : i32
    %swap3A_304 = arith.index_cast %swap3A_303 : i32 to index
    %swap3A_305 = arith.constant 96 : index
    %swap3A_306 = tpu.vector_load %arg20[%swap3A_304, %swap3A_305] {strides = array<i32>} : memref<5x128xi32, #tpu.memory_space<vmem>>, vector<1x16xi32>,
    %swap3A_307 = vector.shape_cast %swap3A_306 : vector<1x16xi32> to vector<16xi32>
    %swap3A_308 = vector.shape_cast %add3A_302 : vector<16xi32> to vector<1x16xi32>
    tpu.vector_store %arg20[%swap3A_304, %swap3A_305], %swap3A_308 {strides = array<i32>} : memref<5x128xi32, #tpu.memory_space<vmem>>, vector<1x16xi32>,
    %get3A_309 = arith.constant 96 : index
    %get3A_310 = tpu.vector_load %arg12[%get3A_309] {strides = array<i32>} : memref<640xf32, #tpu.memory_space<vmem>>, vector<16xf32>,
    %get3A_311 = vector.shape_cast %get3A_310 : vector<16xf32> to vector<16xf32>
    %get3A_312 = arith.constant 96 : index
    %get3A_313 = tpu.vector_load %arg14[%get3A_312] {strides = array<i32>} : memref<640xf32, #tpu.memory_space<vmem>>, vector<16xf32>,
    %get3A_314 = vector.shape_cast %get3A_313 : vector<16xf32> to vector<16xf32>
    %add3A_315 = arith.addf %get3A_311, %get3A_314 : vector<16xf32>
    %mul3A_316 = arith.constant 5.000000e-01 : f32
    %mul3A_317 = vector.broadcast %mul3A_316 : f32 to vector<16xf32>
    %mul3A_318 = arith.mulf %add3A_315, %mul3A_317 : vector<16xf32>
    %swap3A_319 = arith.constant 96 : index
    %swap3A_320 = tpu.vector_load %arg16[%swap3A_319] {strides = array<i32>} : memref<640xf32, #tpu.memory_space<vmem>>, vector<16xf32>,
    %swap3A_321 = vector.shape_cast %swap3A_320 : vector<16xf32> to vector<16xf32>
    %swap3A_322 = vector.shape_cast %mul3A_318 : vector<16xf32> to vector<16xf32>
    tpu.vector_store %arg16[%swap3A_319], %swap3A_322 {strides = array<i32>} : memref<640xf32, #tpu.memory_space<vmem>>, vector<16xf32>,
    %get3A_323 = arith.constant 96 : index
    %get3A_324 = tpu.vector_load %arg13[%get3A_323] {strides = array<i32>} : memref<640xf32, #tpu.memory_space<vmem>>, vector<16xf32>,
    %get3A_325 = vector.shape_cast %get3A_324 : vector<16xf32> to vector<16xf32>
    %get3A_326 = arith.constant 96 : index
    %get3A_327 = tpu.vector_load %arg15[%get3A_326] {strides = array<i32>} : memref<640xf32, #tpu.memory_space<vmem>>, vector<16xf32>,
    %get3A_328 = vector.shape_cast %get3A_327 : vector<16xf32> to vector<16xf32>
    %add3A_329 = arith.addf %get3A_325, %get3A_328 : vector<16xf32>
    %mul3A_330 = arith.constant 5.000000e-01 : f32
    %mul3A_331 = vector.broadcast %mul3A_330 : f32 to vector<16xf32>
    %mul3A_332 = arith.mulf %add3A_329, %mul3A_331 : vector<16xf32>
    %swap3A_333 = arith.constant 96 : index
    %swap3A_334 = tpu.vector_load %arg17[%swap3A_333] {strides = array<i32>} : memref<640xf32, #tpu.memory_space<vmem>>, vector<16xf32>,
    %swap3A_335 = vector.shape_cast %swap3A_334 : vector<16xf32> to vector<16xf32>
    %swap3A_336 = vector.shape_cast %mul3A_332 : vector<16xf32> to vector<16xf32>
    tpu.vector_store %arg17[%swap3A_333], %swap3A_336 {strides = array<i32>} : memref<640xf32, #tpu.memory_space<vmem>>, vector<16xf32>,
    %add3A_337 = arith.addi %add3A_291, %sub3A_298 : vector<16xi32>
    %get3A_338 = arith.constant 112 : index
    %get3A_339 = tpu.vector_load %arg11[%get3A_338] {strides = array<i32>} : memref<640xi32, #tpu.memory_space<vmem>>, vector<16xi32>,
    %get3A_340 = vector.shape_cast %get3A_339 : vector<16xi32> to vector<16xi32>
    %sub3A_341 = arith.subi %get3A_340, %get3A_6 : vector<16xi32>
    %abs3A_342 = math.absi %sub3A_341 : vector<16xi32>
    %min3A_343 = arith.minsi %abs3A_342, %add3A_19 : vector<16xi32>
    %sub3A_344 = arith.subi %add3A_19, %min3A_343 : vector<16xi32>
    %mul3A_345 = arith.muli %sub3A_344, %add3A_337 : vector<16xi32>
    %sub3A_346 = arith.subi %add3A_19, %sub3A_344 : vector<16xi32>
    %mul3A_347 = arith.muli %sub3A_346, %add3A_15 : vector<16xi32>
    %add3A_348 = arith.addi %mul3A_345, %mul3A_347 : vector<16xi32>
    %swap3A_349 = arith.constant 0 : i32
    %swap3A_350 = arith.index_cast %swap3A_349 : i32 to index
    %swap3A_351 = arith.constant 112 : index
    %swap3A_352 = tpu.vector_load %arg20[%swap3A_350, %swap3A_351] {strides = array<i32>} : memref<5x128xi32, #tpu.memory_space<vmem>>, vector<1x16xi32>,
    %swap3A_353 = vector.shape_cast %swap3A_352 : vector<1x16xi32> to vector<16xi32>
    %swap3A_354 = vector.shape_cast %add3A_348 : vector<16xi32> to vector<1x16xi32>
    tpu.vector_store %arg20[%swap3A_350, %swap3A_351], %swap3A_354 {strides = array<i32>} : memref<5x128xi32, #tpu.memory_space<vmem>>, vector<1x16xi32>,
    %get3A_355 = arith.constant 112 : index
    %get3A_356 = tpu.vector_load %arg12[%get3A_355] {strides = array<i32>} : memref<640xf32, #tpu.memory_space<vmem>>, vector<16xf32>,
    %get3A_357 = vector.shape_cast %get3A_356 : vector<16xf32> to vector<16xf32>
    %get3A_358 = arith.constant 112 : index
    %get3A_359 = tpu.vector_load %arg14[%get3A_358] {strides = array<i32>} : memref<640xf32, #tpu.memory_space<vmem>>, vector<16xf32>,
    %get3A_360 = vector.shape_cast %get3A_359 : vector<16xf32> to vector<16xf32>
    %add3A_361 = arith.addf %get3A_357, %get3A_360 : vector<16xf32>
    %mul3A_362 = arith.constant 5.000000e-01 : f32
    %mul3A_363 = vector.broadcast %mul3A_362 : f32 to vector<16xf32>
    %mul3A_364 = arith.mulf %add3A_361, %mul3A_363 : vector<16xf32>
    %swap3A_365 = arith.constant 112 : index
    %swap3A_366 = tpu.vector_load %arg16[%swap3A_365] {strides = array<i32>} : memref<640xf32, #tpu.memory_space<vmem>>, vector<16xf32>,
    %swap3A_367 = vector.shape_cast %swap3A_366 : vector<16xf32> to vector<16xf32>
    %swap3A_368 = vector.shape_cast %mul3A_364 : vector<16xf32> to vector<16xf32>
    tpu.vector_store %arg16[%swap3A_365], %swap3A_368 {strides = array<i32>} : memref<640xf32, #tpu.memory_space<vmem>>, vector<16xf32>,
    %get3A_369 = arith.constant 112 : index
    %get3A_370 = tpu.vector_load %arg13[%get3A_369] {strides = array<i32>} : memref<640xf32, #tpu.memory_space<vmem>>, vector<16xf32>,
    %get3A_371 = vector.shape_cast %get3A_370 : vector<16xf32> to vector<16xf32>
    %get3A_372 = arith.constant 112 : index
    %get3A_373 = tpu.vector_load %arg15[%get3A_372] {strides = array<i32>} : memref<640xf32, #tpu.memory_space<vmem>>, vector<16xf32>,
    %get3A_374 = vector.shape_cast %get3A_373 : vector<16xf32> to vector<16xf32>
    %add3A_375 = arith.addf %get3A_371, %get3A_374 : vector<16xf32>
    %mul3A_376 = arith.constant 5.000000e-01 : f32
    %mul3A_377 = vector.broadcast %mul3A_376 : f32 to vector<16xf32>
    %mul3A_378 = arith.mulf %add3A_375, %mul3A_377 : vector<16xf32>
    %swap3A_379 = arith.constant 112 : index
    %swap3A_380 = tpu.vector_load %arg17[%swap3A_379] {strides = array<i32>} : memref<640xf32, #tpu.memory_space<vmem>>, vector<16xf32>,
    %swap3A_381 = vector.shape_cast %swap3A_380 : vector<16xf32> to vector<16xf32>
    %swap3A_382 = vector.shape_cast %mul3A_378 : vector<16xf32> to vector<16xf32>
    tpu.vector_store %arg17[%swap3A_379], %swap3A_382 {strides = array<i32>} : memref<640xf32, #tpu.memory_space<vmem>>, vector<16xf32>,
    %add3A_383 = arith.addi %add3A_337, %sub3A_344 : vector<16xi32>
    %get3A_384 = arith.constant 128 : index
    %get3A_385 = tpu.vector_load %arg11[%get3A_384] {strides = array<i32>} : memref<640xi32, #tpu.memory_space<vmem>>, vector<16xi32>,
    %get3A_386 = vector.shape_cast %get3A_385 : vector<16xi32> to vector<16xi32>
    %sub3A_387 = arith.subi %get3A_386, %get3A_6 : vector<16xi32>
    %abs3A_388 = math.absi %sub3A_387 : vector<16xi32>
    %min3A_389 = arith.minsi %abs3A_388, %add3A_19 : vector<16xi32>
    %sub3A_390 = arith.subi %add3A_19, %min3A_389 : vector<16xi32>
    %mul3A_391 = arith.muli %sub3A_390, %add3A_383 : vector<16xi32>
    %sub3A_392 = arith.subi %add3A_19, %sub3A_390 : vector<16xi32>
    %mul3A_393 = arith.muli %sub3A_392, %add3A_15 : vector<16xi32>
    %add3A_394 = arith.addi %mul3A_391, %mul3A_393 : vector<16xi32>
    %swap3A_395 = arith.constant 1 : i32
    %swap3A_396 = arith.index_cast %swap3A_395 : i32 to index
    %swap3A_397 = arith.constant 0 : index
    %swap3A_398 = tpu.vector_load %arg20[%swap3A_396, %swap3A_397] {strides = array<i32>} : memref<5x128xi32, #tpu.memory_space<vmem>>, vector<1x16xi32>,
    %swap3A_399 = vector.shape_cast %swap3A_398 : vector<1x16xi32> to vector<16xi32>
    %swap3A_400 = vector.shape_cast %add3A_394 : vector<16xi32> to vector<1x16xi32>
    tpu.vector_store %arg20[%swap3A_396, %swap3A_397], %swap3A_400 {strides = array<i32>} : memref<5x128xi32, #tpu.memory_space<vmem>>, vector<1x16xi32>,
    %get3A_401 = arith.constant 128 : index
    %get3A_402 = tpu.vector_load %arg12[%get3A_401] {strides = array<i32>} : memref<640xf32, #tpu.memory_space<vmem>>, vector<16xf32>,
    %get3A_403 = vector.shape_cast %get3A_402 : vector<16xf32> to vector<16xf32>
    %get3A_404 = arith.constant 128 : index
    %get3A_405 = tpu.vector_load %arg14[%get3A_404] {strides = array<i32>} : memref<640xf32, #tpu.memory_space<vmem>>, vector<16xf32>,
    %get3A_406 = vector.shape_cast %get3A_405 : vector<16xf32> to vector<16xf32>
    %add3A_407 = arith.addf %get3A_403, %get3A_406 : vector<16xf32>
    %mul3A_408 = arith.constant 5.000000e-01 : f32
    %mul3A_409 = vector.broadcast %mul3A_408 : f32 to vector<16xf32>
    %mul3A_410 = arith.mulf %add3A_407, %mul3A_409 : vector<16xf32>
    %swap3A_411 = arith.constant 128 : index
    %swap3A_412 = tpu.vector_load %arg16[%swap3A_411] {strides = array<i32>} : memref<640xf32, #tpu.memory_space<vmem>>, vector<16xf32>,
    %swap3A_413 = vector.shape_cast %swap3A_412 : vector<16xf32> to vector<16xf32>
    %swap3A_414 = vector.shape_cast %mul3A_410 : vector<16xf32> to vector<16xf32>
    tpu.vector_store %arg16[%swap3A_411], %swap3A_414 {strides = array<i32>} : memref<640xf32, #tpu.memory_space<vmem>>, vector<16xf32>,
    %get3A_415 = arith.constant 128 : index
    %get3A_416 = tpu.vector_load %arg13[%get3A_415] {strides = array<i32>} : memref<640xf32, #tpu.memory_space<vmem>>, vector<16xf32>,
    %get3A_417 = vector.shape_cast %get3A_416 : vector<16xf32> to vector<16xf32>
    %get3A_418 = arith.constant 128 : index
    %get3A_419 = tpu.vector_load %arg15[%get3A_418] {strides = array<i32>} : memref<640xf32, #tpu.memory_space<vmem>>, vector<16xf32>,
    %get3A_420 = vector.shape_cast %get3A_419 : vector<16xf32> to vector<16xf32>
    %add3A_421 = arith.addf %get3A_417, %get3A_420 : vector<16xf32>
    %mul3A_422 = arith.constant 5.000000e-01 : f32
    %mul3A_423 = vector.broadcast %mul3A_422 : f32 to vector<16xf32>
    %mul3A_424 = arith.mulf %add3A_421, %mul3A_423 : vector<16xf32>
    %swap3A_425 = arith.constant 128 : index
    %swap3A_426 = tpu.vector_load %arg17[%swap3A_425] {strides = array<i32>} : memref<640xf32, #tpu.memory_space<vmem>>, vector<16xf32>,
    %swap3A_427 = vector.shape_cast %swap3A_426 : vector<16xf32> to vector<16xf32>
    %swap3A_428 = vector.shape_cast %mul3A_424 : vector<16xf32> to vector<16xf32>
    tpu.vector_store %arg17[%swap3A_425], %swap3A_428 {strides = array<i32>} : memref<640xf32, #tpu.memory_space<vmem>>, vector<16xf32>,
    %add3A_429 = arith.addi %add3A_383, %sub3A_390 : vector<16xi32>
    %get3A_430 = arith.constant 144 : index
    %get3A_431 = tpu.vector_load %arg11[%get3A_430] {strides = array<i32>} : memref<640xi32, #tpu.memory_space<vmem>>, vector<16xi32>,
    %get3A_432 = vector.shape_cast %get3A_431 : vector<16xi32> to vector<16xi32>
    %sub3A_433 = arith.subi %get3A_432, %get3A_6 : vector<16xi32>
    %abs3A_434 = math.absi %sub3A_433 : vector<16xi32>
    %min3A_435 = arith.minsi %abs3A_434, %add3A_19 : vector<16xi32>
    %sub3A_436 = arith.subi %add3A_19, %min3A_435 : vector<16xi32>
    %mul3A_437 = arith.muli %sub3A_436, %add3A_429 : vector<16xi32>
    %sub3A_438 = arith.subi %add3A_19, %sub3A_436 : vector<16xi32>
    %mul3A_439 = arith.muli %sub3A_438, %add3A_15 : vector<16xi32>
    %add3A_440 = arith.addi %mul3A_437, %mul3A_439 : vector<16xi32>
    %swap3A_441 = arith.constant 1 : i32
    %swap3A_442 = arith.index_cast %swap3A_441 : i32 to index
    %swap3A_443 = arith.constant 16 : index
    %swap3A_444 = tpu.vector_load %arg20[%swap3A_442, %swap3A_443] {strides = array<i32>} : memref<5x128xi32, #tpu.memory_space<vmem>>, vector<1x16xi32>,
    %swap3A_445 = vector.shape_cast %swap3A_444 : vector<1x16xi32> to vector<16xi32>
    %swap3A_446 = vector.shape_cast %add3A_440 : vector<16xi32> to vector<1x16xi32>
    tpu.vector_store %arg20[%swap3A_442, %swap3A_443], %swap3A_446 {strides = array<i32>} : memref<5x128xi32, #tpu.memory_space<vmem>>, vector<1x16xi32>,
    %get3A_447 = arith.constant 144 : index
    %get3A_448 = tpu.vector_load %arg12[%get3A_447] {strides = array<i32>} : memref<640xf32, #tpu.memory_space<vmem>>, vector<16xf32>,
    %get3A_449 = vector.shape_cast %get3A_448 : vector<16xf32> to vector<16xf32>
    %get3A_450 = arith.constant 144 : index
    %get3A_451 = tpu.vector_load %arg14[%get3A_450] {strides = array<i32>} : memref<640xf32, #tpu.memory_space<vmem>>, vector<16xf32>,
    %get3A_452 = vector.shape_cast %get3A_451 : vector<16xf32> to vector<16xf32>
    %add3A_453 = arith.addf %get3A_449, %get3A_452 : vector<16xf32>
    %mul3A_454 = arith.constant 5.000000e-01 : f32
    %mul3A_455 = vector.broadcast %mul3A_454 : f32 to vector<16xf32>
    %mul3A_456 = arith.mulf %add3A_453, %mul3A_455 : vector<16xf32>
    %swap3A_457 = arith.constant 144 : index
    %swap3A_458 = tpu.vector_load %arg16[%swap3A_457] {strides = array<i32>} : memref<640xf32, #tpu.memory_space<vmem>>, vector<16xf32>,
    %swap3A_459 = vector.shape_cast %swap3A_458 : vector<16xf32> to vector<16xf32>
    %swap3A_460 = vector.shape_cast %mul3A_456 : vector<16xf32> to vector<16xf32>
    tpu.vector_store %arg16[%swap3A_457], %swap3A_460 {strides = array<i32>} : memref<640xf32, #tpu.memory_space<vmem>>, vector<16xf32>,
    %get3A_461 = arith.constant 144 : index
    %get3A_462 = tpu.vector_load %arg13[%get3A_461] {strides = array<i32>} : memref<640xf32, #tpu.memory_space<vmem>>, vector<16xf32>,
    %get3A_463 = vector.shape_cast %get3A_462 : vector<16xf32> to vector<16xf32>
    %get3A_464 = arith.constant 144 : index
    %get3A_465 = tpu.vector_load %arg15[%get3A_464] {strides = array<i32>} : memref<640xf32, #tpu.memory_space<vmem>>, vector<16xf32>,
    %get3A_466 = vector.shape_cast %get3A_465 : vector<16xf32> to vector<16xf32>
    %add3A_467 = arith.addf %get3A_463, %get3A_466 : vector<16xf32>
    %mul3A_468 = arith.constant 5.000000e-01 : f32
    %mul3A_469 = vector.broadcast %mul3A_468 : f32 to vector<16xf32>
    %mul3A_470 = arith.mulf %add3A_467, %mul3A_469 : vector<16xf32>
    %swap3A_471 = arith.constant 144 : index
    %swap3A_472 = tpu.vector_load %arg17[%swap3A_471] {strides = array<i32>} : memref<640xf32, #tpu.memory_space<vmem>>, vector<16xf32>,
    %swap3A_473 = vector.shape_cast %swap3A_472 : vector<16xf32> to vector<16xf32>
    %swap3A_474 = vector.shape_cast %mul3A_470 : vector<16xf32> to vector<16xf32>
    tpu.vector_store %arg17[%swap3A_471], %swap3A_474 {strides = array<i32>} : memref<640xf32, #tpu.memory_space<vmem>>, vector<16xf32>,
    %add3A_475 = arith.addi %add3A_429, %sub3A_436 : vector<16xi32>
    %get3A_476 = arith.constant 160 : index
    %get3A_477 = tpu.vector_load %arg11[%get3A_476] {strides = array<i32>} : memref<640xi32, #tpu.memory_space<vmem>>, vector<16xi32>,
    %get3A_478 = vector.shape_cast %get3A_477 : vector<16xi32> to vector<16xi32>
    %sub3A_479 = arith.subi %get3A_478, %get3A_6 : vector<16xi32>
    %abs3A_480 = math.absi %sub3A_479 : vector<16xi32>
    %min3A_481 = arith.minsi %abs3A_480, %add3A_19 : vector<16xi32>
    %sub3A_482 = arith.subi %add3A_19, %min3A_481 : vector<16xi32>
    %mul3A_483 = arith.muli %sub3A_482, %add3A_475 : vector<16xi32>
    %sub3A_484 = arith.subi %add3A_19, %sub3A_482 : vector<16xi32>
    %mul3A_485 = arith.muli %sub3A_484, %add3A_15 : vector<16xi32>
    %add3A_486 = arith.addi %mul3A_483, %mul3A_485 : vector<16xi32>
    %swap3A_487 = arith.constant 1 : i32
    %swap3A_488 = arith.index_cast %swap3A_487 : i32 to index
    %swap3A_489 = arith.constant 32 : index
    %swap3A_490 = tpu.vector_load %arg20[%swap3A_488, %swap3A_489] {strides = array<i32>} : memref<5x128xi32, #tpu.memory_space<vmem>>, vector<1x16xi32>,
    %swap3A_491 = vector.shape_cast %swap3A_490 : vector<1x16xi32> to vector<16xi32>
    %swap3A_492 = vector.shape_cast %add3A_486 : vector<16xi32> to vector<1x16xi32>
    tpu.vector_store %arg20[%swap3A_488, %swap3A_489], %swap3A_492 {strides = array<i32>} : memref<5x128xi32, #tpu.memory_space<vmem>>, vector<1x16xi32>,
    %get3A_493 = arith.constant 160 : index
    %get3A_494 = tpu.vector_load %arg12[%get3A_493] {strides = array<i32>} : memref<640xf32, #tpu.memory_space<vmem>>, vector<16xf32>,
    %get3A_495 = vector.shape_cast %get3A_494 : vector<16xf32> to vector<16xf32>
    %get3A_496 = arith.constant 160 : index
    %get3A_497 = tpu.vector_load %arg14[%get3A_496] {strides = array<i32>} : memref<640xf32, #tpu.memory_space<vmem>>, vector<16xf32>,
    %get3A_498 = vector.shape_cast %get3A_497 : vector<16xf32> to vector<16xf32>
    %add3A_499 = arith.addf %get3A_495, %get3A_498 : vector<16xf32>
    %mul3A_500 = arith.constant 5.000000e-01 : f32
    %mul3A_501 = vector.broadcast %mul3A_500 : f32 to vector<16xf32>
    %mul3A_502 = arith.mulf %add3A_499, %mul3A_501 : vector<16xf32>
    %swap3A_503 = arith.constant 160 : index
    %swap3A_504 = tpu.vector_load %arg16[%swap3A_503] {strides = array<i32>} : memref<640xf32, #tpu.memory_space<vmem>>, vector<16xf32>,
    %swap3A_505 = vector.shape_cast %swap3A_504 : vector<16xf32> to vector<16xf32>
    %swap3A_506 = vector.shape_cast %mul3A_502 : vector<16xf32> to vector<16xf32>
    tpu.vector_store %arg16[%swap3A_503], %swap3A_506 {strides = array<i32>} : memref<640xf32, #tpu.memory_space<vmem>>, vector<16xf32>,
    %get3A_507 = arith.constant 160 : index
    %get3A_508 = tpu.vector_load %arg13[%get3A_507] {strides = array<i32>} : memref<640xf32, #tpu.memory_space<vmem>>, vector<16xf32>,
    %get3A_509 = vector.shape_cast %get3A_508 : vector<16xf32> to vector<16xf32>
    %get3A_510 = arith.constant 160 : index
    %get3A_511 = tpu.vector_load %arg15[%get3A_510] {strides = array<i32>} : memref<640xf32, #tpu.memory_space<vmem>>, vector<16xf32>,
    %get3A_512 = vector.shape_cast %get3A_511 : vector<16xf32> to vector<16xf32>
    %add3A_513 = arith.addf %get3A_509, %get3A_512 : vector<16xf32>
    %mul3A_514 = arith.constant 5.000000e-01 : f32
    %mul3A_515 = vector.broadcast %mul3A_514 : f32 to vector<16xf32>
    %mul3A_516 = arith.mulf %add3A_513, %mul3A_515 : vector<16xf32>
    %swap3A_517 = arith.constant 160 : index
    %swap3A_518 = tpu.vector_load %arg17[%swap3A_517] {strides = array<i32>} : memref<640xf32, #tpu.memory_space<vmem>>, vector<16xf32>,
    %swap3A_519 = vector.shape_cast %swap3A_518 : vector<16xf32> to vector<16xf32>
    %swap3A_520 = vector.shape_cast %mul3A_516 : vector<16xf32> to vector<16xf32>
    tpu.vector_store %arg17[%swap3A_517], %swap3A_520 {strides = array<i32>} : memref<640xf32, #tpu.memory_space<vmem>>, vector<16xf32>,
    %add3A_521 = arith.addi %add3A_475, %sub3A_482 : vector<16xi32>
    %get3A_522 = arith.constant 176 : index
    %get3A_523 = tpu.vector_load %arg11[%get3A_522] {strides = array<i32>} : memref<640xi32, #tpu.memory_space<vmem>>, vector<16xi32>,
    %get3A_524 = vector.shape_cast %get3A_523 : vector<16xi32> to vector<16xi32>
    %sub3A_525 = arith.subi %get3A_524, %get3A_6 : vector<16xi32>
    %abs3A_526 = math.absi %sub3A_525 : vector<16xi32>
    %min3A_527 = arith.minsi %abs3A_526, %add3A_19 : vector<16xi32>
    %sub3A_528 = arith.subi %add3A_19, %min3A_527 : vector<16xi32>
    %mul3A_529 = arith.muli %sub3A_528, %add3A_521 : vector<16xi32>
    %sub3A_530 = arith.subi %add3A_19, %sub3A_528 : vector<16xi32>
    %mul3A_531 = arith.muli %sub3A_530, %add3A_15 : vector<16xi32>
    %add3A_532 = arith.addi %mul3A_529, %mul3A_531 : vector<16xi32>
    %swap3A_533 = arith.constant 1 : i32
    %swap3A_534 = arith.index_cast %swap3A_533 : i32 to index
    %swap3A_535 = arith.constant 48 : index
    %swap3A_536 = tpu.vector_load %arg20[%swap3A_534, %swap3A_535] {strides = array<i32>} : memref<5x128xi32, #tpu.memory_space<vmem>>, vector<1x16xi32>,
    %swap3A_537 = vector.shape_cast %swap3A_536 : vector<1x16xi32> to vector<16xi32>
    %swap3A_538 = vector.shape_cast %add3A_532 : vector<16xi32> to vector<1x16xi32>
    tpu.vector_store %arg20[%swap3A_534, %swap3A_535], %swap3A_538 {strides = array<i32>} : memref<5x128xi32, #tpu.memory_space<vmem>>, vector<1x16xi32>,
    %get3A_539 = arith.constant 176 : index
    %get3A_540 = tpu.vector_load %arg12[%get3A_539] {strides = array<i32>} : memref<640xf32, #tpu.memory_space<vmem>>, vector<16xf32>,
    %get3A_541 = vector.shape_cast %get3A_540 : vector<16xf32> to vector<16xf32>
    %get3A_542 = arith.constant 176 : index
    %get3A_543 = tpu.vector_load %arg14[%get3A_542] {strides = array<i32>} : memref<640xf32, #tpu.memory_space<vmem>>, vector<16xf32>,
    %get3A_544 = vector.shape_cast %get3A_543 : vector<16xf32> to vector<16xf32>
    %add3A_545 = arith.addf %get3A_541, %get3A_544 : vector<16xf32>
    %mul3A_546 = arith.constant 5.000000e-01 : f32
    %mul3A_547 = vector.broadcast %mul3A_546 : f32 to vector<16xf32>
    %mul3A_548 = arith.mulf %add3A_545, %mul3A_547 : vector<16xf32>
    %swap3A_549 = arith.constant 176 : index
    %swap3A_550 = tpu.vector_load %arg16[%swap3A_549] {strides = array<i32>} : memref<640xf32, #tpu.memory_space<vmem>>, vector<16xf32>,
    %swap3A_551 = vector.shape_cast %swap3A_550 : vector<16xf32> to vector<16xf32>
    %swap3A_552 = vector.shape_cast %mul3A_548 : vector<16xf32> to vector<16xf32>
    tpu.vector_store %arg16[%swap3A_549], %swap3A_552 {strides = array<i32>} : memref<640xf32, #tpu.memory_space<vmem>>, vector<16xf32>,
    %get3A_553 = arith.constant 176 : index
    %get3A_554 = tpu.vector_load %arg13[%get3A_553] {strides = array<i32>} : memref<640xf32, #tpu.memory_space<vmem>>, vector<16xf32>,
    %get3A_555 = vector.shape_cast %get3A_554 : vector<16xf32> to vector<16xf32>
    %get3A_556 = arith.constant 176 : index
    %get3A_557 = tpu.vector_load %arg15[%get3A_556] {strides = array<i32>} : memref<640xf32, #tpu.memory_space<vmem>>, vector<16xf32>,
    %get3A_558 = vector.shape_cast %get3A_557 : vector<16xf32> to vector<16xf32>
    %add3A_559 = arith.addf %get3A_555, %get3A_558 : vector<16xf32>
    %mul3A_560 = arith.constant 5.000000e-01 : f32
    %mul3A_561 = vector.broadcast %mul3A_560 : f32 to vector<16xf32>
    %mul3A_562 = arith.mulf %add3A_559, %mul3A_561 : vector<16xf32>
    %swap3A_563 = arith.constant 176 : index
    %swap3A_564 = tpu.vector_load %arg17[%swap3A_563] {strides = array<i32>} : memref<640xf32, #tpu.memory_space<vmem>>, vector<16xf32>,
    %swap3A_565 = vector.shape_cast %swap3A_564 : vector<16xf32> to vector<16xf32>
    %swap3A_566 = vector.shape_cast %mul3A_562 : vector<16xf32> to vector<16xf32>
    tpu.vector_store %arg17[%swap3A_563], %swap3A_566 {strides = array<i32>} : memref<640xf32, #tpu.memory_space<vmem>>, vector<16xf32>,
    %add3A_567 = arith.addi %add3A_521, %sub3A_528 : vector<16xi32>
    %get3A_568 = arith.constant 192 : index
    %get3A_569 = tpu.vector_load %arg11[%get3A_568] {strides = array<i32>} : memref<640xi32, #tpu.memory_space<vmem>>, vector<16xi32>,
    %get3A_570 = vector.shape_cast %get3A_569 : vector<16xi32> to vector<16xi32>
    %sub3A_571 = arith.subi %get3A_570, %get3A_6 : vector<16xi32>
    %abs3A_572 = math.absi %sub3A_571 : vector<16xi32>
    %min3A_573 = arith.minsi %abs3A_572, %add3A_19 : vector<16xi32>
    %sub3A_574 = arith.subi %add3A_19, %min3A_573 : vector<16xi32>
    %mul3A_575 = arith.muli %sub3A_574, %add3A_567 : vector<16xi32>
    %sub3A_576 = arith.subi %add3A_19, %sub3A_574 : vector<16xi32>
    %mul3A_577 = arith.muli %sub3A_576, %add3A_15 : vector<16xi32>
    %add3A_578 = arith.addi %mul3A_575, %mul3A_577 : vector<16xi32>
    %swap3A_579 = arith.constant 1 : i32
    %swap3A_580 = arith.index_cast %swap3A_579 : i32 to index
    %swap3A_581 = arith.constant 64 : index
    %swap3A_582 = tpu.vector_load %arg20[%swap3A_580, %swap3A_581] {strides = array<i32>} : memref<5x128xi32, #tpu.memory_space<vmem>>, vector<1x16xi32>,
    %swap3A_583 = vector.shape_cast %swap3A_582 : vector<1x16xi32> to vector<16xi32>
    %swap3A_584 = vector.shape_cast %add3A_578 : vector<16xi32> to vector<1x16xi32>
    tpu.vector_store %arg20[%swap3A_580, %swap3A_581], %swap3A_584 {strides = array<i32>} : memref<5x128xi32, #tpu.memory_space<vmem>>, vector<1x16xi32>,
    %get3A_585 = arith.constant 192 : index
    %get3A_586 = tpu.vector_load %arg12[%get3A_585] {strides = array<i32>} : memref<640xf32, #tpu.memory_space<vmem>>, vector<16xf32>,
    %get3A_587 = vector.shape_cast %get3A_586 : vector<16xf32> to vector<16xf32>
    %get3A_588 = arith.constant 192 : index
    %get3A_589 = tpu.vector_load %arg14[%get3A_588] {strides = array<i32>} : memref<640xf32, #tpu.memory_space<vmem>>, vector<16xf32>,
    %get3A_590 = vector.shape_cast %get3A_589 : vector<16xf32> to vector<16xf32>
    %add3A_591 = arith.addf %get3A_587, %get3A_590 : vector<16xf32>
    %mul3A_592 = arith.constant 5.000000e-01 : f32
    %mul3A_593 = vector.broadcast %mul3A_592 : f32 to vector<16xf32>
    %mul3A_594 = arith.mulf %add3A_591, %mul3A_593 : vector<16xf32>
    %swap3A_595 = arith.constant 192 : index
    %swap3A_596 = tpu.vector_load %arg16[%swap3A_595] {strides = array<i32>} : memref<640xf32, #tpu.memory_space<vmem>>, vector<16xf32>,
    %swap3A_597 = vector.shape_cast %swap3A_596 : vector<16xf32> to vector<16xf32>
    %swap3A_598 = vector.shape_cast %mul3A_594 : vector<16xf32> to vector<16xf32>
    tpu.vector_store %arg16[%swap3A_595], %swap3A_598 {strides = array<i32>} : memref<640xf32, #tpu.memory_space<vmem>>, vector<16xf32>,
    %get3A_599 = arith.constant 192 : index
    %get3A_600 = tpu.vector_load %arg13[%get3A_599] {strides = array<i32>} : memref<640xf32, #tpu.memory_space<vmem>>, vector<16xf32>,
    %get3A_601 = vector.shape_cast %get3A_600 : vector<16xf32> to vector<16xf32>
    %get3A_602 = arith.constant 192 : index
    %get3A_603 = tpu.vector_load %arg15[%get3A_602] {strides = array<i32>} : memref<640xf32, #tpu.memory_space<vmem>>, vector<16xf32>,
    %get3A_604 = vector.shape_cast %get3A_603 : vector<16xf32> to vector<16xf32>
    %add3A_605 = arith.addf %get3A_601, %get3A_604 : vector<16xf32>
    %mul3A_606 = arith.constant 5.000000e-01 : f32
    %mul3A_607 = vector.broadcast %mul3A_606 : f32 to vector<16xf32>
    %mul3A_608 = arith.mulf %add3A_605, %mul3A_607 : vector<16xf32>
    %swap3A_609 = arith.constant 192 : index
    %swap3A_610 = tpu.vector_load %arg17[%swap3A_609] {strides = array<i32>} : memref<640xf32, #tpu.memory_space<vmem>>, vector<16xf32>,
    %swap3A_611 = vector.shape_cast %swap3A_610 : vector<16xf32> to vector<16xf32>
    %swap3A_612 = vector.shape_cast %mul3A_608 : vector<16xf32> to vector<16xf32>
    tpu.vector_store %arg17[%swap3A_609], %swap3A_612 {strides = array<i32>} : memref<640xf32, #tpu.memory_space<vmem>>, vector<16xf32>,
    %add3A_613 = arith.addi %add3A_567, %sub3A_574 : vector<16xi32>
    %get3A_614 = arith.constant 208 : index
    %get3A_615 = tpu.vector_load %arg11[%get3A_614] {strides = array<i32>} : memref<640xi32, #tpu.memory_space<vmem>>, vector<16xi32>,
    %get3A_616 = vector.shape_cast %get3A_615 : vector<16xi32> to vector<16xi32>
    %sub3A_617 = arith.subi %get3A_616, %get3A_6 : vector<16xi32>
    %abs3A_618 = math.absi %sub3A_617 : vector<16xi32>
    %min3A_619 = arith.minsi %abs3A_618, %add3A_19 : vector<16xi32>
    %sub3A_620 = arith.subi %add3A_19, %min3A_619 : vector<16xi32>
    %mul3A_621 = arith.muli %sub3A_620, %add3A_613 : vector<16xi32>
    %sub3A_622 = arith.subi %add3A_19, %sub3A_620 : vector<16xi32>
    %mul3A_623 = arith.muli %sub3A_622, %add3A_15 : vector<16xi32>
    %add3A_624 = arith.addi %mul3A_621, %mul3A_623 : vector<16xi32>
    %swap3A_625 = arith.constant 1 : i32
    %swap3A_626 = arith.index_cast %swap3A_625 : i32 to index
    %swap3A_627 = arith.constant 80 : index
    %swap3A_628 = tpu.vector_load %arg20[%swap3A_626, %swap3A_627] {strides = array<i32>} : memref<5x128xi32, #tpu.memory_space<vmem>>, vector<1x16xi32>,
    %swap3A_629 = vector.shape_cast %swap3A_628 : vector<1x16xi32> to vector<16xi32>
    %swap3A_630 = vector.shape_cast %add3A_624 : vector<16xi32> to vector<1x16xi32>
    tpu.vector_store %arg20[%swap3A_626, %swap3A_627], %swap3A_630 {strides = array<i32>} : memref<5x128xi32, #tpu.memory_space<vmem>>, vector<1x16xi32>,
    %get3A_631 = arith.constant 208 : index
    %get3A_632 = tpu.vector_load %arg12[%get3A_631] {strides = array<i32>} : memref<640xf32, #tpu.memory_space<vmem>>, vector<16xf32>,
    %get3A_633 = vector.shape_cast %get3A_632 : vector<16xf32> to vector<16xf32>
    %get3A_634 = arith.constant 208 : index
    %get3A_635 = tpu.vector_load %arg14[%get3A_634] {strides = array<i32>} : memref<640xf32, #tpu.memory_space<vmem>>, vector<16xf32>,
    %get3A_636 = vector.shape_cast %get3A_635 : vector<16xf32> to vector<16xf32>
    %add3A_637 = arith.addf %get3A_633, %get3A_636 : vector<16xf32>
    %mul3A_638 = arith.constant 5.000000e-01 : f32
    %mul3A_639 = vector.broadcast %mul3A_638 : f32 to vector<16xf32>
    %mul3A_640 = arith.mulf %add3A_637, %mul3A_639 : vector<16xf32>
    %swap3A_641 = arith.constant 208 : index
    %swap3A_642 = tpu.vector_load %arg16[%swap3A_641] {strides = array<i32>} : memref<640xf32, #tpu.memory_space<vmem>>, vector<16xf32>,
    %swap3A_643 = vector.shape_cast %swap3A_642 : vector<16xf32> to vector<16xf32>
    %swap3A_644 = vector.shape_cast %mul3A_640 : vector<16xf32> to vector<16xf32>
    tpu.vector_store %arg16[%swap3A_641], %swap3A_644 {strides = array<i32>} : memref<640xf32, #tpu.memory_space<vmem>>, vector<16xf32>,
    %get3A_645 = arith.constant 208 : index
    %get3A_646 = tpu.vector_load %arg13[%get3A_645] {strides = array<i32>} : memref<640xf32, #tpu.memory_space<vmem>>, vector<16xf32>,
    %get3A_647 = vector.shape_cast %get3A_646 : vector<16xf32> to vector<16xf32>
    %get3A_648 = arith.constant 208 : index
    %get3A_649 = tpu.vector_load %arg15[%get3A_648] {strides = array<i32>} : memref<640xf32, #tpu.memory_space<vmem>>, vector<16xf32>,
    %get3A_650 = vector.shape_cast %get3A_649 : vector<16xf32> to vector<16xf32>
    %add3A_651 = arith.addf %get3A_647, %get3A_650 : vector<16xf32>
    %mul3A_652 = arith.constant 5.000000e-01 : f32
    %mul3A_653 = vector.broadcast %mul3A_652 : f32 to vector<16xf32>
    %mul3A_654 = arith.mulf %add3A_651, %mul3A_653 : vector<16xf32>
    %swap3A_655 = arith.constant 208 : index
    %swap3A_656 = tpu.vector_load %arg17[%swap3A_655] {strides = array<i32>} : memref<640xf32, #tpu.memory_space<vmem>>, vector<16xf32>,
    %swap3A_657 = vector.shape_cast %swap3A_656 : vector<16xf32> to vector<16xf32>
    %swap3A_658 = vector.shape_cast %mul3A_654 : vector<16xf32> to vector<16xf32>
    tpu.vector_store %arg17[%swap3A_655], %swap3A_658 {strides = array<i32>} : memref<640xf32, #tpu.memory_space<vmem>>, vector<16xf32>,
    %add3A_659 = arith.addi %add3A_613, %sub3A_620 : vector<16xi32>
    %get3A_660 = arith.constant 224 : index
    %get3A_661 = tpu.vector_load %arg11[%get3A_660] {strides = array<i32>} : memref<640xi32, #tpu.memory_space<vmem>>, vector<16xi32>,
    %get3A_662 = vector.shape_cast %get3A_661 : vector<16xi32> to vector<16xi32>
    %sub3A_663 = arith.subi %get3A_662, %get3A_6 : vector<16xi32>
    %abs3A_664 = math.absi %sub3A_663 : vector<16xi32>
    %min3A_665 = arith.minsi %abs3A_664, %add3A_19 : vector<16xi32>
    %sub3A_666 = arith.subi %add3A_19, %min3A_665 : vector<16xi32>
    %mul3A_667 = arith.muli %sub3A_666, %add3A_659 : vector<16xi32>
    %sub3A_668 = arith.subi %add3A_19, %sub3A_666 : vector<16xi32>
    %mul3A_669 = arith.muli %sub3A_668, %add3A_15 : vector<16xi32>
    %add3A_670 = arith.addi %mul3A_667, %mul3A_669 : vector<16xi32>
    %swap3A_671 = arith.constant 1 : i32
    %swap3A_672 = arith.index_cast %swap3A_671 : i32 to index
    %swap3A_673 = arith.constant 96 : index
    %swap3A_674 = tpu.vector_load %arg20[%swap3A_672, %swap3A_673] {strides = array<i32>} : memref<5x128xi32, #tpu.memory_space<vmem>>, vector<1x16xi32>,
    %swap3A_675 = vector.shape_cast %swap3A_674 : vector<1x16xi32> to vector<16xi32>
    %swap3A_676 = vector.shape_cast %add3A_670 : vector<16xi32> to vector<1x16xi32>
    tpu.vector_store %arg20[%swap3A_672, %swap3A_673], %swap3A_676 {strides = array<i32>} : memref<5x128xi32, #tpu.memory_space<vmem>>, vector<1x16xi32>,
    %get3A_677 = arith.constant 224 : index
    %get3A_678 = tpu.vector_load %arg12[%get3A_677] {strides = array<i32>} : memref<640xf32, #tpu.memory_space<vmem>>, vector<16xf32>,
    %get3A_679 = vector.shape_cast %get3A_678 : vector<16xf32> to vector<16xf32>
    %get3A_680 = arith.constant 224 : index
    %get3A_681 = tpu.vector_load %arg14[%get3A_680] {strides = array<i32>} : memref<640xf32, #tpu.memory_space<vmem>>, vector<16xf32>,
    %get3A_682 = vector.shape_cast %get3A_681 : vector<16xf32> to vector<16xf32>
    %add3A_683 = arith.addf %get3A_679, %get3A_682 : vector<16xf32>
    %mul3A_684 = arith.constant 5.000000e-01 : f32
    %mul3A_685 = vector.broadcast %mul3A_684 : f32 to vector<16xf32>
    %mul3A_686 = arith.mulf %add3A_683, %mul3A_685 : vector<16xf32>
    %swap3A_687 = arith.constant 224 : index
    %swap3A_688 = tpu.vector_load %arg16[%swap3A_687] {strides = array<i32>} : memref<640xf32, #tpu.memory_space<vmem>>, vector<16xf32>,
    %swap3A_689 = vector.shape_cast %swap3A_688 : vector<16xf32> to vector<16xf32>
    %swap3A_690 = vector.shape_cast %mul3A_686 : vector<16xf32> to vector<16xf32>
    tpu.vector_store %arg16[%swap3A_687], %swap3A_690 {strides = array<i32>} : memref<640xf32, #tpu.memory_space<vmem>>, vector<16xf32>,
    %get3A_691 = arith.constant 224 : index
    %get3A_692 = tpu.vector_load %arg13[%get3A_691] {strides = array<i32>} : memref<640xf32, #tpu.memory_space<vmem>>, vector<16xf32>,
    %get3A_693 = vector.shape_cast %get3A_692 : vector<16xf32> to vector<16xf32>
    %get3A_694 = arith.constant 224 : index
    %get3A_695 = tpu.vector_load %arg15[%get3A_694] {strides = array<i32>} : memref<640xf32, #tpu.memory_space<vmem>>, vector<16xf32>,
    %get3A_696 = vector.shape_cast %get3A_695 : vector<16xf32> to vector<16xf32>
    %add3A_697 = arith.addf %get3A_693, %get3A_696 : vector<16xf32>
    %mul3A_698 = arith.constant 5.000000e-01 : f32
    %mul3A_699 = vector.broadcast %mul3A_698 : f32 to vector<16xf32>
    %mul3A_700 = arith.mulf %add3A_697, %mul3A_699 : vector<16xf32>
    %swap3A_701 = arith.constant 224 : index
    %swap3A_702 = tpu.vector_load %arg17[%swap3A_701] {strides = array<i32>} : memref<640xf32, #tpu.memory_space<vmem>>, vector<16xf32>,
    %swap3A_703 = vector.shape_cast %swap3A_702 : vector<16xf32> to vector<16xf32>
    %swap3A_704 = vector.shape_cast %mul3A_700 : vector<16xf32> to vector<16xf32>
    tpu.vector_store %arg17[%swap3A_701], %swap3A_704 {strides = array<i32>} : memref<640xf32, #tpu.memory_space<vmem>>, vector<16xf32>,
    %add3A_705 = arith.addi %add3A_659, %sub3A_666 : vector<16xi32>
    %get3A_706 = arith.constant 240 : index
    %get3A_707 = tpu.vector_load %arg11[%get3A_706] {strides = array<i32>} : memref<640xi32, #tpu.memory_space<vmem>>, vector<16xi32>,
    %get3A_708 = vector.shape_cast %get3A_707 : vector<16xi32> to vector<16xi32>
    %sub3A_709 = arith.subi %get3A_708, %get3A_6 : vector<16xi32>
    %abs3A_710 = math.absi %sub3A_709 : vector<16xi32>
    %min3A_711 = arith.minsi %abs3A_710, %add3A_19 : vector<16xi32>
    %sub3A_712 = arith.subi %add3A_19, %min3A_711 : vector<16xi32>
    %mul3A_713 = arith.muli %sub3A_712, %add3A_705 : vector<16xi32>
    %sub3A_714 = arith.subi %add3A_19, %sub3A_712 : vector<16xi32>
    %mul3A_715 = arith.muli %sub3A_714, %add3A_15 : vector<16xi32>
    %add3A_716 = arith.addi %mul3A_713, %mul3A_715 : vector<16xi32>
    %swap3A_717 = arith.constant 1 : i32
    %swap3A_718 = arith.index_cast %swap3A_717 : i32 to index
    %swap3A_719 = arith.constant 112 : index
    %swap3A_720 = tpu.vector_load %arg20[%swap3A_718, %swap3A_719] {strides = array<i32>} : memref<5x128xi32, #tpu.memory_space<vmem>>, vector<1x16xi32>,
    %swap3A_721 = vector.shape_cast %swap3A_720 : vector<1x16xi32> to vector<16xi32>
    %swap3A_722 = vector.shape_cast %add3A_716 : vector<16xi32> to vector<1x16xi32>
    tpu.vector_store %arg20[%swap3A_718, %swap3A_719], %swap3A_722 {strides = array<i32>} : memref<5x128xi32, #tpu.memory_space<vmem>>, vector<1x16xi32>,
    %get3A_723 = arith.constant 240 : index
    %get3A_724 = tpu.vector_load %arg12[%get3A_723] {strides = array<i32>} : memref<640xf32, #tpu.memory_space<vmem>>, vector<16xf32>,
    %get3A_725 = vector.shape_cast %get3A_724 : vector<16xf32> to vector<16xf32>
    %get3A_726 = arith.constant 240 : index
    %get3A_727 = tpu.vector_load %arg14[%get3A_726] {strides = array<i32>} : memref<640xf32, #tpu.memory_space<vmem>>, vector<16xf32>,
    %get3A_728 = vector.shape_cast %get3A_727 : vector<16xf32> to vector<16xf32>
    %add3A_729 = arith.addf %get3A_725, %get3A_728 : vector<16xf32>
    %mul3A_730 = arith.constant 5.000000e-01 : f32
    %mul3A_731 = vector.broadcast %mul3A_730 : f32 to vector<16xf32>
    %mul3A_732 = arith.mulf %add3A_729, %mul3A_731 : vector<16xf32>
    %swap3A_733 = arith.constant 240 : index
    %swap3A_734 = tpu.vector_load %arg16[%swap3A_733] {strides = array<i32>} : memref<640xf32, #tpu.memory_space<vmem>>, vector<16xf32>,
    %swap3A_735 = vector.shape_cast %swap3A_734 : vector<16xf32> to vector<16xf32>
    %swap3A_736 = vector.shape_cast %mul3A_732 : vector<16xf32> to vector<16xf32>
    tpu.vector_store %arg16[%swap3A_733], %swap3A_736 {strides = array<i32>} : memref<640xf32, #tpu.memory_space<vmem>>, vector<16xf32>,
    %get3A_737 = arith.constant 240 : index
    %get3A_738 = tpu.vector_load %arg13[%get3A_737] {strides = array<i32>} : memref<640xf32, #tpu.memory_space<vmem>>, vector<16xf32>,
    %get3A_739 = vector.shape_cast %get3A_738 : vector<16xf32> to vector<16xf32>
    %get3A_740 = arith.constant 240 : index
    %get3A_741 = tpu.vector_load %arg15[%get3A_740] {strides = array<i32>} : memref<640xf32, #tpu.memory_space<vmem>>, vector<16xf32>,
    %get3A_742 = vector.shape_cast %get3A_741 : vector<16xf32> to vector<16xf32>
    %add3A_743 = arith.addf %get3A_739, %get3A_742 : vector<16xf32>
    %mul3A_744 = arith.constant 5.000000e-01 : f32
    %mul3A_745 = vector.broadcast %mul3A_744 : f32 to vector<16xf32>
    %mul3A_746 = arith.mulf %add3A_743, %mul3A_745 : vector<16xf32>
    %swap3A_747 = arith.constant 240 : index
    %swap3A_748 = tpu.vector_load %arg17[%swap3A_747] {strides = array<i32>} : memref<640xf32, #tpu.memory_space<vmem>>, vector<16xf32>,
    %swap3A_749 = vector.shape_cast %swap3A_748 : vector<16xf32> to vector<16xf32>
    %swap3A_750 = vector.shape_cast %mul3A_746 : vector<16xf32> to vector<16xf32>
    tpu.vector_store %arg17[%swap3A_747], %swap3A_750 {strides = array<i32>} : memref<640xf32, #tpu.memory_space<vmem>>, vector<16xf32>,
    %add3A_751 = arith.addi %add3A_705, %sub3A_712 : vector<16xi32>
    %get3A_752 = arith.constant 256 : index
    %get3A_753 = tpu.vector_load %arg11[%get3A_752] {strides = array<i32>} : memref<640xi32, #tpu.memory_space<vmem>>, vector<16xi32>,
    %get3A_754 = vector.shape_cast %get3A_753 : vector<16xi32> to vector<16xi32>
    %sub3A_755 = arith.subi %get3A_754, %get3A_6 : vector<16xi32>
    %abs3A_756 = math.absi %sub3A_755 : vector<16xi32>
    %min3A_757 = arith.minsi %abs3A_756, %add3A_19 : vector<16xi32>
    %sub3A_758 = arith.subi %add3A_19, %min3A_757 : vector<16xi32>
    %mul3A_759 = arith.muli %sub3A_758, %add3A_751 : vector<16xi32>
    %sub3A_760 = arith.subi %add3A_19, %sub3A_758 : vector<16xi32>
    %mul3A_761 = arith.muli %sub3A_760, %add3A_15 : vector<16xi32>
    %add3A_762 = arith.addi %mul3A_759, %mul3A_761 : vector<16xi32>
    %swap3A_763 = arith.constant 2 : i32
    %swap3A_764 = arith.index_cast %swap3A_763 : i32 to index
    %swap3A_765 = arith.constant 0 : index
    %swap3A_766 = tpu.vector_load %arg20[%swap3A_764, %swap3A_765] {strides = array<i32>} : memref<5x128xi32, #tpu.memory_space<vmem>>, vector<1x16xi32>,
    %swap3A_767 = vector.shape_cast %swap3A_766 : vector<1x16xi32> to vector<16xi32>
    %swap3A_768 = vector.shape_cast %add3A_762 : vector<16xi32> to vector<1x16xi32>
    tpu.vector_store %arg20[%swap3A_764, %swap3A_765], %swap3A_768 {strides = array<i32>} : memref<5x128xi32, #tpu.memory_space<vmem>>, vector<1x16xi32>,
    %get3A_769 = arith.constant 256 : index
    %get3A_770 = tpu.vector_load %arg12[%get3A_769] {strides = array<i32>} : memref<640xf32, #tpu.memory_space<vmem>>, vector<16xf32>,
    %get3A_771 = vector.shape_cast %get3A_770 : vector<16xf32> to vector<16xf32>
    %get3A_772 = arith.constant 256 : index
    %get3A_773 = tpu.vector_load %arg14[%get3A_772] {strides = array<i32>} : memref<640xf32, #tpu.memory_space<vmem>>, vector<16xf32>,
    %get3A_774 = vector.shape_cast %get3A_773 : vector<16xf32> to vector<16xf32>
    %add3A_775 = arith.addf %get3A_771, %get3A_774 : vector<16xf32>
    %mul3A_776 = arith.constant 5.000000e-01 : f32
    %mul3A_777 = vector.broadcast %mul3A_776 : f32 to vector<16xf32>
    %mul3A_778 = arith.mulf %add3A_775, %mul3A_777 : vector<16xf32>
    %swap3A_779 = arith.constant 256 : index
    %swap3A_780 = tpu.vector_load %arg16[%swap3A_779] {strides = array<i32>} : memref<640xf32, #tpu.memory_space<vmem>>, vector<16xf32>,
    %swap3A_781 = vector.shape_cast %swap3A_780 : vector<16xf32> to vector<16xf32>
    %swap3A_782 = vector.shape_cast %mul3A_778 : vector<16xf32> to vector<16xf32>
    tpu.vector_store %arg16[%swap3A_779], %swap3A_782 {strides = array<i32>} : memref<640xf32, #tpu.memory_space<vmem>>, vector<16xf32>,
    %get3A_783 = arith.constant 256 : index
    %get3A_784 = tpu.vector_load %arg13[%get3A_783] {strides = array<i32>} : memref<640xf32, #tpu.memory_space<vmem>>, vector<16xf32>,
    %get3A_785 = vector.shape_cast %get3A_784 : vector<16xf32> to vector<16xf32>
    %get3A_786 = arith.constant 256 : index
    %get3A_787 = tpu.vector_load %arg15[%get3A_786] {strides = array<i32>} : memref<640xf32, #tpu.memory_space<vmem>>, vector<16xf32>,
    %get3A_788 = vector.shape_cast %get3A_787 : vector<16xf32> to vector<16xf32>
    %add3A_789 = arith.addf %get3A_785, %get3A_788 : vector<16xf32>
    %mul3A_790 = arith.constant 5.000000e-01 : f32
    %mul3A_791 = vector.broadcast %mul3A_790 : f32 to vector<16xf32>
    %mul3A_792 = arith.mulf %add3A_789, %mul3A_791 : vector<16xf32>
    %swap3A_793 = arith.constant 256 : index
    %swap3A_794 = tpu.vector_load %arg17[%swap3A_793] {strides = array<i32>} : memref<640xf32, #tpu.memory_space<vmem>>, vector<16xf32>,
    %swap3A_795 = vector.shape_cast %swap3A_794 : vector<16xf32> to vector<16xf32>
    %swap3A_796 = vector.shape_cast %mul3A_792 : vector<16xf32> to vector<16xf32>
    tpu.vector_store %arg17[%swap3A_793], %swap3A_796 {strides = array<i32>} : memref<640xf32, #tpu.memory_space<vmem>>, vector<16xf32>,
    %add3A_797 = arith.addi %add3A_751, %sub3A_758 : vector<16xi32>
    %get3A_798 = arith.constant 272 : index
    %get3A_799 = tpu.vector_load %arg11[%get3A_798] {strides = array<i32>} : memref<640xi32, #tpu.memory_space<vmem>>, vector<16xi32>,
    %get3A_800 = vector.shape_cast %get3A_799 : vector<16xi32> to vector<16xi32>
    %sub3A_801 = arith.subi %get3A_800, %get3A_6 : vector<16xi32>
    %abs3A_802 = math.absi %sub3A_801 : vector<16xi32>
    %min3A_803 = arith.minsi %abs3A_802, %add3A_19 : vector<16xi32>
    %sub3A_804 = arith.subi %add3A_19, %min3A_803 : vector<16xi32>
    %mul3A_805 = arith.muli %sub3A_804, %add3A_797 : vector<16xi32>
    %sub3A_806 = arith.subi %add3A_19, %sub3A_804 : vector<16xi32>
    %mul3A_807 = arith.muli %sub3A_806, %add3A_15 : vector<16xi32>
    %add3A_808 = arith.addi %mul3A_805, %mul3A_807 : vector<16xi32>
    %swap3A_809 = arith.constant 2 : i32
    %swap3A_810 = arith.index_cast %swap3A_809 : i32 to index
    %swap3A_811 = arith.constant 16 : index
    %swap3A_812 = tpu.vector_load %arg20[%swap3A_810, %swap3A_811] {strides = array<i32>} : memref<5x128xi32, #tpu.memory_space<vmem>>, vector<1x16xi32>,
    %swap3A_813 = vector.shape_cast %swap3A_812 : vector<1x16xi32> to vector<16xi32>
    %swap3A_814 = vector.shape_cast %add3A_808 : vector<16xi32> to vector<1x16xi32>
    tpu.vector_store %arg20[%swap3A_810, %swap3A_811], %swap3A_814 {strides = array<i32>} : memref<5x128xi32, #tpu.memory_space<vmem>>, vector<1x16xi32>,
    %get3A_815 = arith.constant 272 : index
    %get3A_816 = tpu.vector_load %arg12[%get3A_815] {strides = array<i32>} : memref<640xf32, #tpu.memory_space<vmem>>, vector<16xf32>,
    %get3A_817 = vector.shape_cast %get3A_816 : vector<16xf32> to vector<16xf32>
    %get3A_818 = arith.constant 272 : index
    %get3A_819 = tpu.vector_load %arg14[%get3A_818] {strides = array<i32>} : memref<640xf32, #tpu.memory_space<vmem>>, vector<16xf32>,
    %get3A_820 = vector.shape_cast %get3A_819 : vector<16xf32> to vector<16xf32>
    %add3A_821 = arith.addf %get3A_817, %get3A_820 : vector<16xf32>
    %mul3A_822 = arith.constant 5.000000e-01 : f32
    %mul3A_823 = vector.broadcast %mul3A_822 : f32 to vector<16xf32>
    %mul3A_824 = arith.mulf %add3A_821, %mul3A_823 : vector<16xf32>
    %swap3A_825 = arith.constant 272 : index
    %swap3A_826 = tpu.vector_load %arg16[%swap3A_825] {strides = array<i32>} : memref<640xf32, #tpu.memory_space<vmem>>, vector<16xf32>,
    %swap3A_827 = vector.shape_cast %swap3A_826 : vector<16xf32> to vector<16xf32>
    %swap3A_828 = vector.shape_cast %mul3A_824 : vector<16xf32> to vector<16xf32>
    tpu.vector_store %arg16[%swap3A_825], %swap3A_828 {strides = array<i32>} : memref<640xf32, #tpu.memory_space<vmem>>, vector<16xf32>,
    %get3A_829 = arith.constant 272 : index
    %get3A_830 = tpu.vector_load %arg13[%get3A_829] {strides = array<i32>} : memref<640xf32, #tpu.memory_space<vmem>>, vector<16xf32>,
    %get3A_831 = vector.shape_cast %get3A_830 : vector<16xf32> to vector<16xf32>
    %get3A_832 = arith.constant 272 : index
    %get3A_833 = tpu.vector_load %arg15[%get3A_832] {strides = array<i32>} : memref<640xf32, #tpu.memory_space<vmem>>, vector<16xf32>,
    %get3A_834 = vector.shape_cast %get3A_833 : vector<16xf32> to vector<16xf32>
    %add3A_835 = arith.addf %get3A_831, %get3A_834 : vector<16xf32>
    %mul3A_836 = arith.constant 5.000000e-01 : f32
    %mul3A_837 = vector.broadcast %mul3A_836 : f32 to vector<16xf32>
    %mul3A_838 = arith.mulf %add3A_835, %mul3A_837 : vector<16xf32>
    %swap3A_839 = arith.constant 272 : index
    %swap3A_840 = tpu.vector_load %arg17[%swap3A_839] {strides = array<i32>} : memref<640xf32, #tpu.memory_space<vmem>>, vector<16xf32>,
    %swap3A_841 = vector.shape_cast %swap3A_840 : vector<16xf32> to vector<16xf32>
    %swap3A_842 = vector.shape_cast %mul3A_838 : vector<16xf32> to vector<16xf32>
    tpu.vector_store %arg17[%swap3A_839], %swap3A_842 {strides = array<i32>} : memref<640xf32, #tpu.memory_space<vmem>>, vector<16xf32>,
    %add3A_843 = arith.addi %add3A_797, %sub3A_804 : vector<16xi32>
    %get3A_844 = arith.constant 288 : index
    %get3A_845 = tpu.vector_load %arg11[%get3A_844] {strides = array<i32>} : memref<640xi32, #tpu.memory_space<vmem>>, vector<16xi32>,
    %get3A_846 = vector.shape_cast %get3A_845 : vector<16xi32> to vector<16xi32>
    %sub3A_847 = arith.subi %get3A_846, %get3A_6 : vector<16xi32>
    %abs3A_848 = math.absi %sub3A_847 : vector<16xi32>
    %min3A_849 = arith.minsi %abs3A_848, %add3A_19 : vector<16xi32>
    %sub3A_850 = arith.subi %add3A_19, %min3A_849 : vector<16xi32>
    %mul3A_851 = arith.muli %sub3A_850, %add3A_843 : vector<16xi32>
    %sub3A_852 = arith.subi %add3A_19, %sub3A_850 : vector<16xi32>
    %mul3A_853 = arith.muli %sub3A_852, %add3A_15 : vector<16xi32>
    %add3A_854 = arith.addi %mul3A_851, %mul3A_853 : vector<16xi32>
    %swap3A_855 = arith.constant 2 : i32
    %swap3A_856 = arith.index_cast %swap3A_855 : i32 to index
    %swap3A_857 = arith.constant 32 : index
    %swap3A_858 = tpu.vector_load %arg20[%swap3A_856, %swap3A_857] {strides = array<i32>} : memref<5x128xi32, #tpu.memory_space<vmem>>, vector<1x16xi32>,
    %swap3A_859 = vector.shape_cast %swap3A_858 : vector<1x16xi32> to vector<16xi32>
    %swap3A_860 = vector.shape_cast %add3A_854 : vector<16xi32> to vector<1x16xi32>
    tpu.vector_store %arg20[%swap3A_856, %swap3A_857], %swap3A_860 {strides = array<i32>} : memref<5x128xi32, #tpu.memory_space<vmem>>, vector<1x16xi32>,
    %get3A_861 = arith.constant 288 : index
    %get3A_862 = tpu.vector_load %arg12[%get3A_861] {strides = array<i32>} : memref<640xf32, #tpu.memory_space<vmem>>, vector<16xf32>,
    %get3A_863 = vector.shape_cast %get3A_862 : vector<16xf32> to vector<16xf32>
    %get3A_864 = arith.constant 288 : index
    %get3A_865 = tpu.vector_load %arg14[%get3A_864] {strides = array<i32>} : memref<640xf32, #tpu.memory_space<vmem>>, vector<16xf32>,
    %get3A_866 = vector.shape_cast %get3A_865 : vector<16xf32> to vector<16xf32>
    %add3A_867 = arith.addf %get3A_863, %get3A_866 : vector<16xf32>
    %mul3A_868 = arith.constant 5.000000e-01 : f32
    %mul3A_869 = vector.broadcast %mul3A_868 : f32 to vector<16xf32>
    %mul3A_870 = arith.mulf %add3A_867, %mul3A_869 : vector<16xf32>
    %swap3A_871 = arith.constant 288 : index
    %swap3A_872 = tpu.vector_load %arg16[%swap3A_871] {strides = array<i32>} : memref<640xf32, #tpu.memory_space<vmem>>, vector<16xf32>,
    %swap3A_873 = vector.shape_cast %swap3A_872 : vector<16xf32> to vector<16xf32>
    %swap3A_874 = vector.shape_cast %mul3A_870 : vector<16xf32> to vector<16xf32>
    tpu.vector_store %arg16[%swap3A_871], %swap3A_874 {strides = array<i32>} : memref<640xf32, #tpu.memory_space<vmem>>, vector<16xf32>,
    %get3A_875 = arith.constant 288 : index
    %get3A_876 = tpu.vector_load %arg13[%get3A_875] {strides = array<i32>} : memref<640xf32, #tpu.memory_space<vmem>>, vector<16xf32>,
    %get3A_877 = vector.shape_cast %get3A_876 : vector<16xf32> to vector<16xf32>
    %get3A_878 = arith.constant 288 : index
    %get3A_879 = tpu.vector_load %arg15[%get3A_878] {strides = array<i32>} : memref<640xf32, #tpu.memory_space<vmem>>, vector<16xf32>,
    %get3A_880 = vector.shape_cast %get3A_879 : vector<16xf32> to vector<16xf32>
    %add3A_881 = arith.addf %get3A_877, %get3A_880 : vector<16xf32>
    %mul3A_882 = arith.constant 5.000000e-01 : f32
    %mul3A_883 = vector.broadcast %mul3A_882 : f32 to vector<16xf32>
    %mul3A_884 = arith.mulf %add3A_881, %mul3A_883 : vector<16xf32>
    %swap3A_885 = arith.constant 288 : index
    %swap3A_886 = tpu.vector_load %arg17[%swap3A_885] {strides = array<i32>} : memref<640xf32, #tpu.memory_space<vmem>>, vector<16xf32>,
    %swap3A_887 = vector.shape_cast %swap3A_886 : vector<16xf32> to vector<16xf32>
    %swap3A_888 = vector.shape_cast %mul3A_884 : vector<16xf32> to vector<16xf32>
    tpu.vector_store %arg17[%swap3A_885], %swap3A_888 {strides = array<i32>} : memref<640xf32, #tpu.memory_space<vmem>>, vector<16xf32>,
    %add3A_889 = arith.addi %add3A_843, %sub3A_850 : vector<16xi32>
    %get3A_890 = arith.constant 304 : index
    %get3A_891 = tpu.vector_load %arg11[%get3A_890] {strides = array<i32>} : memref<640xi32, #tpu.memory_space<vmem>>, vector<16xi32>,
    %get3A_892 = vector.shape_cast %get3A_891 : vector<16xi32> to vector<16xi32>
    %sub3A_893 = arith.subi %get3A_892, %get3A_6 : vector<16xi32>
    %abs3A_894 = math.absi %sub3A_893 : vector<16xi32>
    %min3A_895 = arith.minsi %abs3A_894, %add3A_19 : vector<16xi32>
    %sub3A_896 = arith.subi %add3A_19, %min3A_895 : vector<16xi32>
    %mul3A_897 = arith.muli %sub3A_896, %add3A_889 : vector<16xi32>
    %sub3A_898 = arith.subi %add3A_19, %sub3A_896 : vector<16xi32>
    %mul3A_899 = arith.muli %sub3A_898, %add3A_15 : vector<16xi32>
    %add3A_900 = arith.addi %mul3A_897, %mul3A_899 : vector<16xi32>
    %swap3A_901 = arith.constant 2 : i32
    %swap3A_902 = arith.index_cast %swap3A_901 : i32 to index
    %swap3A_903 = arith.constant 48 : index
    %swap3A_904 = tpu.vector_load %arg20[%swap3A_902, %swap3A_903] {strides = array<i32>} : memref<5x128xi32, #tpu.memory_space<vmem>>, vector<1x16xi32>,
    %swap3A_905 = vector.shape_cast %swap3A_904 : vector<1x16xi32> to vector<16xi32>
    %swap3A_906 = vector.shape_cast %add3A_900 : vector<16xi32> to vector<1x16xi32>
    tpu.vector_store %arg20[%swap3A_902, %swap3A_903], %swap3A_906 {strides = array<i32>} : memref<5x128xi32, #tpu.memory_space<vmem>>, vector<1x16xi32>,
    %get3A_907 = arith.constant 304 : index
    %get3A_908 = tpu.vector_load %arg12[%get3A_907] {strides = array<i32>} : memref<640xf32, #tpu.memory_space<vmem>>, vector<16xf32>,
    %get3A_909 = vector.shape_cast %get3A_908 : vector<16xf32> to vector<16xf32>
    %get3A_910 = arith.constant 304 : index
    %get3A_911 = tpu.vector_load %arg14[%get3A_910] {strides = array<i32>} : memref<640xf32, #tpu.memory_space<vmem>>, vector<16xf32>,
    %get3A_912 = vector.shape_cast %get3A_911 : vector<16xf32> to vector<16xf32>
    %add3A_913 = arith.addf %get3A_909, %get3A_912 : vector<16xf32>
    %mul3A_914 = arith.constant 5.000000e-01 : f32
    %mul3A_915 = vector.broadcast %mul3A_914 : f32 to vector<16xf32>
    %mul3A_916 = arith.mulf %add3A_913, %mul3A_915 : vector<16xf32>
    %swap3A_917 = arith.constant 304 : index
    %swap3A_918 = tpu.vector_load %arg16[%swap3A_917] {strides = array<i32>} : memref<640xf32, #tpu.memory_space<vmem>>, vector<16xf32>,
    %swap3A_919 = vector.shape_cast %swap3A_918 : vector<16xf32> to vector<16xf32>
    %swap3A_920 = vector.shape_cast %mul3A_916 : vector<16xf32> to vector<16xf32>
    tpu.vector_store %arg16[%swap3A_917], %swap3A_920 {strides = array<i32>} : memref<640xf32, #tpu.memory_space<vmem>>, vector<16xf32>,
    %get3A_921 = arith.constant 304 : index
    %get3A_922 = tpu.vector_load %arg13[%get3A_921] {strides = array<i32>} : memref<640xf32, #tpu.memory_space<vmem>>, vector<16xf32>,
    %get3A_923 = vector.shape_cast %get3A_922 : vector<16xf32> to vector<16xf32>
    %get3A_924 = arith.constant 304 : index
    %get3A_925 = tpu.vector_load %arg15[%get3A_924] {strides = array<i32>} : memref<640xf32, #tpu.memory_space<vmem>>, vector<16xf32>,
    %get3A_926 = vector.shape_cast %get3A_925 : vector<16xf32> to vector<16xf32>
    %add3A_927 = arith.addf %get3A_923, %get3A_926 : vector<16xf32>
    %mul3A_928 = arith.constant 5.000000e-01 : f32
    %mul3A_929 = vector.broadcast %mul3A_928 : f32 to vector<16xf32>
    %mul3A_930 = arith.mulf %add3A_927, %mul3A_929 : vector<16xf32>
    %swap3A_931 = arith.constant 304 : index
    %swap3A_932 = tpu.vector_load %arg17[%swap3A_931] {strides = array<i32>} : memref<640xf32, #tpu.memory_space<vmem>>, vector<16xf32>,
    %swap3A_933 = vector.shape_cast %swap3A_932 : vector<16xf32> to vector<16xf32>
    %swap3A_934 = vector.shape_cast %mul3A_930 : vector<16xf32> to vector<16xf32>
    tpu.vector_store %arg17[%swap3A_931], %swap3A_934 {strides = array<i32>} : memref<640xf32, #tpu.memory_space<vmem>>, vector<16xf32>,
    %add3A_935 = arith.addi %add3A_889, %sub3A_896 : vector<16xi32>
    %get3A_936 = arith.constant 320 : index
    %get3A_937 = tpu.vector_load %arg11[%get3A_936] {strides = array<i32>} : memref<640xi32, #tpu.memory_space<vmem>>, vector<16xi32>,
    %get3A_938 = vector.shape_cast %get3A_937 : vector<16xi32> to vector<16xi32>
    %sub3A_939 = arith.subi %get3A_938, %get3A_6 : vector<16xi32>
    %abs3A_940 = math.absi %sub3A_939 : vector<16xi32>
    %min3A_941 = arith.minsi %abs3A_940, %add3A_19 : vector<16xi32>
    %sub3A_942 = arith.subi %add3A_19, %min3A_941 : vector<16xi32>
    %mul3A_943 = arith.muli %sub3A_942, %add3A_935 : vector<16xi32>
    %sub3A_944 = arith.subi %add3A_19, %sub3A_942 : vector<16xi32>
    %mul3A_945 = arith.muli %sub3A_944, %add3A_15 : vector<16xi32>
    %add3A_946 = arith.addi %mul3A_943, %mul3A_945 : vector<16xi32>
    %swap3A_947 = arith.constant 2 : i32
    %swap3A_948 = arith.index_cast %swap3A_947 : i32 to index
    %swap3A_949 = arith.constant 64 : index
    %swap3A_950 = tpu.vector_load %arg20[%swap3A_948, %swap3A_949] {strides = array<i32>} : memref<5x128xi32, #tpu.memory_space<vmem>>, vector<1x16xi32>,
    %swap3A_951 = vector.shape_cast %swap3A_950 : vector<1x16xi32> to vector<16xi32>
    %swap3A_952 = vector.shape_cast %add3A_946 : vector<16xi32> to vector<1x16xi32>
    tpu.vector_store %arg20[%swap3A_948, %swap3A_949], %swap3A_952 {strides = array<i32>} : memref<5x128xi32, #tpu.memory_space<vmem>>, vector<1x16xi32>,
    %get3A_953 = arith.constant 320 : index
    %get3A_954 = tpu.vector_load %arg12[%get3A_953] {strides = array<i32>} : memref<640xf32, #tpu.memory_space<vmem>>, vector<16xf32>,
    %get3A_955 = vector.shape_cast %get3A_954 : vector<16xf32> to vector<16xf32>
    %get3A_956 = arith.constant 320 : index
    %get3A_957 = tpu.vector_load %arg14[%get3A_956] {strides = array<i32>} : memref<640xf32, #tpu.memory_space<vmem>>, vector<16xf32>,
    %get3A_958 = vector.shape_cast %get3A_957 : vector<16xf32> to vector<16xf32>
    %add3A_959 = arith.addf %get3A_955, %get3A_958 : vector<16xf32>
    %mul3A_960 = arith.constant 5.000000e-01 : f32
    %mul3A_961 = vector.broadcast %mul3A_960 : f32 to vector<16xf32>
    %mul3A_962 = arith.mulf %add3A_959, %mul3A_961 : vector<16xf32>
    %swap3A_963 = arith.constant 320 : index
    %swap3A_964 = tpu.vector_load %arg16[%swap3A_963] {strides = array<i32>} : memref<640xf32, #tpu.memory_space<vmem>>, vector<16xf32>,
    %swap3A_965 = vector.shape_cast %swap3A_964 : vector<16xf32> to vector<16xf32>
    %swap3A_966 = vector.shape_cast %mul3A_962 : vector<16xf32> to vector<16xf32>
    tpu.vector_store %arg16[%swap3A_963], %swap3A_966 {strides = array<i32>} : memref<640xf32, #tpu.memory_space<vmem>>, vector<16xf32>,
    %get3A_967 = arith.constant 320 : index
    %get3A_968 = tpu.vector_load %arg13[%get3A_967] {strides = array<i32>} : memref<640xf32, #tpu.memory_space<vmem>>, vector<16xf32>,
    %get3A_969 = vector.shape_cast %get3A_968 : vector<16xf32> to vector<16xf32>
    %get3A_970 = arith.constant 320 : index
    %get3A_971 = tpu.vector_load %arg15[%get3A_970] {strides = array<i32>} : memref<640xf32, #tpu.memory_space<vmem>>, vector<16xf32>,
    %get3A_972 = vector.shape_cast %get3A_971 : vector<16xf32> to vector<16xf32>
    %add3A_973 = arith.addf %get3A_969, %get3A_972 : vector<16xf32>
    %mul3A_974 = arith.constant 5.000000e-01 : f32
    %mul3A_975 = vector.broadcast %mul3A_974 : f32 to vector<16xf32>
    %mul3A_976 = arith.mulf %add3A_973, %mul3A_975 : vector<16xf32>
    %swap3A_977 = arith.constant 320 : index
    %swap3A_978 = tpu.vector_load %arg17[%swap3A_977] {strides = array<i32>} : memref<640xf32, #tpu.memory_space<vmem>>, vector<16xf32>,
    %swap3A_979 = vector.shape_cast %swap3A_978 : vector<16xf32> to vector<16xf32>
    %swap3A_980 = vector.shape_cast %mul3A_976 : vector<16xf32> to vector<16xf32>
    tpu.vector_store %arg17[%swap3A_977], %swap3A_980 {strides = array<i32>} : memref<640xf32, #tpu.memory_space<vmem>>, vector<16xf32>,
    %add3A_981 = arith.addi %add3A_935, %sub3A_942 : vector<16xi32>
    %get3A_982 = arith.constant 336 : index
    %get3A_983 = tpu.vector_load %arg11[%get3A_982] {strides = array<i32>} : memref<640xi32, #tpu.memory_space<vmem>>, vector<16xi32>,
    %get3A_984 = vector.shape_cast %get3A_983 : vector<16xi32> to vector<16xi32>
    %sub3A_985 = arith.subi %get3A_984, %get3A_6 : vector<16xi32>
    %abs3A_986 = math.absi %sub3A_985 : vector<16xi32>
    %min3A_987 = arith.minsi %abs3A_986, %add3A_19 : vector<16xi32>
    %sub3A_988 = arith.subi %add3A_19, %min3A_987 : vector<16xi32>
    %mul3A_989 = arith.muli %sub3A_988, %add3A_981 : vector<16xi32>
    %sub3A_990 = arith.subi %add3A_19, %sub3A_988 : vector<16xi32>
    %mul3A_991 = arith.muli %sub3A_990, %add3A_15 : vector<16xi32>
    %add3A_992 = arith.addi %mul3A_989, %mul3A_991 : vector<16xi32>
    %swap3A_993 = arith.constant 2 : i32
    %swap3A_994 = arith.index_cast %swap3A_993 : i32 to index
    %swap3A_995 = arith.constant 80 : index
    %swap3A_996 = tpu.vector_load %arg20[%swap3A_994, %swap3A_995] {strides = array<i32>} : memref<5x128xi32, #tpu.memory_space<vmem>>, vector<1x16xi32>,
    %swap3A_997 = vector.shape_cast %swap3A_996 : vector<1x16xi32> to vector<16xi32>
    %swap3A_998 = vector.shape_cast %add3A_992 : vector<16xi32> to vector<1x16xi32>
    tpu.vector_store %arg20[%swap3A_994, %swap3A_995], %swap3A_998 {strides = array<i32>} : memref<5x128xi32, #tpu.memory_space<vmem>>, vector<1x16xi32>,
    %get3A_999 = arith.constant 336 : index
    %get3A_1000 = tpu.vector_load %arg12[%get3A_999] {strides = array<i32>} : memref<640xf32, #tpu.memory_space<vmem>>, vector<16xf32>,
    %get3A_1001 = vector.shape_cast %get3A_1000 : vector<16xf32> to vector<16xf32>
    %get3A_1002 = arith.constant 336 : index
    %get3A_1003 = tpu.vector_load %arg14[%get3A_1002] {strides = array<i32>} : memref<640xf32, #tpu.memory_space<vmem>>, vector<16xf32>,
    %get3A_1004 = vector.shape_cast %get3A_1003 : vector<16xf32> to vector<16xf32>
    %add3A_1005 = arith.addf %get3A_1001, %get3A_1004 : vector<16xf32>
    %mul3A_1006 = arith.constant 5.000000e-01 : f32
    %mul3A_1007 = vector.broadcast %mul3A_1006 : f32 to vector<16xf32>
    %mul3A_1008 = arith.mulf %add3A_1005, %mul3A_1007 : vector<16xf32>
    %swap3A_1009 = arith.constant 336 : index
    %swap3A_1010 = tpu.vector_load %arg16[%swap3A_1009] {strides = array<i32>} : memref<640xf32, #tpu.memory_space<vmem>>, vector<16xf32>,
    %swap3A_1011 = vector.shape_cast %swap3A_1010 : vector<16xf32> to vector<16xf32>
    %swap3A_1012 = vector.shape_cast %mul3A_1008 : vector<16xf32> to vector<16xf32>
    tpu.vector_store %arg16[%swap3A_1009], %swap3A_1012 {strides = array<i32>} : memref<640xf32, #tpu.memory_space<vmem>>, vector<16xf32>,
    %get3A_1013 = arith.constant 336 : index
    %get3A_1014 = tpu.vector_load %arg13[%get3A_1013] {strides = array<i32>} : memref<640xf32, #tpu.memory_space<vmem>>, vector<16xf32>,
    %get3A_1015 = vector.shape_cast %get3A_1014 : vector<16xf32> to vector<16xf32>
    %get3A_1016 = arith.constant 336 : index
    %get3A_1017 = tpu.vector_load %arg15[%get3A_1016] {strides = array<i32>} : memref<640xf32, #tpu.memory_space<vmem>>, vector<16xf32>,
    %get3A_1018 = vector.shape_cast %get3A_1017 : vector<16xf32> to vector<16xf32>
    %add3A_1019 = arith.addf %get3A_1015, %get3A_1018 : vector<16xf32>
    %mul3A_1020 = arith.constant 5.000000e-01 : f32
    %mul3A_1021 = vector.broadcast %mul3A_1020 : f32 to vector<16xf32>
    %mul3A_1022 = arith.mulf %add3A_1019, %mul3A_1021 : vector<16xf32>
    %swap3A_1023 = arith.constant 336 : index
    %swap3A_1024 = tpu.vector_load %arg17[%swap3A_1023] {strides = array<i32>} : memref<640xf32, #tpu.memory_space<vmem>>, vector<16xf32>,
    %swap3A_1025 = vector.shape_cast %swap3A_1024 : vector<16xf32> to vector<16xf32>
    %swap3A_1026 = vector.shape_cast %mul3A_1022 : vector<16xf32> to vector<16xf32>
    tpu.vector_store %arg17[%swap3A_1023], %swap3A_1026 {strides = array<i32>} : memref<640xf32, #tpu.memory_space<vmem>>, vector<16xf32>,
    %add3A_1027 = arith.addi %add3A_981, %sub3A_988 : vector<16xi32>
    %get3A_1028 = arith.constant 352 : index
    %get3A_1029 = tpu.vector_load %arg11[%get3A_1028] {strides = array<i32>} : memref<640xi32, #tpu.memory_space<vmem>>, vector<16xi32>,
    %get3A_1030 = vector.shape_cast %get3A_1029 : vector<16xi32> to vector<16xi32>
    %sub3A_1031 = arith.subi %get3A_1030, %get3A_6 : vector<16xi32>
    %abs3A_1032 = math.absi %sub3A_1031 : vector<16xi32>
    %min3A_1033 = arith.minsi %abs3A_1032, %add3A_19 : vector<16xi32>
    %sub3A_1034 = arith.subi %add3A_19, %min3A_1033 : vector<16xi32>
    %mul3A_1035 = arith.muli %sub3A_1034, %add3A_1027 : vector<16xi32>
    %sub3A_1036 = arith.subi %add3A_19, %sub3A_1034 : vector<16xi32>
    %mul3A_1037 = arith.muli %sub3A_1036, %add3A_15 : vector<16xi32>
    %add3A_1038 = arith.addi %mul3A_1035, %mul3A_1037 : vector<16xi32>
    %swap3A_1039 = arith.constant 2 : i32
    %swap3A_1040 = arith.index_cast %swap3A_1039 : i32 to index
    %swap3A_1041 = arith.constant 96 : index
    %swap3A_1042 = tpu.vector_load %arg20[%swap3A_1040, %swap3A_1041] {strides = array<i32>} : memref<5x128xi32, #tpu.memory_space<vmem>>, vector<1x16xi32>,
    %swap3A_1043 = vector.shape_cast %swap3A_1042 : vector<1x16xi32> to vector<16xi32>
    %swap3A_1044 = vector.shape_cast %add3A_1038 : vector<16xi32> to vector<1x16xi32>
    tpu.vector_store %arg20[%swap3A_1040, %swap3A_1041], %swap3A_1044 {strides = array<i32>} : memref<5x128xi32, #tpu.memory_space<vmem>>, vector<1x16xi32>,
    %get3A_1045 = arith.constant 352 : index
    %get3A_1046 = tpu.vector_load %arg12[%get3A_1045] {strides = array<i32>} : memref<640xf32, #tpu.memory_space<vmem>>, vector<16xf32>,
    %get3A_1047 = vector.shape_cast %get3A_1046 : vector<16xf32> to vector<16xf32>
    %get3A_1048 = arith.constant 352 : index
    %get3A_1049 = tpu.vector_load %arg14[%get3A_1048] {strides = array<i32>} : memref<640xf32, #tpu.memory_space<vmem>>, vector<16xf32>,
    %get3A_1050 = vector.shape_cast %get3A_1049 : vector<16xf32> to vector<16xf32>
    %add3A_1051 = arith.addf %get3A_1047, %get3A_1050 : vector<16xf32>
    %mul3A_1052 = arith.constant 5.000000e-01 : f32
    %mul3A_1053 = vector.broadcast %mul3A_1052 : f32 to vector<16xf32>
    %mul3A_1054 = arith.mulf %add3A_1051, %mul3A_1053 : vector<16xf32>
    %swap3A_1055 = arith.constant 352 : index
    %swap3A_1056 = tpu.vector_load %arg16[%swap3A_1055] {strides = array<i32>} : memref<640xf32, #tpu.memory_space<vmem>>, vector<16xf32>,
    %swap3A_1057 = vector.shape_cast %swap3A_1056 : vector<16xf32> to vector<16xf32>
    %swap3A_1058 = vector.shape_cast %mul3A_1054 : vector<16xf32> to vector<16xf32>
    tpu.vector_store %arg16[%swap3A_1055], %swap3A_1058 {strides = array<i32>} : memref<640xf32, #tpu.memory_space<vmem>>, vector<16xf32>,
    %get3A_1059 = arith.constant 352 : index
    %get3A_1060 = tpu.vector_load %arg13[%get3A_1059] {strides = array<i32>} : memref<640xf32, #tpu.memory_space<vmem>>, vector<16xf32>,
    %get3A_1061 = vector.shape_cast %get3A_1060 : vector<16xf32> to vector<16xf32>
    %get3A_1062 = arith.constant 352 : index
    %get3A_1063 = tpu.vector_load %arg15[%get3A_1062] {strides = array<i32>} : memref<640xf32, #tpu.memory_space<vmem>>, vector<16xf32>,
    %get3A_1064 = vector.shape_cast %get3A_1063 : vector<16xf32> to vector<16xf32>
    %add3A_1065 = arith.addf %get3A_1061, %get3A_1064 : vector<16xf32>
    %mul3A_1066 = arith.constant 5.000000e-01 : f32
    %mul3A_1067 = vector.broadcast %mul3A_1066 : f32 to vector<16xf32>
    %mul3A_1068 = arith.mulf %add3A_1065, %mul3A_1067 : vector<16xf32>
    %swap3A_1069 = arith.constant 352 : index
    %swap3A_1070 = tpu.vector_load %arg17[%swap3A_1069] {strides = array<i32>} : memref<640xf32, #tpu.memory_space<vmem>>, vector<16xf32>,
    %swap3A_1071 = vector.shape_cast %swap3A_1070 : vector<16xf32> to vector<16xf32>
    %swap3A_1072 = vector.shape_cast %mul3A_1068 : vector<16xf32> to vector<16xf32>
    tpu.vector_store %arg17[%swap3A_1069], %swap3A_1072 {strides = array<i32>} : memref<640xf32, #tpu.memory_space<vmem>>, vector<16xf32>,
    %add3A_1073 = arith.addi %add3A_1027, %sub3A_1034 : vector<16xi32>
    %get3A_1074 = arith.constant 368 : index
    %get3A_1075 = tpu.vector_load %arg11[%get3A_1074] {strides = array<i32>} : memref<640xi32, #tpu.memory_space<vmem>>, vector<16xi32>,
    %get3A_1076 = vector.shape_cast %get3A_1075 : vector<16xi32> to vector<16xi32>
    %sub3A_1077 = arith.subi %get3A_1076, %get3A_6 : vector<16xi32>
    %abs3A_1078 = math.absi %sub3A_1077 : vector<16xi32>
    %min3A_1079 = arith.minsi %abs3A_1078, %add3A_19 : vector<16xi32>
    %sub3A_1080 = arith.subi %add3A_19, %min3A_1079 : vector<16xi32>
    %mul3A_1081 = arith.muli %sub3A_1080, %add3A_1073 : vector<16xi32>
    %sub3A_1082 = arith.subi %add3A_19, %sub3A_1080 : vector<16xi32>
    %mul3A_1083 = arith.muli %sub3A_1082, %add3A_15 : vector<16xi32>
    %add3A_1084 = arith.addi %mul3A_1081, %mul3A_1083 : vector<16xi32>
    %swap3A_1085 = arith.constant 2 : i32
    %swap3A_1086 = arith.index_cast %swap3A_1085 : i32 to index
    %swap3A_1087 = arith.constant 112 : index
    %swap3A_1088 = tpu.vector_load %arg20[%swap3A_1086, %swap3A_1087] {strides = array<i32>} : memref<5x128xi32, #tpu.memory_space<vmem>>, vector<1x16xi32>,
    %swap3A_1089 = vector.shape_cast %swap3A_1088 : vector<1x16xi32> to vector<16xi32>
    %swap3A_1090 = vector.shape_cast %add3A_1084 : vector<16xi32> to vector<1x16xi32>
    tpu.vector_store %arg20[%swap3A_1086, %swap3A_1087], %swap3A_1090 {strides = array<i32>} : memref<5x128xi32, #tpu.memory_space<vmem>>, vector<1x16xi32>,
    %get3A_1091 = arith.constant 368 : index
    %get3A_1092 = tpu.vector_load %arg12[%get3A_1091] {strides = array<i32>} : memref<640xf32, #tpu.memory_space<vmem>>, vector<16xf32>,
    %get3A_1093 = vector.shape_cast %get3A_1092 : vector<16xf32> to vector<16xf32>
    %get3A_1094 = arith.constant 368 : index
    %get3A_1095 = tpu.vector_load %arg14[%get3A_1094] {strides = array<i32>} : memref<640xf32, #tpu.memory_space<vmem>>, vector<16xf32>,
    %get3A_1096 = vector.shape_cast %get3A_1095 : vector<16xf32> to vector<16xf32>
    %add3A_1097 = arith.addf %get3A_1093, %get3A_1096 : vector<16xf32>
    %mul3A_1098 = arith.constant 5.000000e-01 : f32
    %mul3A_1099 = vector.broadcast %mul3A_1098 : f32 to vector<16xf32>
    %mul3A_1100 = arith.mulf %add3A_1097, %mul3A_1099 : vector<16xf32>
    %swap3A_1101 = arith.constant 368 : index
    %swap3A_1102 = tpu.vector_load %arg16[%swap3A_1101] {strides = array<i32>} : memref<640xf32, #tpu.memory_space<vmem>>, vector<16xf32>,
    %swap3A_1103 = vector.shape_cast %swap3A_1102 : vector<16xf32> to vector<16xf32>
    %swap3A_1104 = vector.shape_cast %mul3A_1100 : vector<16xf32> to vector<16xf32>
    tpu.vector_store %arg16[%swap3A_1101], %swap3A_1104 {strides = array<i32>} : memref<640xf32, #tpu.memory_space<vmem>>, vector<16xf32>,
    %get3A_1105 = arith.constant 368 : index
    %get3A_1106 = tpu.vector_load %arg13[%get3A_1105] {strides = array<i32>} : memref<640xf32, #tpu.memory_space<vmem>>, vector<16xf32>,
    %get3A_1107 = vector.shape_cast %get3A_1106 : vector<16xf32> to vector<16xf32>
    %get3A_1108 = arith.constant 368 : index
    %get3A_1109 = tpu.vector_load %arg15[%get3A_1108] {strides = array<i32>} : memref<640xf32, #tpu.memory_space<vmem>>, vector<16xf32>,
    %get3A_1110 = vector.shape_cast %get3A_1109 : vector<16xf32> to vector<16xf32>
    %add3A_1111 = arith.addf %get3A_1107, %get3A_1110 : vector<16xf32>
    %mul3A_1112 = arith.constant 5.000000e-01 : f32
    %mul3A_1113 = vector.broadcast %mul3A_1112 : f32 to vector<16xf32>
    %mul3A_1114 = arith.mulf %add3A_1111, %mul3A_1113 : vector<16xf32>
    %swap3A_1115 = arith.constant 368 : index
    %swap3A_1116 = tpu.vector_load %arg17[%swap3A_1115] {strides = array<i32>} : memref<640xf32, #tpu.memory_space<vmem>>, vector<16xf32>,
    %swap3A_1117 = vector.shape_cast %swap3A_1116 : vector<16xf32> to vector<16xf32>
    %swap3A_1118 = vector.shape_cast %mul3A_1114 : vector<16xf32> to vector<16xf32>
    tpu.vector_store %arg17[%swap3A_1115], %swap3A_1118 {strides = array<i32>} : memref<640xf32, #tpu.memory_space<vmem>>, vector<16xf32>,
    %add3A_1119 = arith.addi %add3A_1073, %sub3A_1080 : vector<16xi32>
    %get3A_1120 = arith.constant 384 : index
    %get3A_1121 = tpu.vector_load %arg11[%get3A_1120] {strides = array<i32>} : memref<640xi32, #tpu.memory_space<vmem>>, vector<16xi32>,
    %get3A_1122 = vector.shape_cast %get3A_1121 : vector<16xi32> to vector<16xi32>
    %sub3A_1123 = arith.subi %get3A_1122, %get3A_6 : vector<16xi32>
    %abs3A_1124 = math.absi %sub3A_1123 : vector<16xi32>
    %min3A_1125 = arith.minsi %abs3A_1124, %add3A_19 : vector<16xi32>
    %sub3A_1126 = arith.subi %add3A_19, %min3A_1125 : vector<16xi32>
    %mul3A_1127 = arith.muli %sub3A_1126, %add3A_1119 : vector<16xi32>
    %sub3A_1128 = arith.subi %add3A_19, %sub3A_1126 : vector<16xi32>
    %mul3A_1129 = arith.muli %sub3A_1128, %add3A_15 : vector<16xi32>
    %add3A_1130 = arith.addi %mul3A_1127, %mul3A_1129 : vector<16xi32>
    %swap3A_1131 = arith.constant 3 : i32
    %swap3A_1132 = arith.index_cast %swap3A_1131 : i32 to index
    %swap3A_1133 = arith.constant 0 : index
    %swap3A_1134 = tpu.vector_load %arg20[%swap3A_1132, %swap3A_1133] {strides = array<i32>} : memref<5x128xi32, #tpu.memory_space<vmem>>, vector<1x16xi32>,
    %swap3A_1135 = vector.shape_cast %swap3A_1134 : vector<1x16xi32> to vector<16xi32>
    %swap3A_1136 = vector.shape_cast %add3A_1130 : vector<16xi32> to vector<1x16xi32>
    tpu.vector_store %arg20[%swap3A_1132, %swap3A_1133], %swap3A_1136 {strides = array<i32>} : memref<5x128xi32, #tpu.memory_space<vmem>>, vector<1x16xi32>,
    %get3A_1137 = arith.constant 384 : index
    %get3A_1138 = tpu.vector_load %arg12[%get3A_1137] {strides = array<i32>} : memref<640xf32, #tpu.memory_space<vmem>>, vector<16xf32>,
    %get3A_1139 = vector.shape_cast %get3A_1138 : vector<16xf32> to vector<16xf32>
    %get3A_1140 = arith.constant 384 : index
    %get3A_1141 = tpu.vector_load %arg14[%get3A_1140] {strides = array<i32>} : memref<640xf32, #tpu.memory_space<vmem>>, vector<16xf32>,
    %get3A_1142 = vector.shape_cast %get3A_1141 : vector<16xf32> to vector<16xf32>
    %add3A_1143 = arith.addf %get3A_1139, %get3A_1142 : vector<16xf32>
    %mul3A_1144 = arith.constant 5.000000e-01 : f32
    %mul3A_1145 = vector.broadcast %mul3A_1144 : f32 to vector<16xf32>
    %mul3A_1146 = arith.mulf %add3A_1143, %mul3A_1145 : vector<16xf32>
    %swap3A_1147 = arith.constant 384 : index
    %swap3A_1148 = tpu.vector_load %arg16[%swap3A_1147] {strides = array<i32>} : memref<640xf32, #tpu.memory_space<vmem>>, vector<16xf32>,
    %swap3A_1149 = vector.shape_cast %swap3A_1148 : vector<16xf32> to vector<16xf32>
    %swap3A_1150 = vector.shape_cast %mul3A_1146 : vector<16xf32> to vector<16xf32>
    tpu.vector_store %arg16[%swap3A_1147], %swap3A_1150 {strides = array<i32>} : memref<640xf32, #tpu.memory_space<vmem>>, vector<16xf32>,
    %get3A_1151 = arith.constant 384 : index
    %get3A_1152 = tpu.vector_load %arg13[%get3A_1151] {strides = array<i32>} : memref<640xf32, #tpu.memory_space<vmem>>, vector<16xf32>,
    %get3A_1153 = vector.shape_cast %get3A_1152 : vector<16xf32> to vector<16xf32>
    %get3A_1154 = arith.constant 384 : index
    %get3A_1155 = tpu.vector_load %arg15[%get3A_1154] {strides = array<i32>} : memref<640xf32, #tpu.memory_space<vmem>>, vector<16xf32>,
    %get3A_1156 = vector.shape_cast %get3A_1155 : vector<16xf32> to vector<16xf32>
    %add3A_1157 = arith.addf %get3A_1153, %get3A_1156 : vector<16xf32>
    %mul3A_1158 = arith.constant 5.000000e-01 : f32
    %mul3A_1159 = vector.broadcast %mul3A_1158 : f32 to vector<16xf32>
    %mul3A_1160 = arith.mulf %add3A_1157, %mul3A_1159 : vector<16xf32>
    %swap3A_1161 = arith.constant 384 : index
    %swap3A_1162 = tpu.vector_load %arg17[%swap3A_1161] {strides = array<i32>} : memref<640xf32, #tpu.memory_space<vmem>>, vector<16xf32>,
    %swap3A_1163 = vector.shape_cast %swap3A_1162 : vector<16xf32> to vector<16xf32>
    %swap3A_1164 = vector.shape_cast %mul3A_1160 : vector<16xf32> to vector<16xf32>
    tpu.vector_store %arg17[%swap3A_1161], %swap3A_1164 {strides = array<i32>} : memref<640xf32, #tpu.memory_space<vmem>>, vector<16xf32>,
    %add3A_1165 = arith.addi %add3A_1119, %sub3A_1126 : vector<16xi32>
    %get3A_1166 = arith.constant 400 : index
    %get3A_1167 = tpu.vector_load %arg11[%get3A_1166] {strides = array<i32>} : memref<640xi32, #tpu.memory_space<vmem>>, vector<16xi32>,
    %get3A_1168 = vector.shape_cast %get3A_1167 : vector<16xi32> to vector<16xi32>
    %sub3A_1169 = arith.subi %get3A_1168, %get3A_6 : vector<16xi32>
    %abs3A_1170 = math.absi %sub3A_1169 : vector<16xi32>
    %min3A_1171 = arith.minsi %abs3A_1170, %add3A_19 : vector<16xi32>
    %sub3A_1172 = arith.subi %add3A_19, %min3A_1171 : vector<16xi32>
    %mul3A_1173 = arith.muli %sub3A_1172, %add3A_1165 : vector<16xi32>
    %sub3A_1174 = arith.subi %add3A_19, %sub3A_1172 : vector<16xi32>
    %mul3A_1175 = arith.muli %sub3A_1174, %add3A_15 : vector<16xi32>
    %add3A_1176 = arith.addi %mul3A_1173, %mul3A_1175 : vector<16xi32>
    %swap3A_1177 = arith.constant 3 : i32
    %swap3A_1178 = arith.index_cast %swap3A_1177 : i32 to index
    %swap3A_1179 = arith.constant 16 : index
    %swap3A_1180 = tpu.vector_load %arg20[%swap3A_1178, %swap3A_1179] {strides = array<i32>} : memref<5x128xi32, #tpu.memory_space<vmem>>, vector<1x16xi32>,
    %swap3A_1181 = vector.shape_cast %swap3A_1180 : vector<1x16xi32> to vector<16xi32>
    %swap3A_1182 = vector.shape_cast %add3A_1176 : vector<16xi32> to vector<1x16xi32>
    tpu.vector_store %arg20[%swap3A_1178, %swap3A_1179], %swap3A_1182 {strides = array<i32>} : memref<5x128xi32, #tpu.memory_space<vmem>>, vector<1x16xi32>,
    %get3A_1183 = arith.constant 400 : index
    %get3A_1184 = tpu.vector_load %arg12[%get3A_1183] {strides = array<i32>} : memref<640xf32, #tpu.memory_space<vmem>>, vector<16xf32>,
    %get3A_1185 = vector.shape_cast %get3A_1184 : vector<16xf32> to vector<16xf32>
    %get3A_1186 = arith.constant 400 : index
    %get3A_1187 = tpu.vector_load %arg14[%get3A_1186] {strides = array<i32>} : memref<640xf32, #tpu.memory_space<vmem>>, vector<16xf32>,
    %get3A_1188 = vector.shape_cast %get3A_1187 : vector<16xf32> to vector<16xf32>
    %add3A_1189 = arith.addf %get3A_1185, %get3A_1188 : vector<16xf32>
    %mul3A_1190 = arith.constant 5.000000e-01 : f32
    %mul3A_1191 = vector.broadcast %mul3A_1190 : f32 to vector<16xf32>
    %mul3A_1192 = arith.mulf %add3A_1189, %mul3A_1191 : vector<16xf32>
    %swap3A_1193 = arith.constant 400 : index
    %swap3A_1194 = tpu.vector_load %arg16[%swap3A_1193] {strides = array<i32>} : memref<640xf32, #tpu.memory_space<vmem>>, vector<16xf32>,
    %swap3A_1195 = vector.shape_cast %swap3A_1194 : vector<16xf32> to vector<16xf32>
    %swap3A_1196 = vector.shape_cast %mul3A_1192 : vector<16xf32> to vector<16xf32>
    tpu.vector_store %arg16[%swap3A_1193], %swap3A_1196 {strides = array<i32>} : memref<640xf32, #tpu.memory_space<vmem>>, vector<16xf32>,
    %get3A_1197 = arith.constant 400 : index
    %get3A_1198 = tpu.vector_load %arg13[%get3A_1197] {strides = array<i32>} : memref<640xf32, #tpu.memory_space<vmem>>, vector<16xf32>,
    %get3A_1199 = vector.shape_cast %get3A_1198 : vector<16xf32> to vector<16xf32>
    %get3A_1200 = arith.constant 400 : index
    %get3A_1201 = tpu.vector_load %arg15[%get3A_1200] {strides = array<i32>} : memref<640xf32, #tpu.memory_space<vmem>>, vector<16xf32>,
    %get3A_1202 = vector.shape_cast %get3A_1201 : vector<16xf32> to vector<16xf32>
    %add3A_1203 = arith.addf %get3A_1199, %get3A_1202 : vector<16xf32>
    %mul3A_1204 = arith.constant 5.000000e-01 : f32
    %mul3A_1205 = vector.broadcast %mul3A_1204 : f32 to vector<16xf32>
    %mul3A_1206 = arith.mulf %add3A_1203, %mul3A_1205 : vector<16xf32>
    %swap3A_1207 = arith.constant 400 : index
    %swap3A_1208 = tpu.vector_load %arg17[%swap3A_1207] {strides = array<i32>} : memref<640xf32, #tpu.memory_space<vmem>>, vector<16xf32>,
    %swap3A_1209 = vector.shape_cast %swap3A_1208 : vector<16xf32> to vector<16xf32>
    %swap3A_1210 = vector.shape_cast %mul3A_1206 : vector<16xf32> to vector<16xf32>
    tpu.vector_store %arg17[%swap3A_1207], %swap3A_1210 {strides = array<i32>} : memref<640xf32, #tpu.memory_space<vmem>>, vector<16xf32>,
    %add3A_1211 = arith.addi %add3A_1165, %sub3A_1172 : vector<16xi32>
    %get3A_1212 = arith.constant 416 : index
    %get3A_1213 = tpu.vector_load %arg11[%get3A_1212] {strides = array<i32>} : memref<640xi32, #tpu.memory_space<vmem>>, vector<16xi32>,
    %get3A_1214 = vector.shape_cast %get3A_1213 : vector<16xi32> to vector<16xi32>
    %sub3A_1215 = arith.subi %get3A_1214, %get3A_6 : vector<16xi32>
    %abs3A_1216 = math.absi %sub3A_1215 : vector<16xi32>
    %min3A_1217 = arith.minsi %abs3A_1216, %add3A_19 : vector<16xi32>
    %sub3A_1218 = arith.subi %add3A_19, %min3A_1217 : vector<16xi32>
    %mul3A_1219 = arith.muli %sub3A_1218, %add3A_1211 : vector<16xi32>
    %sub3A_1220 = arith.subi %add3A_19, %sub3A_1218 : vector<16xi32>
    %mul3A_1221 = arith.muli %sub3A_1220, %add3A_15 : vector<16xi32>
    %add3A_1222 = arith.addi %mul3A_1219, %mul3A_1221 : vector<16xi32>
    %swap3A_1223 = arith.constant 3 : i32
    %swap3A_1224 = arith.index_cast %swap3A_1223 : i32 to index
    %swap3A_1225 = arith.constant 32 : index
    %swap3A_1226 = tpu.vector_load %arg20[%swap3A_1224, %swap3A_1225] {strides = array<i32>} : memref<5x128xi32, #tpu.memory_space<vmem>>, vector<1x16xi32>,
    %swap3A_1227 = vector.shape_cast %swap3A_1226 : vector<1x16xi32> to vector<16xi32>
    %swap3A_1228 = vector.shape_cast %add3A_1222 : vector<16xi32> to vector<1x16xi32>
    tpu.vector_store %arg20[%swap3A_1224, %swap3A_1225], %swap3A_1228 {strides = array<i32>} : memref<5x128xi32, #tpu.memory_space<vmem>>, vector<1x16xi32>,
    %get3A_1229 = arith.constant 416 : index
    %get3A_1230 = tpu.vector_load %arg12[%get3A_1229] {strides = array<i32>} : memref<640xf32, #tpu.memory_space<vmem>>, vector<16xf32>,
    %get3A_1231 = vector.shape_cast %get3A_1230 : vector<16xf32> to vector<16xf32>
    %get3A_1232 = arith.constant 416 : index
    %get3A_1233 = tpu.vector_load %arg14[%get3A_1232] {strides = array<i32>} : memref<640xf32, #tpu.memory_space<vmem>>, vector<16xf32>,
    %get3A_1234 = vector.shape_cast %get3A_1233 : vector<16xf32> to vector<16xf32>
    %add3A_1235 = arith.addf %get3A_1231, %get3A_1234 : vector<16xf32>
    %mul3A_1236 = arith.constant 5.000000e-01 : f32
    %mul3A_1237 = vector.broadcast %mul3A_1236 : f32 to vector<16xf32>
    %mul3A_1238 = arith.mulf %add3A_1235, %mul3A_1237 : vector<16xf32>
    %swap3A_1239 = arith.constant 416 : index
    %swap3A_1240 = tpu.vector_load %arg16[%swap3A_1239] {strides = array<i32>} : memref<640xf32, #tpu.memory_space<vmem>>, vector<16xf32>,
    %swap3A_1241 = vector.shape_cast %swap3A_1240 : vector<16xf32> to vector<16xf32>
    %swap3A_1242 = vector.shape_cast %mul3A_1238 : vector<16xf32> to vector<16xf32>
    tpu.vector_store %arg16[%swap3A_1239], %swap3A_1242 {strides = array<i32>} : memref<640xf32, #tpu.memory_space<vmem>>, vector<16xf32>,
    %get3A_1243 = arith.constant 416 : index
    %get3A_1244 = tpu.vector_load %arg13[%get3A_1243] {strides = array<i32>} : memref<640xf32, #tpu.memory_space<vmem>>, vector<16xf32>,
    %get3A_1245 = vector.shape_cast %get3A_1244 : vector<16xf32> to vector<16xf32>
    %get3A_1246 = arith.constant 416 : index
    %get3A_1247 = tpu.vector_load %arg15[%get3A_1246] {strides = array<i32>} : memref<640xf32, #tpu.memory_space<vmem>>, vector<16xf32>,
    %get3A_1248 = vector.shape_cast %get3A_1247 : vector<16xf32> to vector<16xf32>
    %add3A_1249 = arith.addf %get3A_1245, %get3A_1248 : vector<16xf32>
    %mul3A_1250 = arith.constant 5.000000e-01 : f32
    %mul3A_1251 = vector.broadcast %mul3A_1250 : f32 to vector<16xf32>
    %mul3A_1252 = arith.mulf %add3A_1249, %mul3A_1251 : vector<16xf32>
    %swap3A_1253 = arith.constant 416 : index
    %swap3A_1254 = tpu.vector_load %arg17[%swap3A_1253] {strides = array<i32>} : memref<640xf32, #tpu.memory_space<vmem>>, vector<16xf32>,
    %swap3A_1255 = vector.shape_cast %swap3A_1254 : vector<16xf32> to vector<16xf32>
    %swap3A_1256 = vector.shape_cast %mul3A_1252 : vector<16xf32> to vector<16xf32>
    tpu.vector_store %arg17[%swap3A_1253], %swap3A_1256 {strides = array<i32>} : memref<640xf32, #tpu.memory_space<vmem>>, vector<16xf32>,
    %add3A_1257 = arith.addi %add3A_1211, %sub3A_1218 : vector<16xi32>
    %get3A_1258 = arith.constant 432 : index
    %get3A_1259 = tpu.vector_load %arg11[%get3A_1258] {strides = array<i32>} : memref<640xi32, #tpu.memory_space<vmem>>, vector<16xi32>,
    %get3A_1260 = vector.shape_cast %get3A_1259 : vector<16xi32> to vector<16xi32>
    %sub3A_1261 = arith.subi %get3A_1260, %get3A_6 : vector<16xi32>
    %abs3A_1262 = math.absi %sub3A_1261 : vector<16xi32>
    %min3A_1263 = arith.minsi %abs3A_1262, %add3A_19 : vector<16xi32>
    %sub3A_1264 = arith.subi %add3A_19, %min3A_1263 : vector<16xi32>
    %mul3A_1265 = arith.muli %sub3A_1264, %add3A_1257 : vector<16xi32>
    %sub3A_1266 = arith.subi %add3A_19, %sub3A_1264 : vector<16xi32>
    %mul3A_1267 = arith.muli %sub3A_1266, %add3A_15 : vector<16xi32>
    %add3A_1268 = arith.addi %mul3A_1265, %mul3A_1267 : vector<16xi32>
    %swap3A_1269 = arith.constant 3 : i32
    %swap3A_1270 = arith.index_cast %swap3A_1269 : i32 to index
    %swap3A_1271 = arith.constant 48 : index
    %swap3A_1272 = tpu.vector_load %arg20[%swap3A_1270, %swap3A_1271] {strides = array<i32>} : memref<5x128xi32, #tpu.memory_space<vmem>>, vector<1x16xi32>,
    %swap3A_1273 = vector.shape_cast %swap3A_1272 : vector<1x16xi32> to vector<16xi32>
    %swap3A_1274 = vector.shape_cast %add3A_1268 : vector<16xi32> to vector<1x16xi32>
    tpu.vector_store %arg20[%swap3A_1270, %swap3A_1271], %swap3A_1274 {strides = array<i32>} : memref<5x128xi32, #tpu.memory_space<vmem>>, vector<1x16xi32>,
    %get3A_1275 = arith.constant 432 : index
    %get3A_1276 = tpu.vector_load %arg12[%get3A_1275] {strides = array<i32>} : memref<640xf32, #tpu.memory_space<vmem>>, vector<16xf32>,
    %get3A_1277 = vector.shape_cast %get3A_1276 : vector<16xf32> to vector<16xf32>
    %get3A_1278 = arith.constant 432 : index
    %get3A_1279 = tpu.vector_load %arg14[%get3A_1278] {strides = array<i32>} : memref<640xf32, #tpu.memory_space<vmem>>, vector<16xf32>,
    %get3A_1280 = vector.shape_cast %get3A_1279 : vector<16xf32> to vector<16xf32>
    %add3A_1281 = arith.addf %get3A_1277, %get3A_1280 : vector<16xf32>
    %mul3A_1282 = arith.constant 5.000000e-01 : f32
    %mul3A_1283 = vector.broadcast %mul3A_1282 : f32 to vector<16xf32>
    %mul3A_1284 = arith.mulf %add3A_1281, %mul3A_1283 : vector<16xf32>
    %swap3A_1285 = arith.constant 432 : index
    %swap3A_1286 = tpu.vector_load %arg16[%swap3A_1285] {strides = array<i32>} : memref<640xf32, #tpu.memory_space<vmem>>, vector<16xf32>,
    %swap3A_1287 = vector.shape_cast %swap3A_1286 : vector<16xf32> to vector<16xf32>
    %swap3A_1288 = vector.shape_cast %mul3A_1284 : vector<16xf32> to vector<16xf32>
    tpu.vector_store %arg16[%swap3A_1285], %swap3A_1288 {strides = array<i32>} : memref<640xf32, #tpu.memory_space<vmem>>, vector<16xf32>,
    %get3A_1289 = arith.constant 432 : index
    %get3A_1290 = tpu.vector_load %arg13[%get3A_1289] {strides = array<i32>} : memref<640xf32, #tpu.memory_space<vmem>>, vector<16xf32>,
    %get3A_1291 = vector.shape_cast %get3A_1290 : vector<16xf32> to vector<16xf32>
    %get3A_1292 = arith.constant 432 : index
    %get3A_1293 = tpu.vector_load %arg15[%get3A_1292] {strides = array<i32>} : memref<640xf32, #tpu.memory_space<vmem>>, vector<16xf32>,
    %get3A_1294 = vector.shape_cast %get3A_1293 : vector<16xf32> to vector<16xf32>
    %add3A_1295 = arith.addf %get3A_1291, %get3A_1294 : vector<16xf32>
    %mul3A_1296 = arith.constant 5.000000e-01 : f32
    %mul3A_1297 = vector.broadcast %mul3A_1296 : f32 to vector<16xf32>
    %mul3A_1298 = arith.mulf %add3A_1295, %mul3A_1297 : vector<16xf32>
    %swap3A_1299 = arith.constant 432 : index
    %swap3A_1300 = tpu.vector_load %arg17[%swap3A_1299] {strides = array<i32>} : memref<640xf32, #tpu.memory_space<vmem>>, vector<16xf32>,
    %swap3A_1301 = vector.shape_cast %swap3A_1300 : vector<16xf32> to vector<16xf32>
    %swap3A_1302 = vector.shape_cast %mul3A_1298 : vector<16xf32> to vector<16xf32>
    tpu.vector_store %arg17[%swap3A_1299], %swap3A_1302 {strides = array<i32>} : memref<640xf32, #tpu.memory_space<vmem>>, vector<16xf32>,
    %add3A_1303 = arith.addi %add3A_1257, %sub3A_1264 : vector<16xi32>
    %get3A_1304 = arith.constant 448 : index
    %get3A_1305 = tpu.vector_load %arg11[%get3A_1304] {strides = array<i32>} : memref<640xi32, #tpu.memory_space<vmem>>, vector<16xi32>,
    %get3A_1306 = vector.shape_cast %get3A_1305 : vector<16xi32> to vector<16xi32>
    %sub3A_1307 = arith.subi %get3A_1306, %get3A_6 : vector<16xi32>
    %abs3A_1308 = math.absi %sub3A_1307 : vector<16xi32>
    %min3A_1309 = arith.minsi %abs3A_1308, %add3A_19 : vector<16xi32>
    %sub3A_1310 = arith.subi %add3A_19, %min3A_1309 : vector<16xi32>
    %mul3A_1311 = arith.muli %sub3A_1310, %add3A_1303 : vector<16xi32>
    %sub3A_1312 = arith.subi %add3A_19, %sub3A_1310 : vector<16xi32>
    %mul3A_1313 = arith.muli %sub3A_1312, %add3A_15 : vector<16xi32>
    %add3A_1314 = arith.addi %mul3A_1311, %mul3A_1313 : vector<16xi32>
    %swap3A_1315 = arith.constant 3 : i32
    %swap3A_1316 = arith.index_cast %swap3A_1315 : i32 to index
    %swap3A_1317 = arith.constant 64 : index
    %swap3A_1318 = tpu.vector_load %arg20[%swap3A_1316, %swap3A_1317] {strides = array<i32>} : memref<5x128xi32, #tpu.memory_space<vmem>>, vector<1x16xi32>,
    %swap3A_1319 = vector.shape_cast %swap3A_1318 : vector<1x16xi32> to vector<16xi32>
    %swap3A_1320 = vector.shape_cast %add3A_1314 : vector<16xi32> to vector<1x16xi32>
    tpu.vector_store %arg20[%swap3A_1316, %swap3A_1317], %swap3A_1320 {strides = array<i32>} : memref<5x128xi32, #tpu.memory_space<vmem>>, vector<1x16xi32>,
    %get3A_1321 = arith.constant 448 : index
    %get3A_1322 = tpu.vector_load %arg12[%get3A_1321] {strides = array<i32>} : memref<640xf32, #tpu.memory_space<vmem>>, vector<16xf32>,
    %get3A_1323 = vector.shape_cast %get3A_1322 : vector<16xf32> to vector<16xf32>
    %get3A_1324 = arith.constant 448 : index
    %get3A_1325 = tpu.vector_load %arg14[%get3A_1324] {strides = array<i32>} : memref<640xf32, #tpu.memory_space<vmem>>, vector<16xf32>,
    %get3A_1326 = vector.shape_cast %get3A_1325 : vector<16xf32> to vector<16xf32>
    %add3A_1327 = arith.addf %get3A_1323, %get3A_1326 : vector<16xf32>
    %mul3A_1328 = arith.constant 5.000000e-01 : f32
    %mul3A_1329 = vector.broadcast %mul3A_1328 : f32 to vector<16xf32>
    %mul3A_1330 = arith.mulf %add3A_1327, %mul3A_1329 : vector<16xf32>
    %swap3A_1331 = arith.constant 448 : index
    %swap3A_1332 = tpu.vector_load %arg16[%swap3A_1331] {strides = array<i32>} : memref<640xf32, #tpu.memory_space<vmem>>, vector<16xf32>,
    %swap3A_1333 = vector.shape_cast %swap3A_1332 : vector<16xf32> to vector<16xf32>
    %swap3A_1334 = vector.shape_cast %mul3A_1330 : vector<16xf32> to vector<16xf32>
    tpu.vector_store %arg16[%swap3A_1331], %swap3A_1334 {strides = array<i32>} : memref<640xf32, #tpu.memory_space<vmem>>, vector<16xf32>,
    %get3A_1335 = arith.constant 448 : index
    %get3A_1336 = tpu.vector_load %arg13[%get3A_1335] {strides = array<i32>} : memref<640xf32, #tpu.memory_space<vmem>>, vector<16xf32>,
    %get3A_1337 = vector.shape_cast %get3A_1336 : vector<16xf32> to vector<16xf32>
    %get3A_1338 = arith.constant 448 : index
    %get3A_1339 = tpu.vector_load %arg15[%get3A_1338] {strides = array<i32>} : memref<640xf32, #tpu.memory_space<vmem>>, vector<16xf32>,
    %get3A_1340 = vector.shape_cast %get3A_1339 : vector<16xf32> to vector<16xf32>
    %add3A_1341 = arith.addf %get3A_1337, %get3A_1340 : vector<16xf32>
    %mul3A_1342 = arith.constant 5.000000e-01 : f32
    %mul3A_1343 = vector.broadcast %mul3A_1342 : f32 to vector<16xf32>
    %mul3A_1344 = arith.mulf %add3A_1341, %mul3A_1343 : vector<16xf32>
    %swap3A_1345 = arith.constant 448 : index
    %swap3A_1346 = tpu.vector_load %arg17[%swap3A_1345] {strides = array<i32>} : memref<640xf32, #tpu.memory_space<vmem>>, vector<16xf32>,
    %swap3A_1347 = vector.shape_cast %swap3A_1346 : vector<16xf32> to vector<16xf32>
    %swap3A_1348 = vector.shape_cast %mul3A_1344 : vector<16xf32> to vector<16xf32>
    tpu.vector_store %arg17[%swap3A_1345], %swap3A_1348 {strides = array<i32>} : memref<640xf32, #tpu.memory_space<vmem>>, vector<16xf32>,
    %add3A_1349 = arith.addi %add3A_1303, %sub3A_1310 : vector<16xi32>
    %get3A_1350 = arith.constant 464 : index
    %get3A_1351 = tpu.vector_load %arg11[%get3A_1350] {strides = array<i32>} : memref<640xi32, #tpu.memory_space<vmem>>, vector<16xi32>,
    %get3A_1352 = vector.shape_cast %get3A_1351 : vector<16xi32> to vector<16xi32>
    %sub3A_1353 = arith.subi %get3A_1352, %get3A_6 : vector<16xi32>
    %abs3A_1354 = math.absi %sub3A_1353 : vector<16xi32>
    %min3A_1355 = arith.minsi %abs3A_1354, %add3A_19 : vector<16xi32>
    %sub3A_1356 = arith.subi %add3A_19, %min3A_1355 : vector<16xi32>
    %mul3A_1357 = arith.muli %sub3A_1356, %add3A_1349 : vector<16xi32>
    %sub3A_1358 = arith.subi %add3A_19, %sub3A_1356 : vector<16xi32>
    %mul3A_1359 = arith.muli %sub3A_1358, %add3A_15 : vector<16xi32>
    %add3A_1360 = arith.addi %mul3A_1357, %mul3A_1359 : vector<16xi32>
    %swap3A_1361 = arith.constant 3 : i32
    %swap3A_1362 = arith.index_cast %swap3A_1361 : i32 to index
    %swap3A_1363 = arith.constant 80 : index
    %swap3A_1364 = tpu.vector_load %arg20[%swap3A_1362, %swap3A_1363] {strides = array<i32>} : memref<5x128xi32, #tpu.memory_space<vmem>>, vector<1x16xi32>,
    %swap3A_1365 = vector.shape_cast %swap3A_1364 : vector<1x16xi32> to vector<16xi32>
    %swap3A_1366 = vector.shape_cast %add3A_1360 : vector<16xi32> to vector<1x16xi32>
    tpu.vector_store %arg20[%swap3A_1362, %swap3A_1363], %swap3A_1366 {strides = array<i32>} : memref<5x128xi32, #tpu.memory_space<vmem>>, vector<1x16xi32>,
    %get3A_1367 = arith.constant 464 : index
    %get3A_1368 = tpu.vector_load %arg12[%get3A_1367] {strides = array<i32>} : memref<640xf32, #tpu.memory_space<vmem>>, vector<16xf32>,
    %get3A_1369 = vector.shape_cast %get3A_1368 : vector<16xf32> to vector<16xf32>
    %get3A_1370 = arith.constant 464 : index
    %get3A_1371 = tpu.vector_load %arg14[%get3A_1370] {strides = array<i32>} : memref<640xf32, #tpu.memory_space<vmem>>, vector<16xf32>,
    %get3A_1372 = vector.shape_cast %get3A_1371 : vector<16xf32> to vector<16xf32>
    %add3A_1373 = arith.addf %get3A_1369, %get3A_1372 : vector<16xf32>
    %mul3A_1374 = arith.constant 5.000000e-01 : f32
    %mul3A_1375 = vector.broadcast %mul3A_1374 : f32 to vector<16xf32>
    %mul3A_1376 = arith.mulf %add3A_1373, %mul3A_1375 : vector<16xf32>
    %swap3A_1377 = arith.constant 464 : index
    %swap3A_1378 = tpu.vector_load %arg16[%swap3A_1377] {strides = array<i32>} : memref<640xf32, #tpu.memory_space<vmem>>, vector<16xf32>,
    %swap3A_1379 = vector.shape_cast %swap3A_1378 : vector<16xf32> to vector<16xf32>
    %swap3A_1380 = vector.shape_cast %mul3A_1376 : vector<16xf32> to vector<16xf32>
    tpu.vector_store %arg16[%swap3A_1377], %swap3A_1380 {strides = array<i32>} : memref<640xf32, #tpu.memory_space<vmem>>, vector<16xf32>,
    %get3A_1381 = arith.constant 464 : index
    %get3A_1382 = tpu.vector_load %arg13[%get3A_1381] {strides = array<i32>} : memref<640xf32, #tpu.memory_space<vmem>>, vector<16xf32>,
    %get3A_1383 = vector.shape_cast %get3A_1382 : vector<16xf32> to vector<16xf32>
    %get3A_1384 = arith.constant 464 : index
    %get3A_1385 = tpu.vector_load %arg15[%get3A_1384] {strides = array<i32>} : memref<640xf32, #tpu.memory_space<vmem>>, vector<16xf32>,
    %get3A_1386 = vector.shape_cast %get3A_1385 : vector<16xf32> to vector<16xf32>
    %add3A_1387 = arith.addf %get3A_1383, %get3A_1386 : vector<16xf32>
    %mul3A_1388 = arith.constant 5.000000e-01 : f32
    %mul3A_1389 = vector.broadcast %mul3A_1388 : f32 to vector<16xf32>
    %mul3A_1390 = arith.mulf %add3A_1387, %mul3A_1389 : vector<16xf32>
    %swap3A_1391 = arith.constant 464 : index
    %swap3A_1392 = tpu.vector_load %arg17[%swap3A_1391] {strides = array<i32>} : memref<640xf32, #tpu.memory_space<vmem>>, vector<16xf32>,
    %swap3A_1393 = vector.shape_cast %swap3A_1392 : vector<16xf32> to vector<16xf32>
    %swap3A_1394 = vector.shape_cast %mul3A_1390 : vector<16xf32> to vector<16xf32>
    tpu.vector_store %arg17[%swap3A_1391], %swap3A_1394 {strides = array<i32>} : memref<640xf32, #tpu.memory_space<vmem>>, vector<16xf32>,
    %add3A_1395 = arith.addi %add3A_1349, %sub3A_1356 : vector<16xi32>
    %get3A_1396 = arith.constant 480 : index
    %get3A_1397 = tpu.vector_load %arg11[%get3A_1396] {strides = array<i32>} : memref<640xi32, #tpu.memory_space<vmem>>, vector<16xi32>,
    %get3A_1398 = vector.shape_cast %get3A_1397 : vector<16xi32> to vector<16xi32>
    %sub3A_1399 = arith.subi %get3A_1398, %get3A_6 : vector<16xi32>
    %abs3A_1400 = math.absi %sub3A_1399 : vector<16xi32>
    %min3A_1401 = arith.minsi %abs3A_1400, %add3A_19 : vector<16xi32>
    %sub3A_1402 = arith.subi %add3A_19, %min3A_1401 : vector<16xi32>
    %mul3A_1403 = arith.muli %sub3A_1402, %add3A_1395 : vector<16xi32>
    %sub3A_1404 = arith.subi %add3A_19, %sub3A_1402 : vector<16xi32>
    %mul3A_1405 = arith.muli %sub3A_1404, %add3A_15 : vector<16xi32>
    %add3A_1406 = arith.addi %mul3A_1403, %mul3A_1405 : vector<16xi32>
    %swap3A_1407 = arith.constant 3 : i32
    %swap3A_1408 = arith.index_cast %swap3A_1407 : i32 to index
    %swap3A_1409 = arith.constant 96 : index
    %swap3A_1410 = tpu.vector_load %arg20[%swap3A_1408, %swap3A_1409] {strides = array<i32>} : memref<5x128xi32, #tpu.memory_space<vmem>>, vector<1x16xi32>,
    %swap3A_1411 = vector.shape_cast %swap3A_1410 : vector<1x16xi32> to vector<16xi32>
    %swap3A_1412 = vector.shape_cast %add3A_1406 : vector<16xi32> to vector<1x16xi32>
    tpu.vector_store %arg20[%swap3A_1408, %swap3A_1409], %swap3A_1412 {strides = array<i32>} : memref<5x128xi32, #tpu.memory_space<vmem>>, vector<1x16xi32>,
    %get3A_1413 = arith.constant 480 : index
    %get3A_1414 = tpu.vector_load %arg12[%get3A_1413] {strides = array<i32>} : memref<640xf32, #tpu.memory_space<vmem>>, vector<16xf32>,
    %get3A_1415 = vector.shape_cast %get3A_1414 : vector<16xf32> to vector<16xf32>
    %get3A_1416 = arith.constant 480 : index
    %get3A_1417 = tpu.vector_load %arg14[%get3A_1416] {strides = array<i32>} : memref<640xf32, #tpu.memory_space<vmem>>, vector<16xf32>,
    %get3A_1418 = vector.shape_cast %get3A_1417 : vector<16xf32> to vector<16xf32>
    %add3A_1419 = arith.addf %get3A_1415, %get3A_1418 : vector<16xf32>
    %mul3A_1420 = arith.constant 5.000000e-01 : f32
    %mul3A_1421 = vector.broadcast %mul3A_1420 : f32 to vector<16xf32>
    %mul3A_1422 = arith.mulf %add3A_1419, %mul3A_1421 : vector<16xf32>
    %swap3A_1423 = arith.constant 480 : index
    %swap3A_1424 = tpu.vector_load %arg16[%swap3A_1423] {strides = array<i32>} : memref<640xf32, #tpu.memory_space<vmem>>, vector<16xf32>,
    %swap3A_1425 = vector.shape_cast %swap3A_1424 : vector<16xf32> to vector<16xf32>
    %swap3A_1426 = vector.shape_cast %mul3A_1422 : vector<16xf32> to vector<16xf32>
    tpu.vector_store %arg16[%swap3A_1423], %swap3A_1426 {strides = array<i32>} : memref<640xf32, #tpu.memory_space<vmem>>, vector<16xf32>,
    %get3A_1427 = arith.constant 480 : index
    %get3A_1428 = tpu.vector_load %arg13[%get3A_1427] {strides = array<i32>} : memref<640xf32, #tpu.memory_space<vmem>>, vector<16xf32>,
    %get3A_1429 = vector.shape_cast %get3A_1428 : vector<16xf32> to vector<16xf32>
    %get3A_1430 = arith.constant 480 : index
    %get3A_1431 = tpu.vector_load %arg15[%get3A_1430] {strides = array<i32>} : memref<640xf32, #tpu.memory_space<vmem>>, vector<16xf32>,
    %get3A_1432 = vector.shape_cast %get3A_1431 : vector<16xf32> to vector<16xf32>
    %add3A_1433 = arith.addf %get3A_1429, %get3A_1432 : vector<16xf32>
    %mul3A_1434 = arith.constant 5.000000e-01 : f32
    %mul3A_1435 = vector.broadcast %mul3A_1434 : f32 to vector<16xf32>
    %mul3A_1436 = arith.mulf %add3A_1433, %mul3A_1435 : vector<16xf32>
    %swap3A_1437 = arith.constant 480 : index
    %swap3A_1438 = tpu.vector_load %arg17[%swap3A_1437] {strides = array<i32>} : memref<640xf32, #tpu.memory_space<vmem>>, vector<16xf32>,
    %swap3A_1439 = vector.shape_cast %swap3A_1438 : vector<16xf32> to vector<16xf32>
    %swap3A_1440 = vector.shape_cast %mul3A_1436 : vector<16xf32> to vector<16xf32>
    tpu.vector_store %arg17[%swap3A_1437], %swap3A_1440 {strides = array<i32>} : memref<640xf32, #tpu.memory_space<vmem>>, vector<16xf32>,
    %add3A_1441 = arith.addi %add3A_1395, %sub3A_1402 : vector<16xi32>
    %get3A_1442 = arith.constant 496 : index
    %get3A_1443 = tpu.vector_load %arg11[%get3A_1442] {strides = array<i32>} : memref<640xi32, #tpu.memory_space<vmem>>, vector<16xi32>,
    %get3A_1444 = vector.shape_cast %get3A_1443 : vector<16xi32> to vector<16xi32>
    %sub3A_1445 = arith.subi %get3A_1444, %get3A_6 : vector<16xi32>
    %abs3A_1446 = math.absi %sub3A_1445 : vector<16xi32>
    %min3A_1447 = arith.minsi %abs3A_1446, %add3A_19 : vector<16xi32>
    %sub3A_1448 = arith.subi %add3A_19, %min3A_1447 : vector<16xi32>
    %mul3A_1449 = arith.muli %sub3A_1448, %add3A_1441 : vector<16xi32>
    %sub3A_1450 = arith.subi %add3A_19, %sub3A_1448 : vector<16xi32>
    %mul3A_1451 = arith.muli %sub3A_1450, %add3A_15 : vector<16xi32>
    %add3A_1452 = arith.addi %mul3A_1449, %mul3A_1451 : vector<16xi32>
    %swap3A_1453 = arith.constant 3 : i32
    %swap3A_1454 = arith.index_cast %swap3A_1453 : i32 to index
    %swap3A_1455 = arith.constant 112 : index
    %swap3A_1456 = tpu.vector_load %arg20[%swap3A_1454, %swap3A_1455] {strides = array<i32>} : memref<5x128xi32, #tpu.memory_space<vmem>>, vector<1x16xi32>,
    %swap3A_1457 = vector.shape_cast %swap3A_1456 : vector<1x16xi32> to vector<16xi32>
    %swap3A_1458 = vector.shape_cast %add3A_1452 : vector<16xi32> to vector<1x16xi32>
    tpu.vector_store %arg20[%swap3A_1454, %swap3A_1455], %swap3A_1458 {strides = array<i32>} : memref<5x128xi32, #tpu.memory_space<vmem>>, vector<1x16xi32>,
    %get3A_1459 = arith.constant 496 : index
    %get3A_1460 = tpu.vector_load %arg12[%get3A_1459] {strides = array<i32>} : memref<640xf32, #tpu.memory_space<vmem>>, vector<16xf32>,
    %get3A_1461 = vector.shape_cast %get3A_1460 : vector<16xf32> to vector<16xf32>
    %get3A_1462 = arith.constant 496 : index
    %get3A_1463 = tpu.vector_load %arg14[%get3A_1462] {strides = array<i32>} : memref<640xf32, #tpu.memory_space<vmem>>, vector<16xf32>,
    %get3A_1464 = vector.shape_cast %get3A_1463 : vector<16xf32> to vector<16xf32>
    %add3A_1465 = arith.addf %get3A_1461, %get3A_1464 : vector<16xf32>
    %mul3A_1466 = arith.constant 5.000000e-01 : f32
    %mul3A_1467 = vector.broadcast %mul3A_1466 : f32 to vector<16xf32>
    %mul3A_1468 = arith.mulf %add3A_1465, %mul3A_1467 : vector<16xf32>
    %swap3A_1469 = arith.constant 496 : index
    %swap3A_1470 = tpu.vector_load %arg16[%swap3A_1469] {strides = array<i32>} : memref<640xf32, #tpu.memory_space<vmem>>, vector<16xf32>,
    %swap3A_1471 = vector.shape_cast %swap3A_1470 : vector<16xf32> to vector<16xf32>
    %swap3A_1472 = vector.shape_cast %mul3A_1468 : vector<16xf32> to vector<16xf32>
    tpu.vector_store %arg16[%swap3A_1469], %swap3A_1472 {strides = array<i32>} : memref<640xf32, #tpu.memory_space<vmem>>, vector<16xf32>,
    %get3A_1473 = arith.constant 496 : index
    %get3A_1474 = tpu.vector_load %arg13[%get3A_1473] {strides = array<i32>} : memref<640xf32, #tpu.memory_space<vmem>>, vector<16xf32>,
    %get3A_1475 = vector.shape_cast %get3A_1474 : vector<16xf32> to vector<16xf32>
    %get3A_1476 = arith.constant 496 : index
    %get3A_1477 = tpu.vector_load %arg15[%get3A_1476] {strides = array<i32>} : memref<640xf32, #tpu.memory_space<vmem>>, vector<16xf32>,
    %get3A_1478 = vector.shape_cast %get3A_1477 : vector<16xf32> to vector<16xf32>
    %add3A_1479 = arith.addf %get3A_1475, %get3A_1478 : vector<16xf32>
    %mul3A_1480 = arith.constant 5.000000e-01 : f32
    %mul3A_1481 = vector.broadcast %mul3A_1480 : f32 to vector<16xf32>
    %mul3A_1482 = arith.mulf %add3A_1479, %mul3A_1481 : vector<16xf32>
    %swap3A_1483 = arith.constant 496 : index
    %swap3A_1484 = tpu.vector_load %arg17[%swap3A_1483] {strides = array<i32>} : memref<640xf32, #tpu.memory_space<vmem>>, vector<16xf32>,
    %swap3A_1485 = vector.shape_cast %swap3A_1484 : vector<16xf32> to vector<16xf32>
    %swap3A_1486 = vector.shape_cast %mul3A_1482 : vector<16xf32> to vector<16xf32>
    tpu.vector_store %arg17[%swap3A_1483], %swap3A_1486 {strides = array<i32>} : memref<640xf32, #tpu.memory_space<vmem>>, vector<16xf32>,
    %add3A_1487 = arith.addi %add3A_1441, %sub3A_1448 : vector<16xi32>
    %get3A_1488 = arith.constant 512 : index
    %get3A_1489 = tpu.vector_load %arg11[%get3A_1488] {strides = array<i32>} : memref<640xi32, #tpu.memory_space<vmem>>, vector<16xi32>,
    %get3A_1490 = vector.shape_cast %get3A_1489 : vector<16xi32> to vector<16xi32>
    %sub3A_1491 = arith.subi %get3A_1490, %get3A_6 : vector<16xi32>
    %abs3A_1492 = math.absi %sub3A_1491 : vector<16xi32>
    %min3A_1493 = arith.minsi %abs3A_1492, %add3A_19 : vector<16xi32>
    %sub3A_1494 = arith.subi %add3A_19, %min3A_1493 : vector<16xi32>
    %mul3A_1495 = arith.muli %sub3A_1494, %add3A_1487 : vector<16xi32>
    %sub3A_1496 = arith.subi %add3A_19, %sub3A_1494 : vector<16xi32>
    %mul3A_1497 = arith.muli %sub3A_1496, %add3A_15 : vector<16xi32>
    %add3A_1498 = arith.addi %mul3A_1495, %mul3A_1497 : vector<16xi32>
    %swap3A_1499 = arith.constant 4 : i32
    %swap3A_1500 = arith.index_cast %swap3A_1499 : i32 to index
    %swap3A_1501 = arith.constant 0 : index
    %swap3A_1502 = tpu.vector_load %arg20[%swap3A_1500, %swap3A_1501] {strides = array<i32>} : memref<5x128xi32, #tpu.memory_space<vmem>>, vector<1x16xi32>,
    %swap3A_1503 = vector.shape_cast %swap3A_1502 : vector<1x16xi32> to vector<16xi32>
    %swap3A_1504 = vector.shape_cast %add3A_1498 : vector<16xi32> to vector<1x16xi32>
    tpu.vector_store %arg20[%swap3A_1500, %swap3A_1501], %swap3A_1504 {strides = array<i32>} : memref<5x128xi32, #tpu.memory_space<vmem>>, vector<1x16xi32>,
    %get3A_1505 = arith.constant 512 : index
    %get3A_1506 = tpu.vector_load %arg12[%get3A_1505] {strides = array<i32>} : memref<640xf32, #tpu.memory_space<vmem>>, vector<16xf32>,
    %get3A_1507 = vector.shape_cast %get3A_1506 : vector<16xf32> to vector<16xf32>
    %get3A_1508 = arith.constant 512 : index
    %get3A_1509 = tpu.vector_load %arg14[%get3A_1508] {strides = array<i32>} : memref<640xf32, #tpu.memory_space<vmem>>, vector<16xf32>,
    %get3A_1510 = vector.shape_cast %get3A_1509 : vector<16xf32> to vector<16xf32>
    %add3A_1511 = arith.addf %get3A_1507, %get3A_1510 : vector<16xf32>
    %mul3A_1512 = arith.constant 5.000000e-01 : f32
    %mul3A_1513 = vector.broadcast %mul3A_1512 : f32 to vector<16xf32>
    %mul3A_1514 = arith.mulf %add3A_1511, %mul3A_1513 : vector<16xf32>
    %swap3A_1515 = arith.constant 512 : index
    %swap3A_1516 = tpu.vector_load %arg16[%swap3A_1515] {strides = array<i32>} : memref<640xf32, #tpu.memory_space<vmem>>, vector<16xf32>,
    %swap3A_1517 = vector.shape_cast %swap3A_1516 : vector<16xf32> to vector<16xf32>
    %swap3A_1518 = vector.shape_cast %mul3A_1514 : vector<16xf32> to vector<16xf32>
    tpu.vector_store %arg16[%swap3A_1515], %swap3A_1518 {strides = array<i32>} : memref<640xf32, #tpu.memory_space<vmem>>, vector<16xf32>,
    %get3A_1519 = arith.constant 512 : index
    %get3A_1520 = tpu.vector_load %arg13[%get3A_1519] {strides = array<i32>} : memref<640xf32, #tpu.memory_space<vmem>>, vector<16xf32>,
    %get3A_1521 = vector.shape_cast %get3A_1520 : vector<16xf32> to vector<16xf32>
    %get3A_1522 = arith.constant 512 : index
    %get3A_1523 = tpu.vector_load %arg15[%get3A_1522] {strides = array<i32>} : memref<640xf32, #tpu.memory_space<vmem>>, vector<16xf32>,
    %get3A_1524 = vector.shape_cast %get3A_1523 : vector<16xf32> to vector<16xf32>
    %add3A_1525 = arith.addf %get3A_1521, %get3A_1524 : vector<16xf32>
    %mul3A_1526 = arith.constant 5.000000e-01 : f32
    %mul3A_1527 = vector.broadcast %mul3A_1526 : f32 to vector<16xf32>
    %mul3A_1528 = arith.mulf %add3A_1525, %mul3A_1527 : vector<16xf32>
    %swap3A_1529 = arith.constant 512 : index
    %swap3A_1530 = tpu.vector_load %arg17[%swap3A_1529] {strides = array<i32>} : memref<640xf32, #tpu.memory_space<vmem>>, vector<16xf32>,
    %swap3A_1531 = vector.shape_cast %swap3A_1530 : vector<16xf32> to vector<16xf32>
    %swap3A_1532 = vector.shape_cast %mul3A_1528 : vector<16xf32> to vector<16xf32>
    tpu.vector_store %arg17[%swap3A_1529], %swap3A_1532 {strides = array<i32>} : memref<640xf32, #tpu.memory_space<vmem>>, vector<16xf32>,
    %add3A_1533 = arith.addi %add3A_1487, %sub3A_1494 : vector<16xi32>
    %get3A_1534 = arith.constant 528 : index
    %get3A_1535 = tpu.vector_load %arg11[%get3A_1534] {strides = array<i32>} : memref<640xi32, #tpu.memory_space<vmem>>, vector<16xi32>,
    %get3A_1536 = vector.shape_cast %get3A_1535 : vector<16xi32> to vector<16xi32>
    %sub3A_1537 = arith.subi %get3A_1536, %get3A_6 : vector<16xi32>
    %abs3A_1538 = math.absi %sub3A_1537 : vector<16xi32>
    %min3A_1539 = arith.minsi %abs3A_1538, %add3A_19 : vector<16xi32>
    %sub3A_1540 = arith.subi %add3A_19, %min3A_1539 : vector<16xi32>
    %mul3A_1541 = arith.muli %sub3A_1540, %add3A_1533 : vector<16xi32>
    %sub3A_1542 = arith.subi %add3A_19, %sub3A_1540 : vector<16xi32>
    %mul3A_1543 = arith.muli %sub3A_1542, %add3A_15 : vector<16xi32>
    %add3A_1544 = arith.addi %mul3A_1541, %mul3A_1543 : vector<16xi32>
    %swap3A_1545 = arith.constant 4 : i32
    %swap3A_1546 = arith.index_cast %swap3A_1545 : i32 to index
    %swap3A_1547 = arith.constant 16 : index
    %swap3A_1548 = tpu.vector_load %arg20[%swap3A_1546, %swap3A_1547] {strides = array<i32>} : memref<5x128xi32, #tpu.memory_space<vmem>>, vector<1x16xi32>,
    %swap3A_1549 = vector.shape_cast %swap3A_1548 : vector<1x16xi32> to vector<16xi32>
    %swap3A_1550 = vector.shape_cast %add3A_1544 : vector<16xi32> to vector<1x16xi32>
    tpu.vector_store %arg20[%swap3A_1546, %swap3A_1547], %swap3A_1550 {strides = array<i32>} : memref<5x128xi32, #tpu.memory_space<vmem>>, vector<1x16xi32>,
    %get3A_1551 = arith.constant 528 : index
    %get3A_1552 = tpu.vector_load %arg12[%get3A_1551] {strides = array<i32>} : memref<640xf32, #tpu.memory_space<vmem>>, vector<16xf32>,
    %get3A_1553 = vector.shape_cast %get3A_1552 : vector<16xf32> to vector<16xf32>
    %get3A_1554 = arith.constant 528 : index
    %get3A_1555 = tpu.vector_load %arg14[%get3A_1554] {strides = array<i32>} : memref<640xf32, #tpu.memory_space<vmem>>, vector<16xf32>,
    %get3A_1556 = vector.shape_cast %get3A_1555 : vector<16xf32> to vector<16xf32>
    %add3A_1557 = arith.addf %get3A_1553, %get3A_1556 : vector<16xf32>
    %mul3A_1558 = arith.constant 5.000000e-01 : f32
    %mul3A_1559 = vector.broadcast %mul3A_1558 : f32 to vector<16xf32>
    %mul3A_1560 = arith.mulf %add3A_1557, %mul3A_1559 : vector<16xf32>
    %swap3A_1561 = arith.constant 528 : index
    %swap3A_1562 = tpu.vector_load %arg16[%swap3A_1561] {strides = array<i32>} : memref<640xf32, #tpu.memory_space<vmem>>, vector<16xf32>,
    %swap3A_1563 = vector.shape_cast %swap3A_1562 : vector<16xf32> to vector<16xf32>
    %swap3A_1564 = vector.shape_cast %mul3A_1560 : vector<16xf32> to vector<16xf32>
    tpu.vector_store %arg16[%swap3A_1561], %swap3A_1564 {strides = array<i32>} : memref<640xf32, #tpu.memory_space<vmem>>, vector<16xf32>,
    %get3A_1565 = arith.constant 528 : index
    %get3A_1566 = tpu.vector_load %arg13[%get3A_1565] {strides = array<i32>} : memref<640xf32, #tpu.memory_space<vmem>>, vector<16xf32>,
    %get3A_1567 = vector.shape_cast %get3A_1566 : vector<16xf32> to vector<16xf32>
    %get3A_1568 = arith.constant 528 : index
    %get3A_1569 = tpu.vector_load %arg15[%get3A_1568] {strides = array<i32>} : memref<640xf32, #tpu.memory_space<vmem>>, vector<16xf32>,
    %get3A_1570 = vector.shape_cast %get3A_1569 : vector<16xf32> to vector<16xf32>
    %add3A_1571 = arith.addf %get3A_1567, %get3A_1570 : vector<16xf32>
    %mul3A_1572 = arith.constant 5.000000e-01 : f32
    %mul3A_1573 = vector.broadcast %mul3A_1572 : f32 to vector<16xf32>
    %mul3A_1574 = arith.mulf %add3A_1571, %mul3A_1573 : vector<16xf32>
    %swap3A_1575 = arith.constant 528 : index
    %swap3A_1576 = tpu.vector_load %arg17[%swap3A_1575] {strides = array<i32>} : memref<640xf32, #tpu.memory_space<vmem>>, vector<16xf32>,
    %swap3A_1577 = vector.shape_cast %swap3A_1576 : vector<16xf32> to vector<16xf32>
    %swap3A_1578 = vector.shape_cast %mul3A_1574 : vector<16xf32> to vector<16xf32>
    tpu.vector_store %arg17[%swap3A_1575], %swap3A_1578 {strides = array<i32>} : memref<640xf32, #tpu.memory_space<vmem>>, vector<16xf32>,
    %add3A_1579 = arith.addi %add3A_1533, %sub3A_1540 : vector<16xi32>
    %get3A_1580 = arith.constant 544 : index
    %get3A_1581 = tpu.vector_load %arg11[%get3A_1580] {strides = array<i32>} : memref<640xi32, #tpu.memory_space<vmem>>, vector<16xi32>,
    %get3A_1582 = vector.shape_cast %get3A_1581 : vector<16xi32> to vector<16xi32>
    %sub3A_1583 = arith.subi %get3A_1582, %get3A_6 : vector<16xi32>
    %abs3A_1584 = math.absi %sub3A_1583 : vector<16xi32>
    %min3A_1585 = arith.minsi %abs3A_1584, %add3A_19 : vector<16xi32>
    %sub3A_1586 = arith.subi %add3A_19, %min3A_1585 : vector<16xi32>
    %mul3A_1587 = arith.muli %sub3A_1586, %add3A_1579 : vector<16xi32>
    %sub3A_1588 = arith.subi %add3A_19, %sub3A_1586 : vector<16xi32>
    %mul3A_1589 = arith.muli %sub3A_1588, %add3A_15 : vector<16xi32>
    %add3A_1590 = arith.addi %mul3A_1587, %mul3A_1589 : vector<16xi32>
    %swap3A_1591 = arith.constant 4 : i32
    %swap3A_1592 = arith.index_cast %swap3A_1591 : i32 to index
    %swap3A_1593 = arith.constant 32 : index
    %swap3A_1594 = tpu.vector_load %arg20[%swap3A_1592, %swap3A_1593] {strides = array<i32>} : memref<5x128xi32, #tpu.memory_space<vmem>>, vector<1x16xi32>,
    %swap3A_1595 = vector.shape_cast %swap3A_1594 : vector<1x16xi32> to vector<16xi32>
    %swap3A_1596 = vector.shape_cast %add3A_1590 : vector<16xi32> to vector<1x16xi32>
    tpu.vector_store %arg20[%swap3A_1592, %swap3A_1593], %swap3A_1596 {strides = array<i32>} : memref<5x128xi32, #tpu.memory_space<vmem>>, vector<1x16xi32>,
    %get3A_1597 = arith.constant 544 : index
    %get3A_1598 = tpu.vector_load %arg12[%get3A_1597] {strides = array<i32>} : memref<640xf32, #tpu.memory_space<vmem>>, vector<16xf32>,
    %get3A_1599 = vector.shape_cast %get3A_1598 : vector<16xf32> to vector<16xf32>
    %get3A_1600 = arith.constant 544 : index
    %get3A_1601 = tpu.vector_load %arg14[%get3A_1600] {strides = array<i32>} : memref<640xf32, #tpu.memory_space<vmem>>, vector<16xf32>,
    %get3A_1602 = vector.shape_cast %get3A_1601 : vector<16xf32> to vector<16xf32>
    %add3A_1603 = arith.addf %get3A_1599, %get3A_1602 : vector<16xf32>
    %mul3A_1604 = arith.constant 5.000000e-01 : f32
    %mul3A_1605 = vector.broadcast %mul3A_1604 : f32 to vector<16xf32>
    %mul3A_1606 = arith.mulf %add3A_1603, %mul3A_1605 : vector<16xf32>
    %swap3A_1607 = arith.constant 544 : index
    %swap3A_1608 = tpu.vector_load %arg16[%swap3A_1607] {strides = array<i32>} : memref<640xf32, #tpu.memory_space<vmem>>, vector<16xf32>,
    %swap3A_1609 = vector.shape_cast %swap3A_1608 : vector<16xf32> to vector<16xf32>
    %swap3A_1610 = vector.shape_cast %mul3A_1606 : vector<16xf32> to vector<16xf32>
    tpu.vector_store %arg16[%swap3A_1607], %swap3A_1610 {strides = array<i32>} : memref<640xf32, #tpu.memory_space<vmem>>, vector<16xf32>,
    %get3A_1611 = arith.constant 544 : index
    %get3A_1612 = tpu.vector_load %arg13[%get3A_1611] {strides = array<i32>} : memref<640xf32, #tpu.memory_space<vmem>>, vector<16xf32>,
    %get3A_1613 = vector.shape_cast %get3A_1612 : vector<16xf32> to vector<16xf32>
    %get3A_1614 = arith.constant 544 : index
    %get3A_1615 = tpu.vector_load %arg15[%get3A_1614] {strides = array<i32>} : memref<640xf32, #tpu.memory_space<vmem>>, vector<16xf32>,
    %get3A_1616 = vector.shape_cast %get3A_1615 : vector<16xf32> to vector<16xf32>
    %add3A_1617 = arith.addf %get3A_1613, %get3A_1616 : vector<16xf32>
    %mul3A_1618 = arith.constant 5.000000e-01 : f32
    %mul3A_1619 = vector.broadcast %mul3A_1618 : f32 to vector<16xf32>
    %mul3A_1620 = arith.mulf %add3A_1617, %mul3A_1619 : vector<16xf32>
    %swap3A_1621 = arith.constant 544 : index
    %swap3A_1622 = tpu.vector_load %arg17[%swap3A_1621] {strides = array<i32>} : memref<640xf32, #tpu.memory_space<vmem>>, vector<16xf32>,
    %swap3A_1623 = vector.shape_cast %swap3A_1622 : vector<16xf32> to vector<16xf32>
    %swap3A_1624 = vector.shape_cast %mul3A_1620 : vector<16xf32> to vector<16xf32>
    tpu.vector_store %arg17[%swap3A_1621], %swap3A_1624 {strides = array<i32>} : memref<640xf32, #tpu.memory_space<vmem>>, vector<16xf32>,
    %add3A_1625 = arith.addi %add3A_1579, %sub3A_1586 : vector<16xi32>
    %get3A_1626 = arith.constant 560 : index
    %get3A_1627 = tpu.vector_load %arg11[%get3A_1626] {strides = array<i32>} : memref<640xi32, #tpu.memory_space<vmem>>, vector<16xi32>,
    %get3A_1628 = vector.shape_cast %get3A_1627 : vector<16xi32> to vector<16xi32>
    %sub3A_1629 = arith.subi %get3A_1628, %get3A_6 : vector<16xi32>
    %abs3A_1630 = math.absi %sub3A_1629 : vector<16xi32>
    %min3A_1631 = arith.minsi %abs3A_1630, %add3A_19 : vector<16xi32>
    %sub3A_1632 = arith.subi %add3A_19, %min3A_1631 : vector<16xi32>
    %mul3A_1633 = arith.muli %sub3A_1632, %add3A_1625 : vector<16xi32>
    %sub3A_1634 = arith.subi %add3A_19, %sub3A_1632 : vector<16xi32>
    %mul3A_1635 = arith.muli %sub3A_1634, %add3A_15 : vector<16xi32>
    %add3A_1636 = arith.addi %mul3A_1633, %mul3A_1635 : vector<16xi32>
    %swap3A_1637 = arith.constant 4 : i32
    %swap3A_1638 = arith.index_cast %swap3A_1637 : i32 to index
    %swap3A_1639 = arith.constant 48 : index
    %swap3A_1640 = tpu.vector_load %arg20[%swap3A_1638, %swap3A_1639] {strides = array<i32>} : memref<5x128xi32, #tpu.memory_space<vmem>>, vector<1x16xi32>,
    %swap3A_1641 = vector.shape_cast %swap3A_1640 : vector<1x16xi32> to vector<16xi32>
    %swap3A_1642 = vector.shape_cast %add3A_1636 : vector<16xi32> to vector<1x16xi32>
    tpu.vector_store %arg20[%swap3A_1638, %swap3A_1639], %swap3A_1642 {strides = array<i32>} : memref<5x128xi32, #tpu.memory_space<vmem>>, vector<1x16xi32>,
    %get3A_1643 = arith.constant 560 : index
    %get3A_1644 = tpu.vector_load %arg12[%get3A_1643] {strides = array<i32>} : memref<640xf32, #tpu.memory_space<vmem>>, vector<16xf32>,
    %get3A_1645 = vector.shape_cast %get3A_1644 : vector<16xf32> to vector<16xf32>
    %get3A_1646 = arith.constant 560 : index
    %get3A_1647 = tpu.vector_load %arg14[%get3A_1646] {strides = array<i32>} : memref<640xf32, #tpu.memory_space<vmem>>, vector<16xf32>,
    %get3A_1648 = vector.shape_cast %get3A_1647 : vector<16xf32> to vector<16xf32>
    %add3A_1649 = arith.addf %get3A_1645, %get3A_1648 : vector<16xf32>
    %mul3A_1650 = arith.constant 5.000000e-01 : f32
    %mul3A_1651 = vector.broadcast %mul3A_1650 : f32 to vector<16xf32>
    %mul3A_1652 = arith.mulf %add3A_1649, %mul3A_1651 : vector<16xf32>
    %swap3A_1653 = arith.constant 560 : index
    %swap3A_1654 = tpu.vector_load %arg16[%swap3A_1653] {strides = array<i32>} : memref<640xf32, #tpu.memory_space<vmem>>, vector<16xf32>,
    %swap3A_1655 = vector.shape_cast %swap3A_1654 : vector<16xf32> to vector<16xf32>
    %swap3A_1656 = vector.shape_cast %mul3A_1652 : vector<16xf32> to vector<16xf32>
    tpu.vector_store %arg16[%swap3A_1653], %swap3A_1656 {strides = array<i32>} : memref<640xf32, #tpu.memory_space<vmem>>, vector<16xf32>,
    %get3A_1657 = arith.constant 560 : index
    %get3A_1658 = tpu.vector_load %arg13[%get3A_1657] {strides = array<i32>} : memref<640xf32, #tpu.memory_space<vmem>>, vector<16xf32>,
    %get3A_1659 = vector.shape_cast %get3A_1658 : vector<16xf32> to vector<16xf32>
    %get3A_1660 = arith.constant 560 : index
    %get3A_1661 = tpu.vector_load %arg15[%get3A_1660] {strides = array<i32>} : memref<640xf32, #tpu.memory_space<vmem>>, vector<16xf32>,
    %get3A_1662 = vector.shape_cast %get3A_1661 : vector<16xf32> to vector<16xf32>
    %add3A_1663 = arith.addf %get3A_1659, %get3A_1662 : vector<16xf32>
    %mul3A_1664 = arith.constant 5.000000e-01 : f32
    %mul3A_1665 = vector.broadcast %mul3A_1664 : f32 to vector<16xf32>
    %mul3A_1666 = arith.mulf %add3A_1663, %mul3A_1665 : vector<16xf32>
    %swap3A_1667 = arith.constant 560 : index
    %swap3A_1668 = tpu.vector_load %arg17[%swap3A_1667] {strides = array<i32>} : memref<640xf32, #tpu.memory_space<vmem>>, vector<16xf32>,
    %swap3A_1669 = vector.shape_cast %swap3A_1668 : vector<16xf32> to vector<16xf32>
    %swap3A_1670 = vector.shape_cast %mul3A_1666 : vector<16xf32> to vector<16xf32>
    tpu.vector_store %arg17[%swap3A_1667], %swap3A_1670 {strides = array<i32>} : memref<640xf32, #tpu.memory_space<vmem>>, vector<16xf32>,
    %add3A_1671 = arith.addi %add3A_1625, %sub3A_1632 : vector<16xi32>
    %get3A_1672 = arith.constant 576 : index
    %get3A_1673 = tpu.vector_load %arg11[%get3A_1672] {strides = array<i32>} : memref<640xi32, #tpu.memory_space<vmem>>, vector<16xi32>,
    %get3A_1674 = vector.shape_cast %get3A_1673 : vector<16xi32> to vector<16xi32>
    %sub3A_1675 = arith.subi %get3A_1674, %get3A_6 : vector<16xi32>
    %abs3A_1676 = math.absi %sub3A_1675 : vector<16xi32>
    %min3A_1677 = arith.minsi %abs3A_1676, %add3A_19 : vector<16xi32>
    %sub3A_1678 = arith.subi %add3A_19, %min3A_1677 : vector<16xi32>
    %mul3A_1679 = arith.muli %sub3A_1678, %add3A_1671 : vector<16xi32>
    %sub3A_1680 = arith.subi %add3A_19, %sub3A_1678 : vector<16xi32>
    %mul3A_1681 = arith.muli %sub3A_1680, %add3A_15 : vector<16xi32>
    %add3A_1682 = arith.addi %mul3A_1679, %mul3A_1681 : vector<16xi32>
    %swap3A_1683 = arith.constant 4 : i32
    %swap3A_1684 = arith.index_cast %swap3A_1683 : i32 to index
    %swap3A_1685 = arith.constant 64 : index
    %swap3A_1686 = tpu.vector_load %arg20[%swap3A_1684, %swap3A_1685] {strides = array<i32>} : memref<5x128xi32, #tpu.memory_space<vmem>>, vector<1x16xi32>,
    %swap3A_1687 = vector.shape_cast %swap3A_1686 : vector<1x16xi32> to vector<16xi32>
    %swap3A_1688 = vector.shape_cast %add3A_1682 : vector<16xi32> to vector<1x16xi32>
    tpu.vector_store %arg20[%swap3A_1684, %swap3A_1685], %swap3A_1688 {strides = array<i32>} : memref<5x128xi32, #tpu.memory_space<vmem>>, vector<1x16xi32>,
    %get3A_1689 = arith.constant 576 : index
    %get3A_1690 = tpu.vector_load %arg12[%get3A_1689] {strides = array<i32>} : memref<640xf32, #tpu.memory_space<vmem>>, vector<16xf32>,
    %get3A_1691 = vector.shape_cast %get3A_1690 : vector<16xf32> to vector<16xf32>
    %get3A_1692 = arith.constant 576 : index
    %get3A_1693 = tpu.vector_load %arg14[%get3A_1692] {strides = array<i32>} : memref<640xf32, #tpu.memory_space<vmem>>, vector<16xf32>,
    %get3A_1694 = vector.shape_cast %get3A_1693 : vector<16xf32> to vector<16xf32>
    %add3A_1695 = arith.addf %get3A_1691, %get3A_1694 : vector<16xf32>
    %mul3A_1696 = arith.constant 5.000000e-01 : f32
    %mul3A_1697 = vector.broadcast %mul3A_1696 : f32 to vector<16xf32>
    %mul3A_1698 = arith.mulf %add3A_1695, %mul3A_1697 : vector<16xf32>
    %swap3A_1699 = arith.constant 576 : index
    %swap3A_1700 = tpu.vector_load %arg16[%swap3A_1699] {strides = array<i32>} : memref<640xf32, #tpu.memory_space<vmem>>, vector<16xf32>,
    %swap3A_1701 = vector.shape_cast %swap3A_1700 : vector<16xf32> to vector<16xf32>
    %swap3A_1702 = vector.shape_cast %mul3A_1698 : vector<16xf32> to vector<16xf32>
    tpu.vector_store %arg16[%swap3A_1699], %swap3A_1702 {strides = array<i32>} : memref<640xf32, #tpu.memory_space<vmem>>, vector<16xf32>,
    %get3A_1703 = arith.constant 576 : index
    %get3A_1704 = tpu.vector_load %arg13[%get3A_1703] {strides = array<i32>} : memref<640xf32, #tpu.memory_space<vmem>>, vector<16xf32>,
    %get3A_1705 = vector.shape_cast %get3A_1704 : vector<16xf32> to vector<16xf32>
    %get3A_1706 = arith.constant 576 : index
    %get3A_1707 = tpu.vector_load %arg15[%get3A_1706] {strides = array<i32>} : memref<640xf32, #tpu.memory_space<vmem>>, vector<16xf32>,
    %get3A_1708 = vector.shape_cast %get3A_1707 : vector<16xf32> to vector<16xf32>
    %add3A_1709 = arith.addf %get3A_1705, %get3A_1708 : vector<16xf32>
    %mul3A_1710 = arith.constant 5.000000e-01 : f32
    %mul3A_1711 = vector.broadcast %mul3A_1710 : f32 to vector<16xf32>
    %mul3A_1712 = arith.mulf %add3A_1709, %mul3A_1711 : vector<16xf32>
    %swap3A_1713 = arith.constant 576 : index
    %swap3A_1714 = tpu.vector_load %arg17[%swap3A_1713] {strides = array<i32>} : memref<640xf32, #tpu.memory_space<vmem>>, vector<16xf32>,
    %swap3A_1715 = vector.shape_cast %swap3A_1714 : vector<16xf32> to vector<16xf32>
    %swap3A_1716 = vector.shape_cast %mul3A_1712 : vector<16xf32> to vector<16xf32>
    tpu.vector_store %arg17[%swap3A_1713], %swap3A_1716 {strides = array<i32>} : memref<640xf32, #tpu.memory_space<vmem>>, vector<16xf32>,
    %add3A_1717 = arith.addi %add3A_1671, %sub3A_1678 : vector<16xi32>
    %get3A_1718 = arith.constant 592 : index
    %get3A_1719 = tpu.vector_load %arg11[%get3A_1718] {strides = array<i32>} : memref<640xi32, #tpu.memory_space<vmem>>, vector<16xi32>,
    %get3A_1720 = vector.shape_cast %get3A_1719 : vector<16xi32> to vector<16xi32>
    %sub3A_1721 = arith.subi %get3A_1720, %get3A_6 : vector<16xi32>
    %abs3A_1722 = math.absi %sub3A_1721 : vector<16xi32>
    %min3A_1723 = arith.minsi %abs3A_1722, %add3A_19 : vector<16xi32>
    %sub3A_1724 = arith.subi %add3A_19, %min3A_1723 : vector<16xi32>
    %mul3A_1725 = arith.muli %sub3A_1724, %add3A_1717 : vector<16xi32>
    %sub3A_1726 = arith.subi %add3A_19, %sub3A_1724 : vector<16xi32>
    %mul3A_1727 = arith.muli %sub3A_1726, %add3A_15 : vector<16xi32>
    %add3A_1728 = arith.addi %mul3A_1725, %mul3A_1727 : vector<16xi32>
    %swap3A_1729 = arith.constant 4 : i32
    %swap3A_1730 = arith.index_cast %swap3A_1729 : i32 to index
    %swap3A_1731 = arith.constant 80 : index
    %swap3A_1732 = tpu.vector_load %arg20[%swap3A_1730, %swap3A_1731] {strides = array<i32>} : memref<5x128xi32, #tpu.memory_space<vmem>>, vector<1x16xi32>,
    %swap3A_1733 = vector.shape_cast %swap3A_1732 : vector<1x16xi32> to vector<16xi32>
    %swap3A_1734 = vector.shape_cast %add3A_1728 : vector<16xi32> to vector<1x16xi32>
    tpu.vector_store %arg20[%swap3A_1730, %swap3A_1731], %swap3A_1734 {strides = array<i32>} : memref<5x128xi32, #tpu.memory_space<vmem>>, vector<1x16xi32>,
    %get3A_1735 = arith.constant 592 : index
    %get3A_1736 = tpu.vector_load %arg12[%get3A_1735] {strides = array<i32>} : memref<640xf32, #tpu.memory_space<vmem>>, vector<16xf32>,
    %get3A_1737 = vector.shape_cast %get3A_1736 : vector<16xf32> to vector<16xf32>
    %get3A_1738 = arith.constant 592 : index
    %get3A_1739 = tpu.vector_load %arg14[%get3A_1738] {strides = array<i32>} : memref<640xf32, #tpu.memory_space<vmem>>, vector<16xf32>,
    %get3A_1740 = vector.shape_cast %get3A_1739 : vector<16xf32> to vector<16xf32>
    %add3A_1741 = arith.addf %get3A_1737, %get3A_1740 : vector<16xf32>
    %mul3A_1742 = arith.constant 5.000000e-01 : f32
    %mul3A_1743 = vector.broadcast %mul3A_1742 : f32 to vector<16xf32>
    %mul3A_1744 = arith.mulf %add3A_1741, %mul3A_1743 : vector<16xf32>
    %swap3A_1745 = arith.constant 592 : index
    %swap3A_1746 = tpu.vector_load %arg16[%swap3A_1745] {strides = array<i32>} : memref<640xf32, #tpu.memory_space<vmem>>, vector<16xf32>,
    %swap3A_1747 = vector.shape_cast %swap3A_1746 : vector<16xf32> to vector<16xf32>
    %swap3A_1748 = vector.shape_cast %mul3A_1744 : vector<16xf32> to vector<16xf32>
    tpu.vector_store %arg16[%swap3A_1745], %swap3A_1748 {strides = array<i32>} : memref<640xf32, #tpu.memory_space<vmem>>, vector<16xf32>,
    %get3A_1749 = arith.constant 592 : index
    %get3A_1750 = tpu.vector_load %arg13[%get3A_1749] {strides = array<i32>} : memref<640xf32, #tpu.memory_space<vmem>>, vector<16xf32>,
    %get3A_1751 = vector.shape_cast %get3A_1750 : vector<16xf32> to vector<16xf32>
    %get3A_1752 = arith.constant 592 : index
    %get3A_1753 = tpu.vector_load %arg15[%get3A_1752] {strides = array<i32>} : memref<640xf32, #tpu.memory_space<vmem>>, vector<16xf32>,
    %get3A_1754 = vector.shape_cast %get3A_1753 : vector<16xf32> to vector<16xf32>
    %add3A_1755 = arith.addf %get3A_1751, %get3A_1754 : vector<16xf32>
    %mul3A_1756 = arith.constant 5.000000e-01 : f32
    %mul3A_1757 = vector.broadcast %mul3A_1756 : f32 to vector<16xf32>
    %mul3A_1758 = arith.mulf %add3A_1755, %mul3A_1757 : vector<16xf32>
    %swap3A_1759 = arith.constant 592 : index
    %swap3A_1760 = tpu.vector_load %arg17[%swap3A_1759] {strides = array<i32>} : memref<640xf32, #tpu.memory_space<vmem>>, vector<16xf32>,
    %swap3A_1761 = vector.shape_cast %swap3A_1760 : vector<16xf32> to vector<16xf32>
    %swap3A_1762 = vector.shape_cast %mul3A_1758 : vector<16xf32> to vector<16xf32>
    tpu.vector_store %arg17[%swap3A_1759], %swap3A_1762 {strides = array<i32>} : memref<640xf32, #tpu.memory_space<vmem>>, vector<16xf32>,
    %add3A_1763 = arith.addi %add3A_1717, %sub3A_1724 : vector<16xi32>
    %get3A_1764 = arith.constant 608 : index
    %get3A_1765 = tpu.vector_load %arg11[%get3A_1764] {strides = array<i32>} : memref<640xi32, #tpu.memory_space<vmem>>, vector<16xi32>,
    %get3A_1766 = vector.shape_cast %get3A_1765 : vector<16xi32> to vector<16xi32>
    %sub3A_1767 = arith.subi %get3A_1766, %get3A_6 : vector<16xi32>
    %abs3A_1768 = math.absi %sub3A_1767 : vector<16xi32>
    %min3A_1769 = arith.minsi %abs3A_1768, %add3A_19 : vector<16xi32>
    %sub3A_1770 = arith.subi %add3A_19, %min3A_1769 : vector<16xi32>
    %mul3A_1771 = arith.muli %sub3A_1770, %add3A_1763 : vector<16xi32>
    %sub3A_1772 = arith.subi %add3A_19, %sub3A_1770 : vector<16xi32>
    %mul3A_1773 = arith.muli %sub3A_1772, %add3A_15 : vector<16xi32>
    %add3A_1774 = arith.addi %mul3A_1771, %mul3A_1773 : vector<16xi32>
    %swap3A_1775 = arith.constant 4 : i32
    %swap3A_1776 = arith.index_cast %swap3A_1775 : i32 to index
    %swap3A_1777 = arith.constant 96 : index
    %swap3A_1778 = tpu.vector_load %arg20[%swap3A_1776, %swap3A_1777] {strides = array<i32>} : memref<5x128xi32, #tpu.memory_space<vmem>>, vector<1x16xi32>,
    %swap3A_1779 = vector.shape_cast %swap3A_1778 : vector<1x16xi32> to vector<16xi32>
    %swap3A_1780 = vector.shape_cast %add3A_1774 : vector<16xi32> to vector<1x16xi32>
    tpu.vector_store %arg20[%swap3A_1776, %swap3A_1777], %swap3A_1780 {strides = array<i32>} : memref<5x128xi32, #tpu.memory_space<vmem>>, vector<1x16xi32>,
    %get3A_1781 = arith.constant 608 : index
    %get3A_1782 = tpu.vector_load %arg12[%get3A_1781] {strides = array<i32>} : memref<640xf32, #tpu.memory_space<vmem>>, vector<16xf32>,
    %get3A_1783 = vector.shape_cast %get3A_1782 : vector<16xf32> to vector<16xf32>
    %get3A_1784 = arith.constant 608 : index
    %get3A_1785 = tpu.vector_load %arg14[%get3A_1784] {strides = array<i32>} : memref<640xf32, #tpu.memory_space<vmem>>, vector<16xf32>,
    %get3A_1786 = vector.shape_cast %get3A_1785 : vector<16xf32> to vector<16xf32>
    %add3A_1787 = arith.addf %get3A_1783, %get3A_1786 : vector<16xf32>
    %mul3A_1788 = arith.constant 5.000000e-01 : f32
    %mul3A_1789 = vector.broadcast %mul3A_1788 : f32 to vector<16xf32>
    %mul3A_1790 = arith.mulf %add3A_1787, %mul3A_1789 : vector<16xf32>
    %swap3A_1791 = arith.constant 608 : index
    %swap3A_1792 = tpu.vector_load %arg16[%swap3A_1791] {strides = array<i32>} : memref<640xf32, #tpu.memory_space<vmem>>, vector<16xf32>,
    %swap3A_1793 = vector.shape_cast %swap3A_1792 : vector<16xf32> to vector<16xf32>
    %swap3A_1794 = vector.shape_cast %mul3A_1790 : vector<16xf32> to vector<16xf32>
    tpu.vector_store %arg16[%swap3A_1791], %swap3A_1794 {strides = array<i32>} : memref<640xf32, #tpu.memory_space<vmem>>, vector<16xf32>,
    %get3A_1795 = arith.constant 608 : index
    %get3A_1796 = tpu.vector_load %arg13[%get3A_1795] {strides = array<i32>} : memref<640xf32, #tpu.memory_space<vmem>>, vector<16xf32>,
    %get3A_1797 = vector.shape_cast %get3A_1796 : vector<16xf32> to vector<16xf32>
    %get3A_1798 = arith.constant 608 : index
    %get3A_1799 = tpu.vector_load %arg15[%get3A_1798] {strides = array<i32>} : memref<640xf32, #tpu.memory_space<vmem>>, vector<16xf32>,
    %get3A_1800 = vector.shape_cast %get3A_1799 : vector<16xf32> to vector<16xf32>
    %add3A_1801 = arith.addf %get3A_1797, %get3A_1800 : vector<16xf32>
    %mul3A_1802 = arith.constant 5.000000e-01 : f32
    %mul3A_1803 = vector.broadcast %mul3A_1802 : f32 to vector<16xf32>
    %mul3A_1804 = arith.mulf %add3A_1801, %mul3A_1803 : vector<16xf32>
    %swap3A_1805 = arith.constant 608 : index
    %swap3A_1806 = tpu.vector_load %arg17[%swap3A_1805] {strides = array<i32>} : memref<640xf32, #tpu.memory_space<vmem>>, vector<16xf32>,
    %swap3A_1807 = vector.shape_cast %swap3A_1806 : vector<16xf32> to vector<16xf32>
    %swap3A_1808 = vector.shape_cast %mul3A_1804 : vector<16xf32> to vector<16xf32>
    tpu.vector_store %arg17[%swap3A_1805], %swap3A_1808 {strides = array<i32>} : memref<640xf32, #tpu.memory_space<vmem>>, vector<16xf32>,
    %add3A_1809 = arith.addi %add3A_1763, %sub3A_1770 : vector<16xi32>
    %get3A_1810 = arith.constant 624 : index
    %get3A_1811 = tpu.vector_load %arg11[%get3A_1810] {strides = array<i32>} : memref<640xi32, #tpu.memory_space<vmem>>, vector<16xi32>,
    %get3A_1812 = vector.shape_cast %get3A_1811 : vector<16xi32> to vector<16xi32>
    %sub3A_1813 = arith.subi %get3A_1812, %get3A_6 : vector<16xi32>
    %abs3A_1814 = math.absi %sub3A_1813 : vector<16xi32>
    %min3A_1815 = arith.minsi %abs3A_1814, %add3A_19 : vector<16xi32>
    %sub3A_1816 = arith.subi %add3A_19, %min3A_1815 : vector<16xi32>
    %mul3A_1817 = arith.muli %sub3A_1816, %add3A_1809 : vector<16xi32>
    %sub3A_1818 = arith.subi %add3A_19, %sub3A_1816 : vector<16xi32>
    %mul3A_1819 = arith.muli %sub3A_1818, %add3A_15 : vector<16xi32>
    %add3A_1820 = arith.addi %mul3A_1817, %mul3A_1819 : vector<16xi32>
    %swap3A_1821 = arith.constant 4 : i32
    %swap3A_1822 = arith.index_cast %swap3A_1821 : i32 to index
    %swap3A_1823 = arith.constant 112 : index
    %swap3A_1824 = tpu.vector_load %arg20[%swap3A_1822, %swap3A_1823] {strides = array<i32>} : memref<5x128xi32, #tpu.memory_space<vmem>>, vector<1x16xi32>,
    %swap3A_1825 = vector.shape_cast %swap3A_1824 : vector<1x16xi32> to vector<16xi32>
    %swap3A_1826 = vector.shape_cast %add3A_1820 : vector<16xi32> to vector<1x16xi32>
    tpu.vector_store %arg20[%swap3A_1822, %swap3A_1823], %swap3A_1826 {strides = array<i32>} : memref<5x128xi32, #tpu.memory_space<vmem>>, vector<1x16xi32>,
    %get3A_1827 = arith.constant 624 : index
    %get3A_1828 = tpu.vector_load %arg12[%get3A_1827] {strides = array<i32>} : memref<640xf32, #tpu.memory_space<vmem>>, vector<16xf32>,
    %get3A_1829 = vector.shape_cast %get3A_1828 : vector<16xf32> to vector<16xf32>
    %get3A_1830 = arith.constant 624 : index
    %get3A_1831 = tpu.vector_load %arg14[%get3A_1830] {strides = array<i32>} : memref<640xf32, #tpu.memory_space<vmem>>, vector<16xf32>,
    %get3A_1832 = vector.shape_cast %get3A_1831 : vector<16xf32> to vector<16xf32>
    %add3A_1833 = arith.addf %get3A_1829, %get3A_1832 : vector<16xf32>
    %mul3A_1834 = arith.constant 5.000000e-01 : f32
    %mul3A_1835 = vector.broadcast %mul3A_1834 : f32 to vector<16xf32>
    %mul3A_1836 = arith.mulf %add3A_1833, %mul3A_1835 : vector<16xf32>
    %swap3A_1837 = arith.constant 624 : index
    %swap3A_1838 = tpu.vector_load %arg16[%swap3A_1837] {strides = array<i32>} : memref<640xf32, #tpu.memory_space<vmem>>, vector<16xf32>,
    %swap3A_1839 = vector.shape_cast %swap3A_1838 : vector<16xf32> to vector<16xf32>
    %swap3A_1840 = vector.shape_cast %mul3A_1836 : vector<16xf32> to vector<16xf32>
    tpu.vector_store %arg16[%swap3A_1837], %swap3A_1840 {strides = array<i32>} : memref<640xf32, #tpu.memory_space<vmem>>, vector<16xf32>,
    %get3A_1841 = arith.constant 624 : index
    %get3A_1842 = tpu.vector_load %arg13[%get3A_1841] {strides = array<i32>} : memref<640xf32, #tpu.memory_space<vmem>>, vector<16xf32>,
    %get3A_1843 = vector.shape_cast %get3A_1842 : vector<16xf32> to vector<16xf32>
    %get3A_1844 = arith.constant 624 : index
    %get3A_1845 = tpu.vector_load %arg15[%get3A_1844] {strides = array<i32>} : memref<640xf32, #tpu.memory_space<vmem>>, vector<16xf32>,
    %get3A_1846 = vector.shape_cast %get3A_1845 : vector<16xf32> to vector<16xf32>
    %add3A_1847 = arith.addf %get3A_1843, %get3A_1846 : vector<16xf32>
    %mul3A_1848 = arith.constant 5.000000e-01 : f32
    %mul3A_1849 = vector.broadcast %mul3A_1848 : f32 to vector<16xf32>
    %mul3A_1850 = arith.mulf %add3A_1847, %mul3A_1849 : vector<16xf32>
    %swap3A_1851 = arith.constant 624 : index
    %swap3A_1852 = tpu.vector_load %arg17[%swap3A_1851] {strides = array<i32>} : memref<640xf32, #tpu.memory_space<vmem>>, vector<16xf32>,
    %swap3A_1853 = vector.shape_cast %swap3A_1852 : vector<16xf32> to vector<16xf32>
    %swap3A_1854 = vector.shape_cast %mul3A_1850 : vector<16xf32> to vector<16xf32>
    tpu.vector_store %arg17[%swap3A_1851], %swap3A_1854 {strides = array<i32>} : memref<640xf32, #tpu.memory_space<vmem>>, vector<16xf32>,
    %add3A_1855 = arith.addi %add3A_1809, %sub3A_1816 : vector<16xi32>
    %dma_start3A = arith.constant 0 : i32
    %dma_start3A_1856 = arith.constant 0 : i32
    %dma_start3A_1857 = tpu.memref_slice %arg16[%dma_start3A_1856] : memref<640xf32, #tpu.memory_space<vmem>> -> memref<128xf32, #tpu.memory_space<vmem>>
    %dma_start3A_1858 = arith.constant 0 : i32
    %dma_start3A_1859 = tpu.memref_slice %arg20[%dma_start3A, %dma_start3A_1858] : memref<5x128xi32, #tpu.memory_space<vmem>> -> memref<1x128xi32, #tpu.memory_space<vmem>>
    %dma_start3A_1860 = tpu.memref_squeeze %dma_start3A_1859 : memref<1x128xi32, #tpu.memory_space<vmem>> -> memref<128xi32, #tpu.memory_space<vmem>>
    %dma_start3A_1861 = arith.constant 0 : i32
    %dma_start3A_1862 = tpu.memref_slice %arg21[%dma_start3A_1861] : memref<10752xf32, #tpu.memory_space<vmem_shared>> -> memref<10752xf32, #tpu.memory_space<vmem_shared>>
    tpu.enqueue_indirect_dma source(%dma_start3A_1857 : memref<128xf32, #tpu.memory_space<vmem>>) target(%dma_start3A_1862 : memref<10752xf32, #tpu.memory_space<vmem_shared>>) offsets(%dma_start3A_1860 : memref<128xi32, #tpu.memory_space<vmem>>) semaphore(%arg23 : memref<!tpu.dma_semaphore, #tpu.memory_space<semaphore_mem>>)
    %dma_start3A_1863 = arith.constant 0 : i32
    %dma_start3A_1864 = arith.constant 0 : i32
    %dma_start3A_1865 = tpu.memref_slice %arg17[%dma_start3A_1864] : memref<640xf32, #tpu.memory_space<vmem>> -> memref<128xf32, #tpu.memory_space<vmem>>
    %dma_start3A_1866 = arith.constant 0 : i32
    %dma_start3A_1867 = tpu.memref_slice %arg20[%dma_start3A_1863, %dma_start3A_1866] : memref<5x128xi32, #tpu.memory_space<vmem>> -> memref<1x128xi32, #tpu.memory_space<vmem>>
    %dma_start3A_1868 = tpu.memref_squeeze %dma_start3A_1867 : memref<1x128xi32, #tpu.memory_space<vmem>> -> memref<128xi32, #tpu.memory_space<vmem>>
    %dma_start3A_1869 = arith.constant 0 : i32
    %dma_start3A_1870 = tpu.memref_slice %arg22[%dma_start3A_1869] : memref<10752xf32, #tpu.memory_space<vmem_shared>> -> memref<10752xf32, #tpu.memory_space<vmem_shared>>
    tpu.enqueue_indirect_dma source(%dma_start3A_1865 : memref<128xf32, #tpu.memory_space<vmem>>) target(%dma_start3A_1870 : memref<10752xf32, #tpu.memory_space<vmem_shared>>) offsets(%dma_start3A_1868 : memref<128xi32, #tpu.memory_space<vmem>>) semaphore(%arg23 : memref<!tpu.dma_semaphore, #tpu.memory_space<semaphore_mem>>)
    %dma_start3A_1871 = arith.constant 1 : i32
    %dma_start3A_1872 = arith.constant 128 : i32
    %dma_start3A_1873 = tpu.memref_slice %arg16[%dma_start3A_1872] : memref<640xf32, #tpu.memory_space<vmem>> -> memref<128xf32, #tpu.memory_space<vmem>>
    %dma_start3A_1874 = arith.constant 0 : i32
    %dma_start3A_1875 = tpu.memref_slice %arg20[%dma_start3A_1871, %dma_start3A_1874] : memref<5x128xi32, #tpu.memory_space<vmem>> -> memref<1x128xi32, #tpu.memory_space<vmem>>
    %dma_start3A_1876 = tpu.memref_squeeze %dma_start3A_1875 : memref<1x128xi32, #tpu.memory_space<vmem>> -> memref<128xi32, #tpu.memory_space<vmem>>
    %dma_start3A_1877 = arith.constant 0 : i32
    %dma_start3A_1878 = tpu.memref_slice %arg21[%dma_start3A_1877] : memref<10752xf32, #tpu.memory_space<vmem_shared>> -> memref<10752xf32, #tpu.memory_space<vmem_shared>>
    tpu.enqueue_indirect_dma source(%dma_start3A_1873 : memref<128xf32, #tpu.memory_space<vmem>>) target(%dma_start3A_1878 : memref<10752xf32, #tpu.memory_space<vmem_shared>>) offsets(%dma_start3A_1876 : memref<128xi32, #tpu.memory_space<vmem>>) semaphore(%arg23 : memref<!tpu.dma_semaphore, #tpu.memory_space<semaphore_mem>>)
    %dma_start3A_1879 = arith.constant 1 : i32
    %dma_start3A_1880 = arith.constant 128 : i32
    %dma_start3A_1881 = tpu.memref_slice %arg17[%dma_start3A_1880] : memref<640xf32, #tpu.memory_space<vmem>> -> memref<128xf32, #tpu.memory_space<vmem>>
    %dma_start3A_1882 = arith.constant 0 : i32
    %dma_start3A_1883 = tpu.memref_slice %arg20[%dma_start3A_1879, %dma_start3A_1882] : memref<5x128xi32, #tpu.memory_space<vmem>> -> memref<1x128xi32, #tpu.memory_space<vmem>>
    %dma_start3A_1884 = tpu.memref_squeeze %dma_start3A_1883 : memref<1x128xi32, #tpu.memory_space<vmem>> -> memref<128xi32, #tpu.memory_space<vmem>>
    %dma_start3A_1885 = arith.constant 0 : i32
    %dma_start3A_1886 = tpu.memref_slice %arg22[%dma_start3A_1885] : memref<10752xf32, #tpu.memory_space<vmem_shared>> -> memref<10752xf32, #tpu.memory_space<vmem_shared>>
    tpu.enqueue_indirect_dma source(%dma_start3A_1881 : memref<128xf32, #tpu.memory_space<vmem>>) target(%dma_start3A_1886 : memref<10752xf32, #tpu.memory_space<vmem_shared>>) offsets(%dma_start3A_1884 : memref<128xi32, #tpu.memory_space<vmem>>) semaphore(%arg23 : memref<!tpu.dma_semaphore, #tpu.memory_space<semaphore_mem>>)
    %dma_start3A_1887 = arith.constant 2 : i32
    %dma_start3A_1888 = arith.constant 256 : i32
    %dma_start3A_1889 = tpu.memref_slice %arg16[%dma_start3A_1888] : memref<640xf32, #tpu.memory_space<vmem>> -> memref<128xf32, #tpu.memory_space<vmem>>
    %dma_start3A_1890 = arith.constant 0 : i32
    %dma_start3A_1891 = tpu.memref_slice %arg20[%dma_start3A_1887, %dma_start3A_1890] : memref<5x128xi32, #tpu.memory_space<vmem>> -> memref<1x128xi32, #tpu.memory_space<vmem>>
    %dma_start3A_1892 = tpu.memref_squeeze %dma_start3A_1891 : memref<1x128xi32, #tpu.memory_space<vmem>> -> memref<128xi32, #tpu.memory_space<vmem>>
    %dma_start3A_1893 = arith.constant 0 : i32
    %dma_start3A_1894 = tpu.memref_slice %arg21[%dma_start3A_1893] : memref<10752xf32, #tpu.memory_space<vmem_shared>> -> memref<10752xf32, #tpu.memory_space<vmem_shared>>
    tpu.enqueue_indirect_dma source(%dma_start3A_1889 : memref<128xf32, #tpu.memory_space<vmem>>) target(%dma_start3A_1894 : memref<10752xf32, #tpu.memory_space<vmem_shared>>) offsets(%dma_start3A_1892 : memref<128xi32, #tpu.memory_space<vmem>>) semaphore(%arg23 : memref<!tpu.dma_semaphore, #tpu.memory_space<semaphore_mem>>)
    %dma_start3A_1895 = arith.constant 2 : i32
    %dma_start3A_1896 = arith.constant 256 : i32
    %dma_start3A_1897 = tpu.memref_slice %arg17[%dma_start3A_1896] : memref<640xf32, #tpu.memory_space<vmem>> -> memref<128xf32, #tpu.memory_space<vmem>>
    %dma_start3A_1898 = arith.constant 0 : i32
    %dma_start3A_1899 = tpu.memref_slice %arg20[%dma_start3A_1895, %dma_start3A_1898] : memref<5x128xi32, #tpu.memory_space<vmem>> -> memref<1x128xi32, #tpu.memory_space<vmem>>
    %dma_start3A_1900 = tpu.memref_squeeze %dma_start3A_1899 : memref<1x128xi32, #tpu.memory_space<vmem>> -> memref<128xi32, #tpu.memory_space<vmem>>
    %dma_start3A_1901 = arith.constant 0 : i32
    %dma_start3A_1902 = tpu.memref_slice %arg22[%dma_start3A_1901] : memref<10752xf32, #tpu.memory_space<vmem_shared>> -> memref<10752xf32, #tpu.memory_space<vmem_shared>>
    tpu.enqueue_indirect_dma source(%dma_start3A_1897 : memref<128xf32, #tpu.memory_space<vmem>>) target(%dma_start3A_1902 : memref<10752xf32, #tpu.memory_space<vmem_shared>>) offsets(%dma_start3A_1900 : memref<128xi32, #tpu.memory_space<vmem>>) semaphore(%arg23 : memref<!tpu.dma_semaphore, #tpu.memory_space<semaphore_mem>>)
    %dma_start3A_1903 = arith.constant 3 : i32
    %dma_start3A_1904 = arith.constant 384 : i32
    %dma_start3A_1905 = tpu.memref_slice %arg16[%dma_start3A_1904] : memref<640xf32, #tpu.memory_space<vmem>> -> memref<128xf32, #tpu.memory_space<vmem>>
    %dma_start3A_1906 = arith.constant 0 : i32
    %dma_start3A_1907 = tpu.memref_slice %arg20[%dma_start3A_1903, %dma_start3A_1906] : memref<5x128xi32, #tpu.memory_space<vmem>> -> memref<1x128xi32, #tpu.memory_space<vmem>>
    %dma_start3A_1908 = tpu.memref_squeeze %dma_start3A_1907 : memref<1x128xi32, #tpu.memory_space<vmem>> -> memref<128xi32, #tpu.memory_space<vmem>>
    %dma_start3A_1909 = arith.constant 0 : i32
    %dma_start3A_1910 = tpu.memref_slice %arg21[%dma_start3A_1909] : memref<10752xf32, #tpu.memory_space<vmem_shared>> -> memref<10752xf32, #tpu.memory_space<vmem_shared>>
    tpu.enqueue_indirect_dma source(%dma_start3A_1905 : memref<128xf32, #tpu.memory_space<vmem>>) target(%dma_start3A_1910 : memref<10752xf32, #tpu.memory_space<vmem_shared>>) offsets(%dma_start3A_1908 : memref<128xi32, #tpu.memory_space<vmem>>) semaphore(%arg23 : memref<!tpu.dma_semaphore, #tpu.memory_space<semaphore_mem>>)
    %dma_start3A_1911 = arith.constant 3 : i32
    %dma_start3A_1912 = arith.constant 384 : i32
    %dma_start3A_1913 = tpu.memref_slice %arg17[%dma_start3A_1912] : memref<640xf32, #tpu.memory_space<vmem>> -> memref<128xf32, #tpu.memory_space<vmem>>
    %dma_start3A_1914 = arith.constant 0 : i32
    %dma_start3A_1915 = tpu.memref_slice %arg20[%dma_start3A_1911, %dma_start3A_1914] : memref<5x128xi32, #tpu.memory_space<vmem>> -> memref<1x128xi32, #tpu.memory_space<vmem>>
    %dma_start3A_1916 = tpu.memref_squeeze %dma_start3A_1915 : memref<1x128xi32, #tpu.memory_space<vmem>> -> memref<128xi32, #tpu.memory_space<vmem>>
    %dma_start3A_1917 = arith.constant 0 : i32
    %dma_start3A_1918 = tpu.memref_slice %arg22[%dma_start3A_1917] : memref<10752xf32, #tpu.memory_space<vmem_shared>> -> memref<10752xf32, #tpu.memory_space<vmem_shared>>
    tpu.enqueue_indirect_dma source(%dma_start3A_1913 : memref<128xf32, #tpu.memory_space<vmem>>) target(%dma_start3A_1918 : memref<10752xf32, #tpu.memory_space<vmem_shared>>) offsets(%dma_start3A_1916 : memref<128xi32, #tpu.memory_space<vmem>>) semaphore(%arg23 : memref<!tpu.dma_semaphore, #tpu.memory_space<semaphore_mem>>)
    %dma_start3A_1919 = arith.constant 4 : i32
    %dma_start3A_1920 = arith.constant 512 : i32
    %dma_start3A_1921 = tpu.memref_slice %arg16[%dma_start3A_1920] : memref<640xf32, #tpu.memory_space<vmem>> -> memref<128xf32, #tpu.memory_space<vmem>>
    %dma_start3A_1922 = arith.constant 0 : i32
    %dma_start3A_1923 = tpu.memref_slice %arg20[%dma_start3A_1919, %dma_start3A_1922] : memref<5x128xi32, #tpu.memory_space<vmem>> -> memref<1x128xi32, #tpu.memory_space<vmem>>
    %dma_start3A_1924 = tpu.memref_squeeze %dma_start3A_1923 : memref<1x128xi32, #tpu.memory_space<vmem>> -> memref<128xi32, #tpu.memory_space<vmem>>
    %dma_start3A_1925 = arith.constant 0 : i32
    %dma_start3A_1926 = tpu.memref_slice %arg21[%dma_start3A_1925] : memref<10752xf32, #tpu.memory_space<vmem_shared>> -> memref<10752xf32, #tpu.memory_space<vmem_shared>>
    tpu.enqueue_indirect_dma source(%dma_start3A_1921 : memref<128xf32, #tpu.memory_space<vmem>>) target(%dma_start3A_1926 : memref<10752xf32, #tpu.memory_space<vmem_shared>>) offsets(%dma_start3A_1924 : memref<128xi32, #tpu.memory_space<vmem>>) semaphore(%arg23 : memref<!tpu.dma_semaphore, #tpu.memory_space<semaphore_mem>>)
    %dma_start3A_1927 = arith.constant 4 : i32
    %dma_start3A_1928 = arith.constant 512 : i32
    %dma_start3A_1929 = tpu.memref_slice %arg17[%dma_start3A_1928] : memref<640xf32, #tpu.memory_space<vmem>> -> memref<128xf32, #tpu.memory_space<vmem>>
    %dma_start3A_1930 = arith.constant 0 : i32
    %dma_start3A_1931 = tpu.memref_slice %arg20[%dma_start3A_1927, %dma_start3A_1930] : memref<5x128xi32, #tpu.memory_space<vmem>> -> memref<1x128xi32, #tpu.memory_space<vmem>>
    %dma_start3A_1932 = tpu.memref_squeeze %dma_start3A_1931 : memref<1x128xi32, #tpu.memory_space<vmem>> -> memref<128xi32, #tpu.memory_space<vmem>>
    %dma_start3A_1933 = arith.constant 0 : i32
    %dma_start3A_1934 = tpu.memref_slice %arg22[%dma_start3A_1933] : memref<10752xf32, #tpu.memory_space<vmem_shared>> -> memref<10752xf32, #tpu.memory_space<vmem_shared>>
    tpu.enqueue_indirect_dma source(%dma_start3A_1929 : memref<128xf32, #tpu.memory_space<vmem>>) target(%dma_start3A_1934 : memref<10752xf32, #tpu.memory_space<vmem_shared>>) offsets(%dma_start3A_1932 : memref<128xi32, #tpu.memory_space<vmem>>) semaphore(%arg23 : memref<!tpu.dma_semaphore, #tpu.memory_space<semaphore_mem>>)
    %dma_wait3A = arith.constant 0 : i32
    %dma_wait3A_1935 = arith.constant 0 : i32
    %dma_wait3A_1936 = tpu.memref_slice %arg16[%dma_wait3A_1935] : memref<640xf32, #tpu.memory_space<vmem>> -> memref<128xf32, #tpu.memory_space<vmem>>
    %dma_wait3A_1937 = arith.constant 0 : i32
    %dma_wait3A_1938 = tpu.memref_slice %arg20[%dma_wait3A, %dma_wait3A_1937] : memref<5x128xi32, #tpu.memory_space<vmem>> -> memref<1x128xi32, #tpu.memory_space<vmem>>
    %dma_wait3A_1939 = tpu.memref_squeeze %dma_wait3A_1938 : memref<1x128xi32, #tpu.memory_space<vmem>> -> memref<128xi32, #tpu.memory_space<vmem>>
    %dma_wait3A_1940 = arith.constant 0 : i32
    %dma_wait3A_1941 = tpu.memref_slice %arg21[%dma_wait3A_1940] : memref<10752xf32, #tpu.memory_space<vmem_shared>> -> memref<10752xf32, #tpu.memory_space<vmem_shared>>
    tpu.wait_indirect_dma semaphore(%arg23 : memref<!tpu.dma_semaphore, #tpu.memory_space<semaphore_mem>>) src(%dma_wait3A_1936 : memref<128xf32, #tpu.memory_space<vmem>>) dst(%dma_wait3A_1941 : memref<10752xf32, #tpu.memory_space<vmem_shared>>)
    %dma_wait3A_1942 = arith.constant 0 : i32
    %dma_wait3A_1943 = arith.constant 0 : i32
    %dma_wait3A_1944 = tpu.memref_slice %arg17[%dma_wait3A_1943] : memref<640xf32, #tpu.memory_space<vmem>> -> memref<128xf32, #tpu.memory_space<vmem>>
    %dma_wait3A_1945 = arith.constant 0 : i32
    %dma_wait3A_1946 = tpu.memref_slice %arg20[%dma_wait3A_1942, %dma_wait3A_1945] : memref<5x128xi32, #tpu.memory_space<vmem>> -> memref<1x128xi32, #tpu.memory_space<vmem>>
    %dma_wait3A_1947 = tpu.memref_squeeze %dma_wait3A_1946 : memref<1x128xi32, #tpu.memory_space<vmem>> -> memref<128xi32, #tpu.memory_space<vmem>>
    %dma_wait3A_1948 = arith.constant 0 : i32
    %dma_wait3A_1949 = tpu.memref_slice %arg22[%dma_wait3A_1948] : memref<10752xf32, #tpu.memory_space<vmem_shared>> -> memref<10752xf32, #tpu.memory_space<vmem_shared>>
    tpu.wait_indirect_dma semaphore(%arg23 : memref<!tpu.dma_semaphore, #tpu.memory_space<semaphore_mem>>) src(%dma_wait3A_1944 : memref<128xf32, #tpu.memory_space<vmem>>) dst(%dma_wait3A_1949 : memref<10752xf32, #tpu.memory_space<vmem_shared>>)
    %dma_wait3A_1950 = arith.constant 1 : i32
    %dma_wait3A_1951 = arith.constant 128 : i32
    %dma_wait3A_1952 = tpu.memref_slice %arg16[%dma_wait3A_1951] : memref<640xf32, #tpu.memory_space<vmem>> -> memref<128xf32, #tpu.memory_space<vmem>>
    %dma_wait3A_1953 = arith.constant 0 : i32
    %dma_wait3A_1954 = tpu.memref_slice %arg20[%dma_wait3A_1950, %dma_wait3A_1953] : memref<5x128xi32, #tpu.memory_space<vmem>> -> memref<1x128xi32, #tpu.memory_space<vmem>>
    %dma_wait3A_1955 = tpu.memref_squeeze %dma_wait3A_1954 : memref<1x128xi32, #tpu.memory_space<vmem>> -> memref<128xi32, #tpu.memory_space<vmem>>
    %dma_wait3A_1956 = arith.constant 0 : i32
    %dma_wait3A_1957 = tpu.memref_slice %arg21[%dma_wait3A_1956] : memref<10752xf32, #tpu.memory_space<vmem_shared>> -> memref<10752xf32, #tpu.memory_space<vmem_shared>>
    tpu.wait_indirect_dma semaphore(%arg23 : memref<!tpu.dma_semaphore, #tpu.memory_space<semaphore_mem>>) src(%dma_wait3A_1952 : memref<128xf32, #tpu.memory_space<vmem>>) dst(%dma_wait3A_1957 : memref<10752xf32, #tpu.memory_space<vmem_shared>>)
    %dma_wait3A_1958 = arith.constant 1 : i32
    %dma_wait3A_1959 = arith.constant 128 : i32
    %dma_wait3A_1960 = tpu.memref_slice %arg17[%dma_wait3A_1959] : memref<640xf32, #tpu.memory_space<vmem>> -> memref<128xf32, #tpu.memory_space<vmem>>
    %dma_wait3A_1961 = arith.constant 0 : i32
    %dma_wait3A_1962 = tpu.memref_slice %arg20[%dma_wait3A_1958, %dma_wait3A_1961] : memref<5x128xi32, #tpu.memory_space<vmem>> -> memref<1x128xi32, #tpu.memory_space<vmem>>
    %dma_wait3A_1963 = tpu.memref_squeeze %dma_wait3A_1962 : memref<1x128xi32, #tpu.memory_space<vmem>> -> memref<128xi32, #tpu.memory_space<vmem>>
    %dma_wait3A_1964 = arith.constant 0 : i32
    %dma_wait3A_1965 = tpu.memref_slice %arg22[%dma_wait3A_1964] : memref<10752xf32, #tpu.memory_space<vmem_shared>> -> memref<10752xf32, #tpu.memory_space<vmem_shared>>
    tpu.wait_indirect_dma semaphore(%arg23 : memref<!tpu.dma_semaphore, #tpu.memory_space<semaphore_mem>>) src(%dma_wait3A_1960 : memref<128xf32, #tpu.memory_space<vmem>>) dst(%dma_wait3A_1965 : memref<10752xf32, #tpu.memory_space<vmem_shared>>)
    %dma_wait3A_1966 = arith.constant 2 : i32
    %dma_wait3A_1967 = arith.constant 256 : i32
    %dma_wait3A_1968 = tpu.memref_slice %arg16[%dma_wait3A_1967] : memref<640xf32, #tpu.memory_space<vmem>> -> memref<128xf32, #tpu.memory_space<vmem>>
    %dma_wait3A_1969 = arith.constant 0 : i32
    %dma_wait3A_1970 = tpu.memref_slice %arg20[%dma_wait3A_1966, %dma_wait3A_1969] : memref<5x128xi32, #tpu.memory_space<vmem>> -> memref<1x128xi32, #tpu.memory_space<vmem>>
    %dma_wait3A_1971 = tpu.memref_squeeze %dma_wait3A_1970 : memref<1x128xi32, #tpu.memory_space<vmem>> -> memref<128xi32, #tpu.memory_space<vmem>>
    %dma_wait3A_1972 = arith.constant 0 : i32
    %dma_wait3A_1973 = tpu.memref_slice %arg21[%dma_wait3A_1972] : memref<10752xf32, #tpu.memory_space<vmem_shared>> -> memref<10752xf32, #tpu.memory_space<vmem_shared>>
    tpu.wait_indirect_dma semaphore(%arg23 : memref<!tpu.dma_semaphore, #tpu.memory_space<semaphore_mem>>) src(%dma_wait3A_1968 : memref<128xf32, #tpu.memory_space<vmem>>) dst(%dma_wait3A_1973 : memref<10752xf32, #tpu.memory_space<vmem_shared>>)
    %dma_wait3A_1974 = arith.constant 2 : i32
    %dma_wait3A_1975 = arith.constant 256 : i32
    %dma_wait3A_1976 = tpu.memref_slice %arg17[%dma_wait3A_1975] : memref<640xf32, #tpu.memory_space<vmem>> -> memref<128xf32, #tpu.memory_space<vmem>>
    %dma_wait3A_1977 = arith.constant 0 : i32
    %dma_wait3A_1978 = tpu.memref_slice %arg20[%dma_wait3A_1974, %dma_wait3A_1977] : memref<5x128xi32, #tpu.memory_space<vmem>> -> memref<1x128xi32, #tpu.memory_space<vmem>>
    %dma_wait3A_1979 = tpu.memref_squeeze %dma_wait3A_1978 : memref<1x128xi32, #tpu.memory_space<vmem>> -> memref<128xi32, #tpu.memory_space<vmem>>
    %dma_wait3A_1980 = arith.constant 0 : i32
    %dma_wait3A_1981 = tpu.memref_slice %arg22[%dma_wait3A_1980] : memref<10752xf32, #tpu.memory_space<vmem_shared>> -> memref<10752xf32, #tpu.memory_space<vmem_shared>>
    tpu.wait_indirect_dma semaphore(%arg23 : memref<!tpu.dma_semaphore, #tpu.memory_space<semaphore_mem>>) src(%dma_wait3A_1976 : memref<128xf32, #tpu.memory_space<vmem>>) dst(%dma_wait3A_1981 : memref<10752xf32, #tpu.memory_space<vmem_shared>>)
    %dma_wait3A_1982 = arith.constant 3 : i32
    %dma_wait3A_1983 = arith.constant 384 : i32
    %dma_wait3A_1984 = tpu.memref_slice %arg16[%dma_wait3A_1983] : memref<640xf32, #tpu.memory_space<vmem>> -> memref<128xf32, #tpu.memory_space<vmem>>
    %dma_wait3A_1985 = arith.constant 0 : i32
    %dma_wait3A_1986 = tpu.memref_slice %arg20[%dma_wait3A_1982, %dma_wait3A_1985] : memref<5x128xi32, #tpu.memory_space<vmem>> -> memref<1x128xi32, #tpu.memory_space<vmem>>
    %dma_wait3A_1987 = tpu.memref_squeeze %dma_wait3A_1986 : memref<1x128xi32, #tpu.memory_space<vmem>> -> memref<128xi32, #tpu.memory_space<vmem>>
    %dma_wait3A_1988 = arith.constant 0 : i32
    %dma_wait3A_1989 = tpu.memref_slice %arg21[%dma_wait3A_1988] : memref<10752xf32, #tpu.memory_space<vmem_shared>> -> memref<10752xf32, #tpu.memory_space<vmem_shared>>
    tpu.wait_indirect_dma semaphore(%arg23 : memref<!tpu.dma_semaphore, #tpu.memory_space<semaphore_mem>>) src(%dma_wait3A_1984 : memref<128xf32, #tpu.memory_space<vmem>>) dst(%dma_wait3A_1989 : memref<10752xf32, #tpu.memory_space<vmem_shared>>)
    %dma_wait3A_1990 = arith.constant 3 : i32
    %dma_wait3A_1991 = arith.constant 384 : i32
    %dma_wait3A_1992 = tpu.memref_slice %arg17[%dma_wait3A_1991] : memref<640xf32, #tpu.memory_space<vmem>> -> memref<128xf32, #tpu.memory_space<vmem>>
    %dma_wait3A_1993 = arith.constant 0 : i32
    %dma_wait3A_1994 = tpu.memref_slice %arg20[%dma_wait3A_1990, %dma_wait3A_1993] : memref<5x128xi32, #tpu.memory_space<vmem>> -> memref<1x128xi32, #tpu.memory_space<vmem>>
    %dma_wait3A_1995 = tpu.memref_squeeze %dma_wait3A_1994 : memref<1x128xi32, #tpu.memory_space<vmem>> -> memref<128xi32, #tpu.memory_space<vmem>>
    %dma_wait3A_1996 = arith.constant 0 : i32
    %dma_wait3A_1997 = tpu.memref_slice %arg22[%dma_wait3A_1996] : memref<10752xf32, #tpu.memory_space<vmem_shared>> -> memref<10752xf32, #tpu.memory_space<vmem_shared>>
    tpu.wait_indirect_dma semaphore(%arg23 : memref<!tpu.dma_semaphore, #tpu.memory_space<semaphore_mem>>) src(%dma_wait3A_1992 : memref<128xf32, #tpu.memory_space<vmem>>) dst(%dma_wait3A_1997 : memref<10752xf32, #tpu.memory_space<vmem_shared>>)
    %dma_wait3A_1998 = arith.constant 4 : i32
    %dma_wait3A_1999 = arith.constant 512 : i32
    %dma_wait3A_2000 = tpu.memref_slice %arg16[%dma_wait3A_1999] : memref<640xf32, #tpu.memory_space<vmem>> -> memref<128xf32, #tpu.memory_space<vmem>>
    %dma_wait3A_2001 = arith.constant 0 : i32
    %dma_wait3A_2002 = tpu.memref_slice %arg20[%dma_wait3A_1998, %dma_wait3A_2001] : memref<5x128xi32, #tpu.memory_space<vmem>> -> memref<1x128xi32, #tpu.memory_space<vmem>>
    %dma_wait3A_2003 = tpu.memref_squeeze %dma_wait3A_2002 : memref<1x128xi32, #tpu.memory_space<vmem>> -> memref<128xi32, #tpu.memory_space<vmem>>
    %dma_wait3A_2004 = arith.constant 0 : i32
    %dma_wait3A_2005 = tpu.memref_slice %arg21[%dma_wait3A_2004] : memref<10752xf32, #tpu.memory_space<vmem_shared>> -> memref<10752xf32, #tpu.memory_space<vmem_shared>>
    tpu.wait_indirect_dma semaphore(%arg23 : memref<!tpu.dma_semaphore, #tpu.memory_space<semaphore_mem>>) src(%dma_wait3A_2000 : memref<128xf32, #tpu.memory_space<vmem>>) dst(%dma_wait3A_2005 : memref<10752xf32, #tpu.memory_space<vmem_shared>>)
    %dma_wait3A_2006 = arith.constant 4 : i32
    %dma_wait3A_2007 = arith.constant 512 : i32
    %dma_wait3A_2008 = tpu.memref_slice %arg17[%dma_wait3A_2007] : memref<640xf32, #tpu.memory_space<vmem>> -> memref<128xf32, #tpu.memory_space<vmem>>
    %dma_wait3A_2009 = arith.constant 0 : i32
    %dma_wait3A_2010 = tpu.memref_slice %arg20[%dma_wait3A_2006, %dma_wait3A_2009] : memref<5x128xi32, #tpu.memory_space<vmem>> -> memref<1x128xi32, #tpu.memory_space<vmem>>
    %dma_wait3A_2011 = tpu.memref_squeeze %dma_wait3A_2010 : memref<1x128xi32, #tpu.memory_space<vmem>> -> memref<128xi32, #tpu.memory_space<vmem>>
    %dma_wait3A_2012 = arith.constant 0 : i32
    %dma_wait3A_2013 = tpu.memref_slice %arg22[%dma_wait3A_2012] : memref<10752xf32, #tpu.memory_space<vmem_shared>> -> memref<10752xf32, #tpu.memory_space<vmem_shared>>
    tpu.wait_indirect_dma semaphore(%arg23 : memref<!tpu.dma_semaphore, #tpu.memory_space<semaphore_mem>>) src(%dma_wait3A_2008 : memref<128xf32, #tpu.memory_space<vmem>>) dst(%dma_wait3A_2013 : memref<10752xf32, #tpu.memory_space<vmem_shared>>)
    %barrier3A = arith.constant 0 : index
    tpu.barrier barrier_id(%barrier3A)
    %eq3A = arith.constant 0 : i32
    %eq3A_2014 = arith.cmpi eq, %arg1, %eq3A : i32
    %convert_element_type3A = arith.extui %eq3A_2014 : i1 to i32
    %cond3A = arith.constant 0 : i32
    %cond3A_2015 = arith.cmpi ne, %convert_element_type3A, %cond3A : i32
    scf.if %cond3A_2015 {
      %mul3A_2016 = arith.constant 10752 : i32
      %mul3A_2017 = arith.muli %arg0, %mul3A_2016 : i32
      "tpu.region"() ({
        %run_scoped3A = tpu.sem_alloc : memref<!tpu.dma_semaphore, #tpu.memory_space<semaphore_mem>>
        %dma_start3A_2020 = tpu.memref_slice %arg9[%mul3A_2017] : memref<21504xf32, #tpu.memory_space<hbm>> -> memref<10752xf32, #tpu.memory_space<hbm>>
        tpu.enqueue_dma source(%arg21 : memref<10752xf32, #tpu.memory_space<vmem_shared>>) target(%dma_start3A_2020 : memref<10752xf32, #tpu.memory_space<hbm>>) target_semaphore(%run_scoped3A : memref<!tpu.dma_semaphore, #tpu.memory_space<semaphore_mem>>)
        %dma_wait3A_2021 = tpu.memref_slice %arg9[%mul3A_2017] : memref<21504xf32, #tpu.memory_space<hbm>> -> memref<10752xf32, #tpu.memory_space<hbm>>
        tpu.wait_dma2 semaphore(%run_scoped3A : memref<!tpu.dma_semaphore, #tpu.memory_space<semaphore_mem>>) src(%arg21 : memref<10752xf32, #tpu.memory_space<vmem_shared>>) dst(%dma_wait3A_2021 : memref<10752xf32, #tpu.memory_space<hbm>>)
        tpu.yield
      }) : () -> ()
      %mul3A_2018 = arith.constant 10752 : i32
      %mul3A_2019 = arith.muli %arg0, %mul3A_2018 : i32
      "tpu.region"() ({
        %run_scoped3A = tpu.sem_alloc : memref<!tpu.dma_semaphore, #tpu.memory_space<semaphore_mem>>
        %dma_start3A_2020 = tpu.memref_slice %arg10[%mul3A_2019] : memref<21504xf32, #tpu.memory_space<hbm>> -> memref<10752xf32, #tpu.memory_space<hbm>>
        tpu.enqueue_dma source(%arg22 : memref<10752xf32, #tpu.memory_space<vmem_shared>>) target(%dma_start3A_2020 : memref<10752xf32, #tpu.memory_space<hbm>>) target_semaphore(%run_scoped3A : memref<!tpu.dma_semaphore, #tpu.memory_space<semaphore_mem>>)
        %dma_wait3A_2021 = tpu.memref_slice %arg10[%mul3A_2019] : memref<21504xf32, #tpu.memory_space<hbm>> -> memref<10752xf32, #tpu.memory_space<hbm>>
        tpu.wait_dma2 semaphore(%run_scoped3A : memref<!tpu.dma_semaphore, #tpu.memory_space<semaphore_mem>>) src(%arg22 : memref<10752xf32, #tpu.memory_space<vmem_shared>>) dst(%dma_wait3A_2021 : memref<10752xf32, #tpu.memory_space<hbm>>)
        tpu.yield
      }) : () -> ()
    } else {
    }
    return
  }
}

module attributes {stable_mosaic.version = 14 : i64} {
  func.func @_k1_body(%arg0: memref<1x20480xi32, #tpu.memory_space<vmem>>, %arg1: memref<512x40xi32, #tpu.memory_space<vmem>>, %arg2: memref<4x20480xf32, #tpu.memory_space<vmem>>, %arg3: memref<1x16xi32, #tpu.memory_space<vmem>>, %arg4: memref<512x1xi32, #tpu.memory_space<vmem>>, %arg5: memref<1x1xi32, #tpu.memory_space<smem>>, %arg6: memref<1x1xi32, #tpu.memory_space<smem>>, %arg7: memref<1x1xi32, #tpu.memory_space<smem>>, %arg8: memref<1x1xf32, #tpu.memory_space<smem>>) attributes {dimension_semantics = [], scalar_prefetch = 0 : i64, scratch_operands = 0 : i64, tpu.core_type = #tpu.core_type<tc>} {
    %get3A = arith.constant 0 : index
    %get3A_0 = arith.constant 0 : index
    %get3A_1 = vector.load %arg0[%get3A, %get3A_0] : memref<1x20480xi32, #tpu.memory_space<vmem>>, vector<1x20480xi32>
    %reduce_min3A = vector.shape_cast %get3A_1 : vector<1x20480xi32> to vector<1x1x20480xi32>
    %reduce_min3A_2 = arith.constant dense<2147483647> : vector<1xi32>
    %reduce_min3A_3 = vector.multi_reduction <minsi>, %reduce_min3A, %reduce_min3A_2 [1, 2] : vector<1x1x20480xi32> to vector<1xi32>
    %reduce_min3A_4 = vector.shape_cast %reduce_min3A_3 : vector<1xi32> to vector<1x1x1xi32>
    %reduce_min3A_5 = vector.extract %reduce_min3A_4[0, 0, 0] : i32 from vector<1x1x1xi32>
    %eq3A = vector.broadcast %reduce_min3A_5 : i32 to vector<1x20480xi32>
    %eq3A_6 = arith.cmpi eq, %get3A_1, %eq3A : vector<1x20480xi32>
    %convert_element_type3A = arith.extui %eq3A_6 : vector<1x20480xi1> to vector<1x20480xi32>
    %reduce_sum3A = vector.shape_cast %convert_element_type3A : vector<1x20480xi32> to vector<1x1x20480xi32>
    %reduce_sum3A_7 = arith.constant dense<0> : vector<1xi32>
    %reduce_sum3A_8 = vector.multi_reduction <add>, %reduce_sum3A, %reduce_sum3A_7 [1, 2] : vector<1x1x20480xi32> to vector<1xi32>
    %reduce_sum3A_9 = vector.shape_cast %reduce_sum3A_8 : vector<1xi32> to vector<1x1x1xi32>
    %reduce_sum3A_10 = vector.extract %reduce_sum3A_9[0, 0, 0] : i32 from vector<1x1x1xi32>
    %swap3A = arith.constant 0 : index
    %swap3A_11 = arith.constant 0 : index
    %swap3A_12 = memref.load %arg5[%swap3A, %swap3A_11] : memref<1x1xi32, #tpu.memory_space<smem>>
    memref.store %reduce_sum3A_10, %arg5[%swap3A, %swap3A_11] : memref<1x1xi32, #tpu.memory_space<smem>>
    %iota3A = tpu.iota {dimensions = array<i32: 1>} : vector<1x20480xi32>
    %jit3A = arith.constant 1073741824 : i32
    %broadcast_in_dim3A = vector.broadcast %jit3A : i32 to vector<1x20480xi32>
    %select_n3A = arith.select %eq3A_6, %iota3A, %broadcast_in_dim3A : vector<1x20480xi1>, vector<1x20480xi32>
    %reduce_min3A_13 = vector.shape_cast %select_n3A : vector<1x20480xi32> to vector<1x1x20480xi32>
    %reduce_min3A_14 = arith.constant dense<2147483647> : vector<1xi32>
    %reduce_min3A_15 = vector.multi_reduction <minsi>, %reduce_min3A_13, %reduce_min3A_14 [1, 2] : vector<1x1x20480xi32> to vector<1xi32>
    %reduce_min3A_16 = vector.shape_cast %reduce_min3A_15 : vector<1xi32> to vector<1x1x1xi32>
    %reduce_min3A_17 = vector.extract %reduce_min3A_16[0, 0, 0] : i32 from vector<1x1x1xi32>
    %eq3A_18 = vector.broadcast %reduce_min3A_17 : i32 to vector<1x20480xi32>
    %eq3A_19 = arith.cmpi eq, %iota3A, %eq3A_18 : vector<1x20480xi32>
    %convert_element_type3A_20 = arith.extui %eq3A_19 : vector<1x20480xi1> to vector<1x20480xi32>
    %convert_element_type3A_21 = arith.sitofp %convert_element_type3A_20 : vector<1x20480xi32> to vector<1x20480xf32>
    %get3A_22 = arith.constant 0 : index
    %get3A_23 = arith.constant 0 : index
    %get3A_24 = vector.load %arg2[%get3A_22, %get3A_23] : memref<4x20480xf32, #tpu.memory_space<vmem>>, vector<4x20480xf32>
    %slice3A = vector.extract_strided_slice %get3A_24 {offsets = [2, 0], sizes = [1, 20480], strides = [1, 1]} : vector<4x20480xf32> to vector<1x20480xf32>
    %slice3A_25 = vector.extract_strided_slice %get3A_24 {offsets = [0, 0], sizes = [1, 20480], strides = [1, 1]} : vector<4x20480xf32> to vector<1x20480xf32>
    %sub3A = arith.subf %slice3A, %slice3A_25 : vector<1x20480xf32>
    %mul3A = arith.mulf %sub3A, %convert_element_type3A_21 : vector<1x20480xf32>
    %reduce_sum3A_26 = vector.shape_cast %mul3A : vector<1x20480xf32> to vector<1x1x20480xf32>
    %reduce_sum3A_27 = arith.constant dense<0.000000e+00> : vector<1xf32>
    %reduce_sum3A_28 = vector.multi_reduction <add>, %reduce_sum3A_26, %reduce_sum3A_27 [1, 2] : vector<1x1x20480xf32> to vector<1xf32>
    %reduce_sum3A_29 = vector.shape_cast %reduce_sum3A_28 : vector<1xf32> to vector<1x1x1xf32>
    %reduce_sum3A_30 = vector.extract %reduce_sum3A_29[0, 0, 0] : f32 from vector<1x1x1xf32>
    %slice3A_31 = vector.extract_strided_slice %get3A_24 {offsets = [3, 0], sizes = [1, 20480], strides = [1, 1]} : vector<4x20480xf32> to vector<1x20480xf32>
    %slice3A_32 = vector.extract_strided_slice %get3A_24 {offsets = [1, 0], sizes = [1, 20480], strides = [1, 1]} : vector<4x20480xf32> to vector<1x20480xf32>
    %sub3A_33 = arith.subf %slice3A_31, %slice3A_32 : vector<1x20480xf32>
    %mul3A_34 = arith.mulf %sub3A_33, %convert_element_type3A_21 : vector<1x20480xf32>
    %reduce_sum3A_35 = vector.shape_cast %mul3A_34 : vector<1x20480xf32> to vector<1x1x20480xf32>
    %reduce_sum3A_36 = arith.constant dense<0.000000e+00> : vector<1xf32>
    %reduce_sum3A_37 = vector.multi_reduction <add>, %reduce_sum3A_35, %reduce_sum3A_36 [1, 2] : vector<1x1x20480xf32> to vector<1xf32>
    %reduce_sum3A_38 = vector.shape_cast %reduce_sum3A_37 : vector<1xf32> to vector<1x1x1xf32>
    %reduce_sum3A_39 = vector.extract %reduce_sum3A_38[0, 0, 0] : f32 from vector<1x1x1xf32>
    %mul3A_40 = arith.mulf %reduce_sum3A_30, %reduce_sum3A_30 : f32
    %mul3A_41 = arith.mulf %reduce_sum3A_39, %reduce_sum3A_39 : f32
    %add3A = arith.addf %mul3A_40, %mul3A_41 : f32
    %sqrt3A = math.sqrt %add3A : f32
    %swap3A_42 = arith.constant 0 : index
    %swap3A_43 = arith.constant 0 : index
    %swap3A_44 = memref.load %arg8[%swap3A_42, %swap3A_43] : memref<1x1xf32, #tpu.memory_space<smem>>
    memref.store %sqrt3A, %arg8[%swap3A_42, %swap3A_43] : memref<1x1xf32, #tpu.memory_space<smem>>
    %broadcast_in_dim3A_45 = arith.constant 0 : i32
    %broadcast_in_dim3A_46 = vector.broadcast %broadcast_in_dim3A_45 : i32 to vector<1x16xi32>
    %add3A_47 = vector.broadcast %reduce_min3A_5 : i32 to vector<1x16xi32>
    %add3A_48 = arith.addi %broadcast_in_dim3A_46, %add3A_47 : vector<1x16xi32>
    %swap3A_49 = arith.constant 0 : index
    %swap3A_50 = arith.constant 0 : index
    %swap3A_51 = vector.load %arg3[%swap3A_49, %swap3A_50] : memref<1x16xi32, #tpu.memory_space<vmem>>, vector<1x16xi32>
    tpu.vector_store %arg3[%swap3A_49, %swap3A_50], %add3A_48 {strides = array<i32>} : memref<1x16xi32, #tpu.memory_space<vmem>>, vector<1x16xi32>,
    %get3A_52 = arith.constant 0 : index
    %get3A_53 = arith.constant 0 : index
    %get3A_54 = vector.load %arg1[%get3A_52, %get3A_53] : memref<512x40xi32, #tpu.memory_space<vmem>>, vector<512x40xi32>
    %eq3A_55 = vector.broadcast %reduce_min3A_5 : i32 to vector<512x40xi32>
    %eq3A_56 = arith.cmpi eq, %get3A_54, %eq3A_55 : vector<512x40xi32>
    %convert_element_type3A_57 = arith.extui %eq3A_56 : vector<512x40xi1> to vector<512x40xi32>
    %convert_element_type3A_58 = arith.sitofp %convert_element_type3A_57 : vector<512x40xi32> to vector<512x40xf32>
    %reduce_sum3A_59 = arith.constant dense<0.000000e+00> : vector<512xf32>
    %reduce_sum3A_60 = vector.multi_reduction <add>, %convert_element_type3A_58, %reduce_sum3A_59 [1] : vector<512x40xf32> to vector<512xf32>
    %broadcast_in_dim3A_61 = vector.shape_cast %reduce_sum3A_60 : vector<512xf32> to vector<512x1xf32>
    %iota3A_62 = tpu.iota {dimensions = array<i32: 0>} : vector<512x512xi32>
    %iota3A_63 = tpu.iota {dimensions = array<i32: 1>} : vector<512x512xi32>
    %lt3A = arith.cmpi slt, %iota3A_63, %iota3A_62 : vector<512x512xi32>
    %jit3A_64 = arith.constant 256 : i32
    %div3A = vector.broadcast %jit3A_64 : i32 to vector<512x512xi32>
    %div3A_65 = arith.divsi %iota3A_63, %div3A : vector<512x512xi32>
    %sign3A = arith.constant 0 : i32
    %sign3A_66 = vector.broadcast %sign3A : i32 to vector<512x512xi32>
    %sign3A_67 = arith.cmpi sgt, %iota3A_63, %sign3A_66 : vector<512x512xi32>
    %sign3A_68 = arith.extui %sign3A_67 : vector<512x512xi1> to vector<512x512xi32>
    %sign3A_69 = arith.constant 0 : i32
    %sign3A_70 = vector.broadcast %sign3A_69 : i32 to vector<512x512xi32>
    %sign3A_71 = arith.cmpi slt, %iota3A_63, %sign3A_70 : vector<512x512xi32>
    %sign3A_72 = arith.extui %sign3A_71 : vector<512x512xi1> to vector<512x512xi32>
    %sign3A_73 = arith.subi %sign3A_68, %sign3A_72 : vector<512x512xi32>
    %sign3A_74 = arith.constant 0 : i32
    %sign3A_75 = arith.cmpi sgt, %jit3A_64, %sign3A_74 : i32
    %sign3A_76 = arith.extui %sign3A_75 : i1 to i32
    %sign3A_77 = arith.constant 0 : i32
    %sign3A_78 = arith.cmpi slt, %jit3A_64, %sign3A_77 : i32
    %sign3A_79 = arith.extui %sign3A_78 : i1 to i32
    %sign3A_80 = arith.subi %sign3A_76, %sign3A_79 : i32
    %ne3A = vector.broadcast %sign3A_80 : i32 to vector<512x512xi32>
    %ne3A_81 = arith.cmpi ne, %sign3A_73, %ne3A : vector<512x512xi32>
    %rem3A = vector.broadcast %jit3A_64 : i32 to vector<512x512xi32>
    %rem3A_82 = arith.remsi %iota3A_63, %rem3A : vector<512x512xi32>
    %ne3A_83 = arith.constant 0 : i32
    %ne3A_84 = vector.broadcast %ne3A_83 : i32 to vector<512x512xi32>
    %ne3A_85 = arith.cmpi ne, %rem3A_82, %ne3A_84 : vector<512x512xi32>
    %and3A = arith.andi %ne3A_81, %ne3A_85 : vector<512x512xi1>
    %sub3A_86 = arith.constant 1 : i32
    %sub3A_87 = vector.broadcast %sub3A_86 : i32 to vector<512x512xi32>
    %sub3A_88 = arith.subi %div3A_65, %sub3A_87 : vector<512x512xi32>
    %select_n3A_89 = arith.select %and3A, %sub3A_88, %div3A_65 : vector<512x512xi1>, vector<512x512xi32>
    %jit3A_90 = arith.constant 256 : i32
    %div3A_91 = vector.broadcast %jit3A_90 : i32 to vector<512x512xi32>
    %div3A_92 = arith.divsi %iota3A_62, %div3A_91 : vector<512x512xi32>
    %sign3A_93 = arith.constant 0 : i32
    %sign3A_94 = vector.broadcast %sign3A_93 : i32 to vector<512x512xi32>
    %sign3A_95 = arith.cmpi sgt, %iota3A_62, %sign3A_94 : vector<512x512xi32>
    %sign3A_96 = arith.extui %sign3A_95 : vector<512x512xi1> to vector<512x512xi32>
    %sign3A_97 = arith.constant 0 : i32
    %sign3A_98 = vector.broadcast %sign3A_97 : i32 to vector<512x512xi32>
    %sign3A_99 = arith.cmpi slt, %iota3A_62, %sign3A_98 : vector<512x512xi32>
    %sign3A_100 = arith.extui %sign3A_99 : vector<512x512xi1> to vector<512x512xi32>
    %sign3A_101 = arith.subi %sign3A_96, %sign3A_100 : vector<512x512xi32>
    %sign3A_102 = arith.constant 0 : i32
    %sign3A_103 = arith.cmpi sgt, %jit3A_90, %sign3A_102 : i32
    %sign3A_104 = arith.extui %sign3A_103 : i1 to i32
    %sign3A_105 = arith.constant 0 : i32
    %sign3A_106 = arith.cmpi slt, %jit3A_90, %sign3A_105 : i32
    %sign3A_107 = arith.extui %sign3A_106 : i1 to i32
    %sign3A_108 = arith.subi %sign3A_104, %sign3A_107 : i32
    %ne3A_109 = vector.broadcast %sign3A_108 : i32 to vector<512x512xi32>
    %ne3A_110 = arith.cmpi ne, %sign3A_101, %ne3A_109 : vector<512x512xi32>
    %rem3A_111 = vector.broadcast %jit3A_90 : i32 to vector<512x512xi32>
    %rem3A_112 = arith.remsi %iota3A_62, %rem3A_111 : vector<512x512xi32>
    %ne3A_113 = arith.constant 0 : i32
    %ne3A_114 = vector.broadcast %ne3A_113 : i32 to vector<512x512xi32>
    %ne3A_115 = arith.cmpi ne, %rem3A_112, %ne3A_114 : vector<512x512xi32>
    %and3A_116 = arith.andi %ne3A_110, %ne3A_115 : vector<512x512xi1>
    %sub3A_117 = arith.constant 1 : i32
    %sub3A_118 = vector.broadcast %sub3A_117 : i32 to vector<512x512xi32>
    %sub3A_119 = arith.subi %div3A_92, %sub3A_118 : vector<512x512xi32>
    %select_n3A_120 = arith.select %and3A_116, %sub3A_119, %div3A_92 : vector<512x512xi1>, vector<512x512xi32>
    %eq3A_121 = arith.cmpi eq, %select_n3A_89, %select_n3A_120 : vector<512x512xi32>
    %and3A_122 = arith.andi %lt3A, %eq3A_121 : vector<512x512xi1>
    %convert_element_type3A_123 = arith.extui %and3A_122 : vector<512x512xi1> to vector<512x512xi32>
    %convert_element_type3A_124 = arith.sitofp %convert_element_type3A_123 : vector<512x512xi32> to vector<512x512xf32>
    %dot_general3A = arith.constant dense<0.000000e+00> : vector<512x1xf32>
    %dot_general3A_125 = tpu.matmul %convert_element_type3A_124, %broadcast_in_dim3A_61, %dot_general3A {dimension_numbers = #tpu.dot_dimension_numbers<[1], [0], [0], [1], [0, 0, 1, 1], [], []>, transpose_lhs_hint = false} : vector<512x512xf32>, vector<512x1xf32>, vector<512x1xf32> -> vector<512x1xf32>
    %convert_element_type3A_126 = arith.fptosi %dot_general3A_125 : vector<512x1xf32> to vector<512x1xi32>
    %swap3A_127 = arith.constant 0 : index
    %swap3A_128 = arith.constant 0 : index
    %swap3A_129 = vector.load %arg4[%swap3A_127, %swap3A_128] : memref<512x1xi32, #tpu.memory_space<vmem>>, vector<512x1xi32>
    tpu.vector_store %arg4[%swap3A_127, %swap3A_128], %convert_element_type3A_126 {strides = array<i32>} : memref<512x1xi32, #tpu.memory_space<vmem>>, vector<512x1xi32>,
    %iota3A_130 = tpu.iota {dimensions = array<i32: 0>} : vector<512x1xi32>
    %lt3A_131 = arith.constant 256 : i32
    %lt3A_132 = vector.broadcast %lt3A_131 : i32 to vector<512x1xi32>
    %lt3A_133 = arith.cmpi slt, %iota3A_130, %lt3A_132 : vector<512x1xi32>
    %convert_element_type3A_134 = arith.extui %lt3A_133 : vector<512x1xi1> to vector<512x1xi32>
    %convert_element_type3A_135 = arith.sitofp %convert_element_type3A_134 : vector<512x1xi32> to vector<512x1xf32>
    %mul3A_136 = arith.mulf %broadcast_in_dim3A_61, %convert_element_type3A_135 : vector<512x1xf32>
    %reduce_sum3A_137 = vector.shape_cast %mul3A_136 : vector<512x1xf32> to vector<1x512x1xf32>
    %reduce_sum3A_138 = arith.constant dense<0.000000e+00> : vector<1xf32>
    %reduce_sum3A_139 = vector.multi_reduction <add>, %reduce_sum3A_137, %reduce_sum3A_138 [1, 2] : vector<1x512x1xf32> to vector<1xf32>
    %reduce_sum3A_140 = vector.shape_cast %reduce_sum3A_139 : vector<1xf32> to vector<1x1x1xf32>
    %reduce_sum3A_141 = vector.extract %reduce_sum3A_140[0, 0, 0] : f32 from vector<1x1x1xf32>
    %convert_element_type3A_142 = arith.fptosi %reduce_sum3A_141 : f32 to i32
    %swap3A_143 = arith.constant 0 : index
    %swap3A_144 = arith.constant 0 : index
    %swap3A_145 = memref.load %arg6[%swap3A_143, %swap3A_144] : memref<1x1xi32, #tpu.memory_space<smem>>
    memref.store %convert_element_type3A_142, %arg6[%swap3A_143, %swap3A_144] : memref<1x1xi32, #tpu.memory_space<smem>>
    %convert_element_type3A_146 = arith.fptosi %reduce_sum3A_141 : f32 to i32
    %sub3A_147 = arith.subi %reduce_sum3A_10, %convert_element_type3A_146 : i32
    %swap3A_148 = arith.constant 0 : index
    %swap3A_149 = arith.constant 0 : index
    %swap3A_150 = memref.load %arg7[%swap3A_148, %swap3A_149] : memref<1x1xi32, #tpu.memory_space<smem>>
    memref.store %sub3A_147, %arg7[%swap3A_148, %swap3A_149] : memref<1x1xi32, #tpu.memory_space<smem>>
    return
  }
}

module attributes {stable_mosaic.version = 14 : i64} {
  func.func @_k3_body(%arg0: i32, %arg1: memref<1x21504xf32, #tpu.memory_space<vmem>>, %arg2: memref<1x21504xf32, #tpu.memory_space<vmem>>, %arg3: memref<512x1xf32, #tpu.memory_space<vmem>>, %arg4: memref<512x1xf32, #tpu.memory_space<vmem>>, %arg5: memref<1x1xi32, #tpu.memory_space<smem>>, %arg6: memref<1x1xi32, #tpu.memory_space<smem>>, %arg7: memref<1x1x128xf32, #tpu.memory_space<vmem>>) attributes {dimension_semantics = [#tpu.dimension_semantics<parallel>], iteration_bounds = array<i64: 42>, scalar_prefetch = 0 : i64, scratch_operands = 0 : i64, tpu.core_type = #tpu.core_type<tc>, window_params = [{pipeline_mode = #tpu.pipeline_mode<synchronous>, transform_indices = @transform_0, window_bounds = array<i64: 1, 21504>}, {pipeline_mode = #tpu.pipeline_mode<synchronous>, transform_indices = @transform_1, window_bounds = array<i64: 1, 21504>}, {transform_indices = @transform_2, window_bounds = array<i64: 512, 1>}, {transform_indices = @transform_3, window_bounds = array<i64: 512, 1>}, {transform_indices = @transform_4, window_bounds = array<i64: 1, 1>}, {transform_indices = @transform_5, window_bounds = array<i64: 1, 1>}, {transform_indices = @transform_6, window_bounds = array<i64: 1, 1, 128>}]} {
    %get3A = arith.constant 0 : index
    %get3A_0 = arith.constant 0 : index
    %get3A_1 = memref.load %arg5[%get3A, %get3A_0] : memref<1x1xi32, #tpu.memory_space<smem>>
    %get3A_2 = arith.constant 0 : index
    %get3A_3 = arith.constant 0 : index
    %get3A_4 = memref.load %arg6[%get3A_2, %get3A_3] : memref<1x1xi32, #tpu.memory_space<smem>>
    %mul3A = arith.constant 512 : i32
    %mul3A_5 = arith.muli %arg0, %mul3A : i32
    %lt3A = arith.cmpi slt, %mul3A_5, %get3A_1 : i32
    %ge3A = arith.constant 21 : i32
    %ge3A_6 = arith.cmpi sge, %arg0, %ge3A : i32
    %mul3A_7 = arith.constant 512 : i32
    %mul3A_8 = arith.muli %arg0, %mul3A_7 : i32
    %add3A = arith.constant 10752 : i32
    %add3A_9 = arith.addi %add3A, %get3A_4 : i32
    %lt3A_10 = arith.cmpi slt, %mul3A_8, %add3A_9 : i32
    %and3A = arith.andi %ge3A_6, %lt3A_10 : i1
    %or3A = arith.ori %lt3A, %and3A : i1
    %convert_element_type3A = arith.extui %or3A : i1 to i32
    %cond3A = arith.constant 0 : i32
    %cond3A_11 = arith.cmpi ne, %convert_element_type3A, %cond3A : i32
    scf.if %cond3A_11 {
      %iota3A = tpu.iota {dimensions = array<i32: 0>} : vector<512x1xi32>
      %mul3A_16 = arith.constant 512 : i32
      %mul3A_17 = arith.muli %arg0, %mul3A_16 : i32
      %add3A_18 = vector.broadcast %mul3A_17 : i32 to vector<512x1xi32>
      %add3A_19 = arith.addi %iota3A, %add3A_18 : vector<512x1xi32>
      %lt3A_20 = vector.broadcast %get3A_1 : i32 to vector<512x1xi32>
      %lt3A_21 = arith.cmpi slt, %add3A_19, %lt3A_20 : vector<512x1xi32>
      %ge3A_22 = arith.constant 10752 : i32
      %ge3A_23 = vector.broadcast %ge3A_22 : i32 to vector<512x1xi32>
      %ge3A_24 = arith.cmpi sge, %add3A_19, %ge3A_23 : vector<512x1xi32>
      %add3A_25 = arith.constant 10752 : i32
      %add3A_26 = arith.addi %add3A_25, %get3A_4 : i32
      %lt3A_27 = vector.broadcast %add3A_26 : i32 to vector<512x1xi32>
      %lt3A_28 = arith.cmpi slt, %add3A_19, %lt3A_27 : vector<512x1xi32>
      %and3A_29 = arith.andi %ge3A_24, %lt3A_28 : vector<512x1xi1>
      %or3A_30 = arith.ori %lt3A_21, %and3A_29 : vector<512x1xi1>
      %get3A_31 = arith.constant 0 : index
      %get3A_32 = arith.constant 0 : index
      %get3A_33 = vector.load %arg3[%get3A_31, %get3A_32] : memref<512x1xf32, #tpu.memory_space<vmem>>, vector<512x1xf32>
      %jit3A = arith.constant 0.000000e+00 : f32
      %broadcast_in_dim3A = vector.broadcast %jit3A : f32 to vector<512x1xf32>
      %select_n3A = arith.select %or3A_30, %get3A_33, %broadcast_in_dim3A : vector<512x1xi1>, vector<512x1xf32>
      %get3A_34 = arith.constant 0 : index
      %get3A_35 = arith.constant 0 : index
      %get3A_36 = vector.load %arg4[%get3A_34, %get3A_35] : memref<512x1xf32, #tpu.memory_space<vmem>>, vector<512x1xf32>
      %jit3A_37 = arith.constant 0.000000e+00 : f32
      %broadcast_in_dim3A_38 = vector.broadcast %jit3A_37 : f32 to vector<512x1xf32>
      %select_n3A_39 = arith.select %or3A_30, %get3A_36, %broadcast_in_dim3A_38 : vector<512x1xi1>, vector<512x1xf32>
      %convert_element_type3A_40 = arith.extui %or3A_30 : vector<512x1xi1> to vector<512x1xi32>
      %convert_element_type3A_41 = arith.sitofp %convert_element_type3A_40 : vector<512x1xi32> to vector<512x1xf32>
      %add3A_42 = arith.constant 1 : i32
      %add3A_43 = arith.addi %arg0, %add3A_42 : i32
      %add3A_44 = arith.constant 512 : i32
      %add3A_45 = arith.addi %get3A_1, %add3A_44 : i32
      %sub3A = arith.constant 1 : i32
      %sub3A_46 = arith.subi %add3A_45, %sub3A : i32
      %jit3A_47 = arith.constant 512 : i32
      %div3A = arith.divsi %sub3A_46, %jit3A_47 : i32
      %sign3A = arith.constant 0 : i32
      %sign3A_48 = arith.cmpi sgt, %sub3A_46, %sign3A : i32
      %sign3A_49 = arith.extui %sign3A_48 : i1 to i32
      %sign3A_50 = arith.constant 0 : i32
      %sign3A_51 = arith.cmpi slt, %sub3A_46, %sign3A_50 : i32
      %sign3A_52 = arith.extui %sign3A_51 : i1 to i32
      %sign3A_53 = arith.subi %sign3A_49, %sign3A_52 : i32
      %sign3A_54 = arith.constant 0 : i32
      %sign3A_55 = arith.cmpi sgt, %jit3A_47, %sign3A_54 : i32
      %sign3A_56 = arith.extui %sign3A_55 : i1 to i32
      %sign3A_57 = arith.constant 0 : i32
      %sign3A_58 = arith.cmpi slt, %jit3A_47, %sign3A_57 : i32
      %sign3A_59 = arith.extui %sign3A_58 : i1 to i32
      %sign3A_60 = arith.subi %sign3A_56, %sign3A_59 : i32
      %ne3A = arith.cmpi ne, %sign3A_53, %sign3A_60 : i32
      %rem3A = arith.remsi %sub3A_46, %jit3A_47 : i32
      %ne3A_61 = arith.constant 0 : i32
      %ne3A_62 = arith.cmpi ne, %rem3A, %ne3A_61 : i32
      %and3A_63 = arith.andi %ne3A, %ne3A_62 : i1
      %sub3A_64 = arith.constant 1 : i32
      %sub3A_65 = arith.subi %div3A, %sub3A_64 : i32
      %select_n3A_66 = arith.select %and3A_63, %sub3A_65, %div3A : i32
      %min3A = arith.minsi %add3A_43, %select_n3A_66 : i32
      %while3A = arith.constant 0 : i32
      %while3A_67 = arith.constant 0.000000e+00 : f32
      %while3A_68 = arith.subi %min3A, %while3A : i32
      %while3A_69 = arith.addi %while3A, %while3A_68 : i32
      %while3A_70 = arith.constant 1 : i32
      %while3A_71 = arith.divsi %while3A_68, %while3A_70 : i32
      %while3A_72 = arith.muli %while3A_71, %while3A_70 : i32
      %while3A_73 = arith.addi %while3A, %while3A_72 : i32
      %while3A_74 = arith.constant 1 : i32
      %while3A_75 = scf.for %while3A_98 = %while3A to %while3A_73 step %while3A_74 iter_args(%while3A_99 = %while3A_67) -> (f32)  : i32 {
        %mul3A_100 = arith.constant 512 : i32
        %mul3A_101 = arith.muli %while3A_98, %mul3A_100 : i32
        %multiple_of3A = tpu.assume_multiple %mul3A_101, 512 : i32
        %iota3A_102 = tpu.iota {dimensions = array<i32: 1>} : vector<1x512xi32>
        %add3A_103 = vector.broadcast %multiple_of3A : i32 to vector<1x512xi32>
        %add3A_104 = arith.addi %iota3A_102, %add3A_103 : vector<1x512xi32>
        %lt3A_105 = vector.broadcast %get3A_1 : i32 to vector<1x512xi32>
        %lt3A_106 = arith.cmpi slt, %add3A_104, %lt3A_105 : vector<1x512xi32>
        %ge3A_107 = arith.constant 10752 : i32
        %ge3A_108 = vector.broadcast %ge3A_107 : i32 to vector<1x512xi32>
        %ge3A_109 = arith.cmpi sge, %add3A_104, %ge3A_108 : vector<1x512xi32>
        %add3A_110 = arith.constant 10752 : i32
        %add3A_111 = arith.addi %add3A_110, %get3A_4 : i32
        %lt3A_112 = vector.broadcast %add3A_111 : i32 to vector<1x512xi32>
        %lt3A_113 = arith.cmpi slt, %add3A_104, %lt3A_112 : vector<1x512xi32>
        %and3A_114 = arith.andi %ge3A_109, %lt3A_113 : vector<1x512xi1>
        %or3A_115 = arith.ori %lt3A_106, %and3A_114 : vector<1x512xi1>
        %get3A_116 = arith.constant 0 : index
        %get3A_117 = arith.index_cast %multiple_of3A : i32 to index
        %get3A_118 = vector.load %arg1[%get3A_116, %get3A_117] : memref<1x21504xf32, #tpu.memory_space<vmem>>, vector<1x512xf32>
        %jit3A_119 = arith.constant 0.000000e+00 : f32
        %broadcast_in_dim3A_120 = vector.broadcast %jit3A_119 : f32 to vector<1x512xf32>
        %select_n3A_121 = arith.select %or3A_115, %get3A_118, %broadcast_in_dim3A_120 : vector<1x512xi1>, vector<1x512xf32>
        %get3A_122 = arith.constant 0 : index
        %get3A_123 = arith.index_cast %multiple_of3A : i32 to index
        %get3A_124 = vector.load %arg2[%get3A_122, %get3A_123] : memref<1x21504xf32, #tpu.memory_space<vmem>>, vector<1x512xf32>
        %jit3A_125 = arith.constant 0.000000e+00 : f32
        %broadcast_in_dim3A_126 = vector.broadcast %jit3A_125 : f32 to vector<1x512xf32>
        %select_n3A_127 = arith.select %or3A_115, %get3A_124, %broadcast_in_dim3A_126 : vector<1x512xi1>, vector<1x512xf32>
        %sub3A_128 = vector.broadcast %select_n3A : vector<512x1xf32> to vector<512x512xf32>
        %sub3A_129 = vector.broadcast %select_n3A_121 : vector<1x512xf32> to vector<512x512xf32>
        %sub3A_130 = arith.subf %sub3A_128, %sub3A_129 : vector<512x512xf32>
        %sub3A_131 = vector.broadcast %select_n3A_39 : vector<512x1xf32> to vector<512x512xf32>
        %sub3A_132 = vector.broadcast %select_n3A_127 : vector<1x512xf32> to vector<512x512xf32>
        %sub3A_133 = arith.subf %sub3A_131, %sub3A_132 : vector<512x512xf32>
        %mul3A_134 = arith.mulf %sub3A_130, %sub3A_130 : vector<512x512xf32>
        %mul3A_135 = arith.mulf %sub3A_133, %sub3A_133 : vector<512x512xf32>
        %add3A_136 = arith.addf %mul3A_134, %mul3A_135 : vector<512x512xf32>
        %sqrt3A = math.sqrt %add3A_136 : vector<512x512xf32>
        %add3A_137 = arith.constant 512 : i32
        %add3A_138 = arith.addi %multiple_of3A, %add3A_137 : i32
        %le3A = arith.cmpi sle, %add3A_138, %get3A_1 : i32
        %ge3A_139 = arith.constant 10752 : i32
        %ge3A_140 = arith.cmpi sge, %multiple_of3A, %ge3A_139 : i32
        %add3A_141 = arith.constant 512 : i32
        %add3A_142 = arith.addi %multiple_of3A, %add3A_141 : i32
        %add3A_143 = arith.constant 10752 : i32
        %add3A_144 = arith.addi %add3A_143, %get3A_4 : i32
        %le3A_145 = arith.cmpi sle, %add3A_142, %add3A_144 : i32
        %and3A_146 = arith.andi %ge3A_140, %le3A_145 : i1
        %or3A_147 = arith.ori %le3A, %and3A_146 : i1
        %convert_element_type3A_148 = arith.extui %or3A_147 : i1 to i32
        %cond3A_149 = arith.constant 0 : i32
        %cond3A_150 = arith.cmpi ne, %convert_element_type3A_148, %cond3A_149 : i32
        %cond3A_151 = scf.if %cond3A_150 -> (vector<512x1xf32>) {
          %reduce_sum3A_162 = arith.constant dense<0.000000e+00> : vector<512xf32>
          %reduce_sum3A_163 = vector.multi_reduction <add>, %sqrt3A, %reduce_sum3A_162 [1] : vector<512x512xf32> to vector<512xf32>
          %broadcast_in_dim3A_164 = vector.shape_cast %reduce_sum3A_163 : vector<512xf32> to vector<512x1xf32>
          scf.yield %broadcast_in_dim3A_164 : vector<512x1xf32>
        } else {
          %convert_element_type3A_162 = arith.extui %or3A_115 : vector<1x512xi1> to vector<1x512xi32>
          %convert_element_type3A_163 = arith.sitofp %convert_element_type3A_162 : vector<1x512xi32> to vector<1x512xf32>
          %mul3A_164 = vector.broadcast %convert_element_type3A_163 : vector<1x512xf32> to vector<512x512xf32>
          %mul3A_165 = arith.mulf %sqrt3A, %mul3A_164 : vector<512x512xf32>
          %reduce_sum3A_166 = arith.constant dense<0.000000e+00> : vector<512xf32>
          %reduce_sum3A_167 = vector.multi_reduction <add>, %mul3A_165, %reduce_sum3A_166 [1] : vector<512x512xf32> to vector<512xf32>
          %broadcast_in_dim3A_168 = vector.shape_cast %reduce_sum3A_167 : vector<512xf32> to vector<512x1xf32>
          scf.yield %broadcast_in_dim3A_168 : vector<512x1xf32>
        }
        %mul3A_152 = arith.mulf %cond3A_151, %convert_element_type3A_41 : vector<512x1xf32>
        %reduce_sum3A = vector.shape_cast %mul3A_152 : vector<512x1xf32> to vector<1x512x1xf32>
        %reduce_sum3A_153 = arith.constant dense<0.000000e+00> : vector<1xf32>
        %reduce_sum3A_154 = vector.multi_reduction <add>, %reduce_sum3A, %reduce_sum3A_153 [1, 2] : vector<1x512x1xf32> to vector<1xf32>
        %reduce_sum3A_155 = vector.shape_cast %reduce_sum3A_154 : vector<1xf32> to vector<1x1x1xf32>
        %reduce_sum3A_156 = vector.extract %reduce_sum3A_155[0, 0, 0] : f32 from vector<1x1x1xf32>
        %eq3A = arith.cmpi eq, %while3A_98, %arg0 : i32
        %jit3A_157 = arith.constant 1.000000e+00 : f32
        %jit3A_158 = arith.constant 2.000000e+00 : f32
        %select_n3A_159 = arith.select %eq3A, %jit3A_157, %jit3A_158 : f32
        %mul3A_160 = arith.mulf %reduce_sum3A_156, %select_n3A_159 : f32
        %add3A_161 = arith.addf %while3A_99, %mul3A_160 : f32
        scf.yield %add3A_161 : f32
      }
      %while3A_76 = arith.constant 1 : i32
      %while3A_77 = scf.for %while3A_98 = %while3A_73 to %while3A_69 step %while3A_76 iter_args(%while3A_99 = %while3A_75) -> (f32)  : i32 {
        %mul3A_100 = arith.constant 512 : i32
        %mul3A_101 = arith.muli %while3A_98, %mul3A_100 : i32
        %multiple_of3A = tpu.assume_multiple %mul3A_101, 512 : i32
        %iota3A_102 = tpu.iota {dimensions = array<i32: 1>} : vector<1x512xi32>
        %add3A_103 = vector.broadcast %multiple_of3A : i32 to vector<1x512xi32>
        %add3A_104 = arith.addi %iota3A_102, %add3A_103 : vector<1x512xi32>
        %lt3A_105 = vector.broadcast %get3A_1 : i32 to vector<1x512xi32>
        %lt3A_106 = arith.cmpi slt, %add3A_104, %lt3A_105 : vector<1x512xi32>
        %ge3A_107 = arith.constant 10752 : i32
        %ge3A_108 = vector.broadcast %ge3A_107 : i32 to vector<1x512xi32>
        %ge3A_109 = arith.cmpi sge, %add3A_104, %ge3A_108 : vector<1x512xi32>
        %add3A_110 = arith.constant 10752 : i32
        %add3A_111 = arith.addi %add3A_110, %get3A_4 : i32
        %lt3A_112 = vector.broadcast %add3A_111 : i32 to vector<1x512xi32>
        %lt3A_113 = arith.cmpi slt, %add3A_104, %lt3A_112 : vector<1x512xi32>
        %and3A_114 = arith.andi %ge3A_109, %lt3A_113 : vector<1x512xi1>
        %or3A_115 = arith.ori %lt3A_106, %and3A_114 : vector<1x512xi1>
        %get3A_116 = arith.constant 0 : index
        %get3A_117 = arith.index_cast %multiple_of3A : i32 to index
        %get3A_118 = vector.load %arg1[%get3A_116, %get3A_117] : memref<1x21504xf32, #tpu.memory_space<vmem>>, vector<1x512xf32>
        %jit3A_119 = arith.constant 0.000000e+00 : f32
        %broadcast_in_dim3A_120 = vector.broadcast %jit3A_119 : f32 to vector<1x512xf32>
        %select_n3A_121 = arith.select %or3A_115, %get3A_118, %broadcast_in_dim3A_120 : vector<1x512xi1>, vector<1x512xf32>
        %get3A_122 = arith.constant 0 : index
        %get3A_123 = arith.index_cast %multiple_of3A : i32 to index
        %get3A_124 = vector.load %arg2[%get3A_122, %get3A_123] : memref<1x21504xf32, #tpu.memory_space<vmem>>, vector<1x512xf32>
        %jit3A_125 = arith.constant 0.000000e+00 : f32
        %broadcast_in_dim3A_126 = vector.broadcast %jit3A_125 : f32 to vector<1x512xf32>
        %select_n3A_127 = arith.select %or3A_115, %get3A_124, %broadcast_in_dim3A_126 : vector<1x512xi1>, vector<1x512xf32>
        %sub3A_128 = vector.broadcast %select_n3A : vector<512x1xf32> to vector<512x512xf32>
        %sub3A_129 = vector.broadcast %select_n3A_121 : vector<1x512xf32> to vector<512x512xf32>
        %sub3A_130 = arith.subf %sub3A_128, %sub3A_129 : vector<512x512xf32>
        %sub3A_131 = vector.broadcast %select_n3A_39 : vector<512x1xf32> to vector<512x512xf32>
        %sub3A_132 = vector.broadcast %select_n3A_127 : vector<1x512xf32> to vector<512x512xf32>
        %sub3A_133 = arith.subf %sub3A_131, %sub3A_132 : vector<512x512xf32>
        %mul3A_134 = arith.mulf %sub3A_130, %sub3A_130 : vector<512x512xf32>
        %mul3A_135 = arith.mulf %sub3A_133, %sub3A_133 : vector<512x512xf32>
        %add3A_136 = arith.addf %mul3A_134, %mul3A_135 : vector<512x512xf32>
        %sqrt3A = math.sqrt %add3A_136 : vector<512x512xf32>
        %add3A_137 = arith.constant 512 : i32
        %add3A_138 = arith.addi %multiple_of3A, %add3A_137 : i32
        %le3A = arith.cmpi sle, %add3A_138, %get3A_1 : i32
        %ge3A_139 = arith.constant 10752 : i32
        %ge3A_140 = arith.cmpi sge, %multiple_of3A, %ge3A_139 : i32
        %add3A_141 = arith.constant 512 : i32
        %add3A_142 = arith.addi %multiple_of3A, %add3A_141 : i32
        %add3A_143 = arith.constant 10752 : i32
        %add3A_144 = arith.addi %add3A_143, %get3A_4 : i32
        %le3A_145 = arith.cmpi sle, %add3A_142, %add3A_144 : i32
        %and3A_146 = arith.andi %ge3A_140, %le3A_145 : i1
        %or3A_147 = arith.ori %le3A, %and3A_146 : i1
        %convert_element_type3A_148 = arith.extui %or3A_147 : i1 to i32
        %cond3A_149 = arith.constant 0 : i32
        %cond3A_150 = arith.cmpi ne, %convert_element_type3A_148, %cond3A_149 : i32
        %cond3A_151 = scf.if %cond3A_150 -> (vector<512x1xf32>) {
          %reduce_sum3A_162 = arith.constant dense<0.000000e+00> : vector<512xf32>
          %reduce_sum3A_163 = vector.multi_reduction <add>, %sqrt3A, %reduce_sum3A_162 [1] : vector<512x512xf32> to vector<512xf32>
          %broadcast_in_dim3A_164 = vector.shape_cast %reduce_sum3A_163 : vector<512xf32> to vector<512x1xf32>
          scf.yield %broadcast_in_dim3A_164 : vector<512x1xf32>
        } else {
          %convert_element_type3A_162 = arith.extui %or3A_115 : vector<1x512xi1> to vector<1x512xi32>
          %convert_element_type3A_163 = arith.sitofp %convert_element_type3A_162 : vector<1x512xi32> to vector<1x512xf32>
          %mul3A_164 = vector.broadcast %convert_element_type3A_163 : vector<1x512xf32> to vector<512x512xf32>
          %mul3A_165 = arith.mulf %sqrt3A, %mul3A_164 : vector<512x512xf32>
          %reduce_sum3A_166 = arith.constant dense<0.000000e+00> : vector<512xf32>
          %reduce_sum3A_167 = vector.multi_reduction <add>, %mul3A_165, %reduce_sum3A_166 [1] : vector<512x512xf32> to vector<512xf32>
          %broadcast_in_dim3A_168 = vector.shape_cast %reduce_sum3A_167 : vector<512xf32> to vector<512x1xf32>
          scf.yield %broadcast_in_dim3A_168 : vector<512x1xf32>
        }
        %mul3A_152 = arith.mulf %cond3A_151, %convert_element_type3A_41 : vector<512x1xf32>
        %reduce_sum3A = vector.shape_cast %mul3A_152 : vector<512x1xf32> to vector<1x512x1xf32>
        %reduce_sum3A_153 = arith.constant dense<0.000000e+00> : vector<1xf32>
        %reduce_sum3A_154 = vector.multi_reduction <add>, %reduce_sum3A, %reduce_sum3A_153 [1, 2] : vector<1x512x1xf32> to vector<1xf32>
        %reduce_sum3A_155 = vector.shape_cast %reduce_sum3A_154 : vector<1xf32> to vector<1x1x1xf32>
        %reduce_sum3A_156 = vector.extract %reduce_sum3A_155[0, 0, 0] : f32 from vector<1x1x1xf32>
        %eq3A = arith.cmpi eq, %while3A_98, %arg0 : i32
        %jit3A_157 = arith.constant 1.000000e+00 : f32
        %jit3A_158 = arith.constant 2.000000e+00 : f32
        %select_n3A_159 = arith.select %eq3A, %jit3A_157, %jit3A_158 : f32
        %mul3A_160 = arith.mulf %reduce_sum3A_156, %select_n3A_159 : f32
        %add3A_161 = arith.addf %while3A_99, %mul3A_160 : f32
        scf.yield %add3A_161 : f32
      }
      %add3A_78 = arith.constant 1 : i32
      %add3A_79 = arith.addi %arg0, %add3A_78 : i32
      %while3A_80 = arith.constant 21 : i32
      %while3A_81 = arith.subi %add3A_79, %while3A_80 : i32
      %while3A_82 = arith.addi %while3A_80, %while3A_81 : i32
      %while3A_83 = arith.constant 1 : i32
      %while3A_84 = arith.divsi %while3A_81, %while3A_83 : i32
      %while3A_85 = arith.muli %while3A_84, %while3A_83 : i32
      %while3A_86 = arith.addi %while3A_80, %while3A_85 : i32
      %while3A_87 = arith.constant 1 : i32
      %while3A_88 = scf.for %while3A_98 = %while3A_80 to %while3A_86 step %while3A_87 iter_args(%while3A_99 = %while3A_77) -> (f32)  : i32 {
        %mul3A_100 = arith.constant 512 : i32
        %mul3A_101 = arith.muli %while3A_98, %mul3A_100 : i32
        %multiple_of3A = tpu.assume_multiple %mul3A_101, 512 : i32
        %iota3A_102 = tpu.iota {dimensions = array<i32: 1>} : vector<1x512xi32>
        %add3A_103 = vector.broadcast %multiple_of3A : i32 to vector<1x512xi32>
        %add3A_104 = arith.addi %iota3A_102, %add3A_103 : vector<1x512xi32>
        %lt3A_105 = vector.broadcast %get3A_1 : i32 to vector<1x512xi32>
        %lt3A_106 = arith.cmpi slt, %add3A_104, %lt3A_105 : vector<1x512xi32>
        %ge3A_107 = arith.constant 10752 : i32
        %ge3A_108 = vector.broadcast %ge3A_107 : i32 to vector<1x512xi32>
        %ge3A_109 = arith.cmpi sge, %add3A_104, %ge3A_108 : vector<1x512xi32>
        %add3A_110 = arith.constant 10752 : i32
        %add3A_111 = arith.addi %add3A_110, %get3A_4 : i32
        %lt3A_112 = vector.broadcast %add3A_111 : i32 to vector<1x512xi32>
        %lt3A_113 = arith.cmpi slt, %add3A_104, %lt3A_112 : vector<1x512xi32>
        %and3A_114 = arith.andi %ge3A_109, %lt3A_113 : vector<1x512xi1>
        %or3A_115 = arith.ori %lt3A_106, %and3A_114 : vector<1x512xi1>
        %get3A_116 = arith.constant 0 : index
        %get3A_117 = arith.index_cast %multiple_of3A : i32 to index
        %get3A_118 = vector.load %arg1[%get3A_116, %get3A_117] : memref<1x21504xf32, #tpu.memory_space<vmem>>, vector<1x512xf32>
        %jit3A_119 = arith.constant 0.000000e+00 : f32
        %broadcast_in_dim3A_120 = vector.broadcast %jit3A_119 : f32 to vector<1x512xf32>
        %select_n3A_121 = arith.select %or3A_115, %get3A_118, %broadcast_in_dim3A_120 : vector<1x512xi1>, vector<1x512xf32>
        %get3A_122 = arith.constant 0 : index
        %get3A_123 = arith.index_cast %multiple_of3A : i32 to index
        %get3A_124 = vector.load %arg2[%get3A_122, %get3A_123] : memref<1x21504xf32, #tpu.memory_space<vmem>>, vector<1x512xf32>
        %jit3A_125 = arith.constant 0.000000e+00 : f32
        %broadcast_in_dim3A_126 = vector.broadcast %jit3A_125 : f32 to vector<1x512xf32>
        %select_n3A_127 = arith.select %or3A_115, %get3A_124, %broadcast_in_dim3A_126 : vector<1x512xi1>, vector<1x512xf32>
        %sub3A_128 = vector.broadcast %select_n3A : vector<512x1xf32> to vector<512x512xf32>
        %sub3A_129 = vector.broadcast %select_n3A_121 : vector<1x512xf32> to vector<512x512xf32>
        %sub3A_130 = arith.subf %sub3A_128, %sub3A_129 : vector<512x512xf32>
        %sub3A_131 = vector.broadcast %select_n3A_39 : vector<512x1xf32> to vector<512x512xf32>
        %sub3A_132 = vector.broadcast %select_n3A_127 : vector<1x512xf32> to vector<512x512xf32>
        %sub3A_133 = arith.subf %sub3A_131, %sub3A_132 : vector<512x512xf32>
        %mul3A_134 = arith.mulf %sub3A_130, %sub3A_130 : vector<512x512xf32>
        %mul3A_135 = arith.mulf %sub3A_133, %sub3A_133 : vector<512x512xf32>
        %add3A_136 = arith.addf %mul3A_134, %mul3A_135 : vector<512x512xf32>
        %sqrt3A = math.sqrt %add3A_136 : vector<512x512xf32>
        %add3A_137 = arith.constant 512 : i32
        %add3A_138 = arith.addi %multiple_of3A, %add3A_137 : i32
        %le3A = arith.cmpi sle, %add3A_138, %get3A_1 : i32
        %ge3A_139 = arith.constant 10752 : i32
        %ge3A_140 = arith.cmpi sge, %multiple_of3A, %ge3A_139 : i32
        %add3A_141 = arith.constant 512 : i32
        %add3A_142 = arith.addi %multiple_of3A, %add3A_141 : i32
        %add3A_143 = arith.constant 10752 : i32
        %add3A_144 = arith.addi %add3A_143, %get3A_4 : i32
        %le3A_145 = arith.cmpi sle, %add3A_142, %add3A_144 : i32
        %and3A_146 = arith.andi %ge3A_140, %le3A_145 : i1
        %or3A_147 = arith.ori %le3A, %and3A_146 : i1
        %convert_element_type3A_148 = arith.extui %or3A_147 : i1 to i32
        %cond3A_149 = arith.constant 0 : i32
        %cond3A_150 = arith.cmpi ne, %convert_element_type3A_148, %cond3A_149 : i32
        %cond3A_151 = scf.if %cond3A_150 -> (vector<512x1xf32>) {
          %reduce_sum3A_162 = arith.constant dense<0.000000e+00> : vector<512xf32>
          %reduce_sum3A_163 = vector.multi_reduction <add>, %sqrt3A, %reduce_sum3A_162 [1] : vector<512x512xf32> to vector<512xf32>
          %broadcast_in_dim3A_164 = vector.shape_cast %reduce_sum3A_163 : vector<512xf32> to vector<512x1xf32>
          scf.yield %broadcast_in_dim3A_164 : vector<512x1xf32>
        } else {
          %convert_element_type3A_162 = arith.extui %or3A_115 : vector<1x512xi1> to vector<1x512xi32>
          %convert_element_type3A_163 = arith.sitofp %convert_element_type3A_162 : vector<1x512xi32> to vector<1x512xf32>
          %mul3A_164 = vector.broadcast %convert_element_type3A_163 : vector<1x512xf32> to vector<512x512xf32>
          %mul3A_165 = arith.mulf %sqrt3A, %mul3A_164 : vector<512x512xf32>
          %reduce_sum3A_166 = arith.constant dense<0.000000e+00> : vector<512xf32>
          %reduce_sum3A_167 = vector.multi_reduction <add>, %mul3A_165, %reduce_sum3A_166 [1] : vector<512x512xf32> to vector<512xf32>
          %broadcast_in_dim3A_168 = vector.shape_cast %reduce_sum3A_167 : vector<512xf32> to vector<512x1xf32>
          scf.yield %broadcast_in_dim3A_168 : vector<512x1xf32>
        }
        %mul3A_152 = arith.mulf %cond3A_151, %convert_element_type3A_41 : vector<512x1xf32>
        %reduce_sum3A = vector.shape_cast %mul3A_152 : vector<512x1xf32> to vector<1x512x1xf32>
        %reduce_sum3A_153 = arith.constant dense<0.000000e+00> : vector<1xf32>
        %reduce_sum3A_154 = vector.multi_reduction <add>, %reduce_sum3A, %reduce_sum3A_153 [1, 2] : vector<1x512x1xf32> to vector<1xf32>
        %reduce_sum3A_155 = vector.shape_cast %reduce_sum3A_154 : vector<1xf32> to vector<1x1x1xf32>
        %reduce_sum3A_156 = vector.extract %reduce_sum3A_155[0, 0, 0] : f32 from vector<1x1x1xf32>
        %eq3A = arith.cmpi eq, %while3A_98, %arg0 : i32
        %jit3A_157 = arith.constant 1.000000e+00 : f32
        %jit3A_158 = arith.constant 2.000000e+00 : f32
        %select_n3A_159 = arith.select %eq3A, %jit3A_157, %jit3A_158 : f32
        %mul3A_160 = arith.mulf %reduce_sum3A_156, %select_n3A_159 : f32
        %add3A_161 = arith.addf %while3A_99, %mul3A_160 : f32
        scf.yield %add3A_161 : f32
      }
      %while3A_89 = arith.constant 1 : i32
      %while3A_90 = scf.for %while3A_98 = %while3A_86 to %while3A_82 step %while3A_89 iter_args(%while3A_99 = %while3A_88) -> (f32)  : i32 {
        %mul3A_100 = arith.constant 512 : i32
        %mul3A_101 = arith.muli %while3A_98, %mul3A_100 : i32
        %multiple_of3A = tpu.assume_multiple %mul3A_101, 512 : i32
        %iota3A_102 = tpu.iota {dimensions = array<i32: 1>} : vector<1x512xi32>
        %add3A_103 = vector.broadcast %multiple_of3A : i32 to vector<1x512xi32>
        %add3A_104 = arith.addi %iota3A_102, %add3A_103 : vector<1x512xi32>
        %lt3A_105 = vector.broadcast %get3A_1 : i32 to vector<1x512xi32>
        %lt3A_106 = arith.cmpi slt, %add3A_104, %lt3A_105 : vector<1x512xi32>
        %ge3A_107 = arith.constant 10752 : i32
        %ge3A_108 = vector.broadcast %ge3A_107 : i32 to vector<1x512xi32>
        %ge3A_109 = arith.cmpi sge, %add3A_104, %ge3A_108 : vector<1x512xi32>
        %add3A_110 = arith.constant 10752 : i32
        %add3A_111 = arith.addi %add3A_110, %get3A_4 : i32
        %lt3A_112 = vector.broadcast %add3A_111 : i32 to vector<1x512xi32>
        %lt3A_113 = arith.cmpi slt, %add3A_104, %lt3A_112 : vector<1x512xi32>
        %and3A_114 = arith.andi %ge3A_109, %lt3A_113 : vector<1x512xi1>
        %or3A_115 = arith.ori %lt3A_106, %and3A_114 : vector<1x512xi1>
        %get3A_116 = arith.constant 0 : index
        %get3A_117 = arith.index_cast %multiple_of3A : i32 to index
        %get3A_118 = vector.load %arg1[%get3A_116, %get3A_117] : memref<1x21504xf32, #tpu.memory_space<vmem>>, vector<1x512xf32>
        %jit3A_119 = arith.constant 0.000000e+00 : f32
        %broadcast_in_dim3A_120 = vector.broadcast %jit3A_119 : f32 to vector<1x512xf32>
        %select_n3A_121 = arith.select %or3A_115, %get3A_118, %broadcast_in_dim3A_120 : vector<1x512xi1>, vector<1x512xf32>
        %get3A_122 = arith.constant 0 : index
        %get3A_123 = arith.index_cast %multiple_of3A : i32 to index
        %get3A_124 = vector.load %arg2[%get3A_122, %get3A_123] : memref<1x21504xf32, #tpu.memory_space<vmem>>, vector<1x512xf32>
        %jit3A_125 = arith.constant 0.000000e+00 : f32
        %broadcast_in_dim3A_126 = vector.broadcast %jit3A_125 : f32 to vector<1x512xf32>
        %select_n3A_127 = arith.select %or3A_115, %get3A_124, %broadcast_in_dim3A_126 : vector<1x512xi1>, vector<1x512xf32>
        %sub3A_128 = vector.broadcast %select_n3A : vector<512x1xf32> to vector<512x512xf32>
        %sub3A_129 = vector.broadcast %select_n3A_121 : vector<1x512xf32> to vector<512x512xf32>
        %sub3A_130 = arith.subf %sub3A_128, %sub3A_129 : vector<512x512xf32>
        %sub3A_131 = vector.broadcast %select_n3A_39 : vector<512x1xf32> to vector<512x512xf32>
        %sub3A_132 = vector.broadcast %select_n3A_127 : vector<1x512xf32> to vector<512x512xf32>
        %sub3A_133 = arith.subf %sub3A_131, %sub3A_132 : vector<512x512xf32>
        %mul3A_134 = arith.mulf %sub3A_130, %sub3A_130 : vector<512x512xf32>
        %mul3A_135 = arith.mulf %sub3A_133, %sub3A_133 : vector<512x512xf32>
        %add3A_136 = arith.addf %mul3A_134, %mul3A_135 : vector<512x512xf32>
        %sqrt3A = math.sqrt %add3A_136 : vector<512x512xf32>
        %add3A_137 = arith.constant 512 : i32
        %add3A_138 = arith.addi %multiple_of3A, %add3A_137 : i32
        %le3A = arith.cmpi sle, %add3A_138, %get3A_1 : i32
        %ge3A_139 = arith.constant 10752 : i32
        %ge3A_140 = arith.cmpi sge, %multiple_of3A, %ge3A_139 : i32
        %add3A_141 = arith.constant 512 : i32
        %add3A_142 = arith.addi %multiple_of3A, %add3A_141 : i32
        %add3A_143 = arith.constant 10752 : i32
        %add3A_144 = arith.addi %add3A_143, %get3A_4 : i32
        %le3A_145 = arith.cmpi sle, %add3A_142, %add3A_144 : i32
        %and3A_146 = arith.andi %ge3A_140, %le3A_145 : i1
        %or3A_147 = arith.ori %le3A, %and3A_146 : i1
        %convert_element_type3A_148 = arith.extui %or3A_147 : i1 to i32
        %cond3A_149 = arith.constant 0 : i32
        %cond3A_150 = arith.cmpi ne, %convert_element_type3A_148, %cond3A_149 : i32
        %cond3A_151 = scf.if %cond3A_150 -> (vector<512x1xf32>) {
          %reduce_sum3A_162 = arith.constant dense<0.000000e+00> : vector<512xf32>
          %reduce_sum3A_163 = vector.multi_reduction <add>, %sqrt3A, %reduce_sum3A_162 [1] : vector<512x512xf32> to vector<512xf32>
          %broadcast_in_dim3A_164 = vector.shape_cast %reduce_sum3A_163 : vector<512xf32> to vector<512x1xf32>
          scf.yield %broadcast_in_dim3A_164 : vector<512x1xf32>
        } else {
          %convert_element_type3A_162 = arith.extui %or3A_115 : vector<1x512xi1> to vector<1x512xi32>
          %convert_element_type3A_163 = arith.sitofp %convert_element_type3A_162 : vector<1x512xi32> to vector<1x512xf32>
          %mul3A_164 = vector.broadcast %convert_element_type3A_163 : vector<1x512xf32> to vector<512x512xf32>
          %mul3A_165 = arith.mulf %sqrt3A, %mul3A_164 : vector<512x512xf32>
          %reduce_sum3A_166 = arith.constant dense<0.000000e+00> : vector<512xf32>
          %reduce_sum3A_167 = vector.multi_reduction <add>, %mul3A_165, %reduce_sum3A_166 [1] : vector<512x512xf32> to vector<512xf32>
          %broadcast_in_dim3A_168 = vector.shape_cast %reduce_sum3A_167 : vector<512xf32> to vector<512x1xf32>
          scf.yield %broadcast_in_dim3A_168 : vector<512x1xf32>
        }
        %mul3A_152 = arith.mulf %cond3A_151, %convert_element_type3A_41 : vector<512x1xf32>
        %reduce_sum3A = vector.shape_cast %mul3A_152 : vector<512x1xf32> to vector<1x512x1xf32>
        %reduce_sum3A_153 = arith.constant dense<0.000000e+00> : vector<1xf32>
        %reduce_sum3A_154 = vector.multi_reduction <add>, %reduce_sum3A, %reduce_sum3A_153 [1, 2] : vector<1x512x1xf32> to vector<1xf32>
        %reduce_sum3A_155 = vector.shape_cast %reduce_sum3A_154 : vector<1xf32> to vector<1x1x1xf32>
        %reduce_sum3A_156 = vector.extract %reduce_sum3A_155[0, 0, 0] : f32 from vector<1x1x1xf32>
        %eq3A = arith.cmpi eq, %while3A_98, %arg0 : i32
        %jit3A_157 = arith.constant 1.000000e+00 : f32
        %jit3A_158 = arith.constant 2.000000e+00 : f32
        %select_n3A_159 = arith.select %eq3A, %jit3A_157, %jit3A_158 : f32
        %mul3A_160 = arith.mulf %reduce_sum3A_156, %select_n3A_159 : f32
        %add3A_161 = arith.addf %while3A_99, %mul3A_160 : f32
        scf.yield %add3A_161 : f32
      }
      %broadcast_in_dim3A_91 = arith.constant 0.000000e+00 : f32
      %broadcast_in_dim3A_92 = vector.broadcast %broadcast_in_dim3A_91 : f32 to vector<1x1x128xf32>
      %add3A_93 = vector.broadcast %while3A_90 : f32 to vector<1x1x128xf32>
      %add3A_94 = arith.addf %broadcast_in_dim3A_92, %add3A_93 : vector<1x1x128xf32>
      %swap3A = arith.constant 0 : index
      %swap3A_95 = arith.constant 0 : index
      %swap3A_96 = arith.constant 0 : index
      %swap3A_97 = vector.load %arg7[%swap3A, %swap3A_95, %swap3A_96] : memref<1x1x128xf32, #tpu.memory_space<vmem>>, vector<1x1x128xf32>
      tpu.vector_store %arg7[%swap3A, %swap3A_95, %swap3A_96], %add3A_94 {strides = array<i32>} : memref<1x1x128xf32, #tpu.memory_space<vmem>>, vector<1x1x128xf32>,
    } else {
    }
    %not3A = arith.constant true
    %not3A_12 = arith.xori %or3A, %not3A : i1
    %convert_element_type3A_13 = arith.extui %not3A_12 : i1 to i32
    %cond3A_14 = arith.constant 0 : i32
    %cond3A_15 = arith.cmpi ne, %convert_element_type3A_13, %cond3A_14 : i32
    scf.if %cond3A_15 {
      %broadcast_in_dim3A = arith.constant 0.000000e+00 : f32
      %broadcast_in_dim3A_16 = vector.broadcast %broadcast_in_dim3A : f32 to vector<1x1x128xf32>
      %swap3A = arith.constant 0 : index
      %swap3A_17 = arith.constant 0 : index
      %swap3A_18 = arith.constant 0 : index
      %swap3A_19 = vector.load %arg7[%swap3A, %swap3A_17, %swap3A_18] : memref<1x1x128xf32, #tpu.memory_space<vmem>>, vector<1x1x128xf32>
      tpu.vector_store %arg7[%swap3A, %swap3A_17, %swap3A_18], %broadcast_in_dim3A_16 {strides = array<i32>} : memref<1x1x128xf32, #tpu.memory_space<vmem>>, vector<1x1x128xf32>,
    } else {
    }
    return
  }
  func.func @transform_0(%arg0: i32) -> (i32, i32) {
    %c0_i32 = arith.constant 0 : i32
    %c0_i32_0 = arith.constant 0 : i32
    %c0_i32_1 = arith.constant 0 : i32
    return %c0_i32, %c0_i32_0 : i32, i32
  }
  func.func @transform_1(%arg0: i32) -> (i32, i32) {
    %c0_i32 = arith.constant 0 : i32
    %c0_i32_0 = arith.constant 0 : i32
    %c0_i32_1 = arith.constant 0 : i32
    return %c0_i32, %c0_i32_0 : i32, i32
  }
  func.func @transform_2(%arg0: i32) -> (i32, i32) {
    %c0_i32 = arith.constant 0 : i32
    %c0_i32_0 = arith.constant 0 : i32
    return %arg0, %c0_i32 : i32, i32
  }
  func.func @transform_3(%arg0: i32) -> (i32, i32) {
    %c0_i32 = arith.constant 0 : i32
    %c0_i32_0 = arith.constant 0 : i32
    return %arg0, %c0_i32 : i32, i32
  }
  func.func @transform_4(%arg0: i32) -> (i32, i32) {
    %c0_i32 = arith.constant 0 : i32
    %c0_i32_0 = arith.constant 0 : i32
    %c0_i32_1 = arith.constant 0 : i32
    return %c0_i32, %c0_i32_0 : i32, i32
  }
  func.func @transform_5(%arg0: i32) -> (i32, i32) {
    %c0_i32 = arith.constant 0 : i32
    %c0_i32_0 = arith.constant 0 : i32
    %c0_i32_1 = arith.constant 0 : i32
    return %c0_i32, %c0_i32_0 : i32, i32
  }
  func.func @transform_6(%arg0: i32) -> (i32, i32, i32) {
    %c0_i32 = arith.constant 0 : i32
    %c0_i32_0 = arith.constant 0 : i32
    %c0_i32_1 = arith.constant 0 : i32
    return %arg0, %c0_i32, %c0_i32_0 : i32, i32, i32
  }
}

module attributes {stable_mosaic.version = 14 : i64} {
  func.func @_k4_body(%arg0: memref<42x1x128xf32, #tpu.memory_space<vmem>>, %arg1: memref<1x1xi32, #tpu.memory_space<smem>>, %arg2: memref<1x1xf32, #tpu.memory_space<smem>>, %arg3: memref<1x1xf32, #tpu.memory_space<smem>>, %arg4: memref<1x1xf32, #tpu.memory_space<smem>>) attributes {dimension_semantics = [], scalar_prefetch = 0 : i64, scratch_operands = 0 : i64, tpu.core_type = #tpu.core_type<tc>} {
    %get3A = arith.constant 0 : index
    %get3A_0 = arith.constant 0 : index
    %get3A_1 = arith.constant 0 : index
    %get3A_2 = vector.load %arg0[%get3A, %get3A_0, %get3A_1] : memref<42x1x128xf32, #tpu.memory_space<vmem>>, vector<42x1x1xf32>
    %reduce_sum3A = vector.shape_cast %get3A_2 : vector<42x1x1xf32> to vector<1x42x1x1xf32>
    %reduce_sum3A_3 = arith.constant dense<0.000000e+00> : vector<1xf32>
    %reduce_sum3A_4 = vector.multi_reduction <add>, %reduce_sum3A, %reduce_sum3A_3 [1, 2, 3] : vector<1x42x1x1xf32> to vector<1xf32>
    %reduce_sum3A_5 = vector.shape_cast %reduce_sum3A_4 : vector<1xf32> to vector<1x1x1x1xf32>
    %reduce_sum3A_6 = vector.extract %reduce_sum3A_5[0, 0, 0, 0] : f32 from vector<1x1x1x1xf32>
    %get3A_7 = arith.constant 0 : index
    %get3A_8 = arith.constant 0 : index
    %get3A_9 = memref.load %arg1[%get3A_7, %get3A_8] : memref<1x1xi32, #tpu.memory_space<smem>>
    %sub3A = arith.constant 1 : i32
    %sub3A_10 = arith.subi %get3A_9, %sub3A : i32
    %mul3A = arith.muli %get3A_9, %sub3A_10 : i32
    %convert_element_type3A = arith.sitofp %mul3A : i32 to f32
    %ne3A = arith.constant 1 : i32
    %ne3A_11 = arith.cmpi ne, %get3A_9, %ne3A : i32
    %div3A = arith.divf %reduce_sum3A_6, %convert_element_type3A : f32
    %select_n3A = arith.select %ne3A_11, %div3A, %reduce_sum3A_6 : f32
    %get3A_12 = arith.constant 0 : index
    %get3A_13 = arith.constant 0 : index
    %get3A_14 = memref.load %arg2[%get3A_12, %get3A_13] : memref<1x1xf32, #tpu.memory_space<smem>>
    %div3A_15 = arith.divf %select_n3A, %get3A_14 : f32
    %get3A_16 = arith.constant 0 : index
    %get3A_17 = arith.constant 0 : index
    %get3A_18 = memref.load %arg3[%get3A_16, %get3A_17] : memref<1x1xf32, #tpu.memory_space<smem>>
    %div3A_19 = arith.divf %div3A_15, %get3A_18 : f32
    %neg3A = arith.constant 0.000000e+00 : f32
    %neg3A_20 = arith.subf %neg3A, %div3A_19 : f32
    %exp3A = math.exp %neg3A_20 : f32
    %add3A = arith.constant 1.000000e+00 : f32
    %add3A_21 = arith.addf %add3A, %exp3A : f32
    %div3A_22 = arith.constant 2.000000e+00 : f32
    %div3A_23 = arith.divf %div3A_22, %add3A_21 : f32
    %sub3A_24 = arith.constant 1.000000e+00 : f32
    %sub3A_25 = arith.subf %div3A_23, %sub3A_24 : f32
    %swap3A = arith.constant 0 : index
    %swap3A_26 = arith.constant 0 : index
    %swap3A_27 = memref.load %arg4[%swap3A, %swap3A_26] : memref<1x1xf32, #tpu.memory_space<smem>>
    memref.store %sub3A_25, %arg4[%swap3A, %swap3A_26] : memref<1x1xf32, #tpu.memory_space<smem>>
    return
  }
}

</mosaic_0001>

<sc_bundles>
// kernel: kernel.6.cloned.1.call-start
scs
__scs_entry_jumppad:
0x0: {  	(pc) =	sbr.rel $0x88, $3  }
0x1: {  	(tag) =	ssettag $0x0;
	lr =	simm.s32 $0x1  }
0x2: {  	[smem:$0x3F9D] =	sst lr;
	_ =	strace $0xD0000000  }
0x3: {  	_ = 	snop  }
0x4: {  	_ = 	snop  }
0x5: {  	_ = 	snop  }
0x6: {  	_ = 	snop  }
0x7: {  	_ = 	snop  }
__scs_overlays_trampoline_lowered:
0x8: {  	[smem:$0x3FAC] =	sst s0  }
0x9: {  	[smem:$0x3FAD] =	sst s1  }
0xa: {  	[smem:$0x3FAE] =	sst s2  }
0xb: {  	[smem:$0x3FAF] =	sst s3  }
0xc: {  	[smem:$0x3FB0] =	sst s4  }
0xd: {  	[smem:$0x3FB1] =	sst s5  }
0xe: {  	[smem:$0x3FB2] =	sst s6  }
0xf: {  	[smem:$0x3FB3] =	sst s7  }
0x10: {  	[smem:$0x3FB4] =	sst s8  }
0x11: {  	[smem:$0x3FB5] =	sst s9;
	s0 =	simm.s32 @!p0 $0x0  }
0x12: {  	s1 =	sld [smem:$0x3F9B];
	s0 =	simm.s32 @p0 $0x1  }
0x13: {  	[smem:$0x3FB6] =	sst s0;
	s0 =	simm.s32 @!p1 $0x0  }
0x14: {  	s2 =	sld [smem:$0x3F9A];
	s0 =	simm.s32 @p1 $0x1  }
0x15: {  	[smem:$0x3FB7] =	sst s0;
	s0 =	simm.s32 @!p2 $0x0  }
0x16: {  	s3 =	sld [smem:$0x3FDB];
	s0 =	simm.s32 @p2 $0x1  }
0x17: {  	s4 =	simm.s32 $0x1BF5;
	[smem:$0x3FB9] =	sst s0  }
0x18: {  	s0 =	sld [smem:$0x3F9C];
	_ =	swait.ge [sflag:s4], $0x0  }
0x19: {  	s7 =	sld [smem:$0x3F9D]  }
0x1a: {  	s8 =	sadd.s32 $0xFFFFE003, lr  }
0x1b: {  	s9 =	sadd.s32 $0xFFFFFEF7, lr;
	s5 =	simm.s32 $0xFFFFFFFF;
	p2 =	slt.u32 s8, $0xFFFFF086  }
0x1c: {  	p1 =	slt.u32 s9, $0xF7A;
	s5 =	simm.s32 @!p2 $0x0  }
0x1d: {  	s5 =	simm.s32 @p1 $0x1;
	p0 =	seq.s32 s7, s2  }
0x1e: {  	s7 =	smul.u32 @!p0 $0xF7A, s2;
	p2 =	seq.s32 @!p0 s5, $0x0  }
0x1f: {  	s9 =	smul.u32 $0xF7A, s1;
	s8 =	simm.s32 @!p0 $0x1BF5;
	p2 =	por !p2, p0  }
0x20: {  	[sflag:s8] =	ssyncset.s32 @!p0 $0xFFFFF086;
	s6 =	sadd.s32 @!p0 s3, s7;
	s7 =	simm.s32 @!p0 $0x108  }
0x21: {  	s3 =	sadd.s32 s3, s9;
	s6 =	sadd.s32 @!p0 $0x88, s6;
	s7 =	simm.s32 @p2 $0x1082  }
0x22: {  	[simem:s7], [sflag:s8] =	dma.local @!p0 [hbm:s6], $0xF7A  }
0x23: {  	s9 =	sor.u32 $0xD0000000, s2;
	s6 =	simm.s32 $0x108;
	_ =	swait.ge @!p0 [sflag:s8], $0x0  }
0x24: {  	s3 =	sadd.s32 $0x88, s3;
	s6 =	simm.s32 @!p1 $0x1082;
	[sflag:s4] =	ssyncset.s32 $0xFFFFF086  }
0x25: {  	[simem:s6], [sflag:s4] =	dma.local [hbm:s3], $0xF7A  }
0x26: {  	[smem:$0x3F9D] =	sst s1;
	(tag) =	ssettag s2;
	_ =	strace s9  }
0x27: {  	s1 =	sld [smem:$0x3FAD]  }
0x28: {  	s2 =	sld [smem:$0x3FAE]  }
0x29: {  	s4 =	sld [smem:$0x3FB0]  }
0x2a: {  	p0 =	seq.s32 s5, $0x0;
	s5 =	sld [smem:$0x3FB1]  }
0x2b: {  	s6 =	sld [smem:$0x3FB2]  }
0x2c: {  	s7 =	sld [smem:$0x3FB3]  }
0x2d: {  	s3 =	simm.s32 $0x108;
	s8 =	sld [smem:$0x3FB4]  }
0x2e: {  	s3 =	simm.s32 @!p0 $0x1082;
	s9 =	sld [smem:$0x3FB5]  }
0x2f: {  	lr =	sadd.s32 s0, s3;
	s0 =	sld [smem:$0x3FAC]  }
0x30: {  	s3 =	sld [smem:$0x3FAF]  }
0x31: {  	[smem:$0x3FB8] =	sst s10  }
0x32: {  	s10 =	sld [smem:$0x3FB6];
	_ =	sdelay $0x3  }
0x33: {  	p0 =	seq.s32 s10, $0x1;
	s10 =	sld [smem:$0x3FB8];
	_ =	sdelay $0x3  }
0x34: {  	[smem:$0x3FB8] =	sst s10  }
0x35: {  	s10 =	sld [smem:$0x3FB7];
	_ =	sdelay $0x3  }
0x36: {  	p1 =	seq.s32 s10, $0x1;
	s10 =	sld [smem:$0x3FB8];
	_ =	sdelay $0x3  }
0x37: {  	[smem:$0x3FB8] =	sst s10  }
0x38: {  	s10 =	sld [smem:$0x3FB9]  }
0x39: {  	_ = 	snop;
	(pc) =	sbr.ind lr, $3  }
0x3a: {  	_ = 	snop  }
0x3b: {  	_ = 	snop  }
0x3c: {  	p2 =	seq.s32 s10, $0x1;
	s10 =	sld [smem:$0x3FB8]  }
0x3d: {  	_ =	shalt  }
0x3e: {  	_ =	shalt  }
0x3f: {  	_ =	shalt  }
0x40: {  	_ =	shalt  }
0x41: {  	_ =	shalt  }
0x42: {  	_ =	shalt  }
0x43: {  	_ =	shalt  }
0x44: {  	_ =	shalt  }
0x45: {  	_ =	shalt  }
0x46: {  	_ =	shalt  }
0x47: {  	_ =	shalt  }
0x48: {  	_ =	shalt  }
0x49: {  	_ =	shalt  }
0x4a: {  	_ =	shalt  }
0x4b: {  	_ =	shalt  }
0x4c: {  	_ =	shalt  }
0x4d: {  	_ =	shalt  }
0x4e: {  	_ =	shalt  }
0x4f: {  	_ =	shalt  }
0x50: {  	_ =	shalt  }
0x51: {  	_ =	shalt  }
0x52: {  	_ =	shalt  }
0x53: {  	_ =	shalt  }
0x54: {  	_ =	shalt  }
0x55: {  	_ =	shalt  }
0x56: {  	_ =	shalt  }
0x57: {  	_ =	shalt  }
0x58: {  	_ =	shalt  }
0x59: {  	_ =	shalt  }
0x5a: {  	_ =	shalt  }
0x5b: {  	_ =	shalt  }
0x5c: {  	_ =	shalt  }
0x5d: {  	_ =	shalt  }
0x5e: {  	_ =	shalt  }
0x5f: {  	_ =	shalt  }
0x60: {  	_ =	shalt  }
0x61: {  	_ =	shalt  }
0x62: {  	_ =	shalt  }
0x63: {  	_ =	shalt  }
0x64: {  	_ =	shalt  }
0x65: {  	_ =	shalt  }
0x66: {  	_ =	shalt  }
0x67: {  	_ =	shalt  }
0x68: {  	_ =	shalt  }
0x69: {  	_ =	shalt  }
0x6a: {  	_ =	shalt  }
0x6b: {  	_ =	shalt  }
0x6c: {  	_ =	shalt  }
0x6d: {  	_ =	shalt  }
0x6e: {  	_ =	shalt  }
0x6f: {  	_ =	shalt  }
0x70: {  	_ =	shalt  }
0x71: {  	_ =	shalt  }
0x72: {  	_ =	shalt  }
0x73: {  	_ =	shalt  }
0x74: {  	_ =	shalt  }
0x75: {  	_ =	shalt  }
0x76: {  	_ =	shalt  }
0x77: {  	_ =	shalt  }
0x78: {  	_ =	shalt  }
0x79: {  	_ =	shalt  }
0x7a: {  	_ =	shalt  }
0x7b: {  	_ =	shalt  }
0x7c: {  	_ =	shalt  }
0x7d: {  	_ =	shalt  }
0x7e: {  	_ =	shalt  }
0x7f: {  	_ =	shalt  }
0x80: {  	_ =	shalt  }
0x81: {  	_ =	shalt  }
0x82: {  	_ =	shalt  }
0x83: {  	_ =	shalt  }
0x84: {  	_ =	shalt  }
0x85: {  	_ =	shalt  }
0x86: {  	_ =	shalt  }
0x87: {  	_ =	shalt  }
.Lfunc_end0:
.L_simem_size_0:
called_computation_lowered:
.L_overlay_start_0:
0x88: {  	s2 =	sld [smem:$0x3FD9]  }
0x89: {  	s3 =	sld [smem:$0x3FFE];
	_ =	sdelay $0x1  }
0x8a: {  	s1 =	srdreg.scid  }
0x8b: {  	s0 =	sand.u32 $0x1, s1  }
0x8c: {  	s16 =	sshll.u32 s0, $0xA;
	s2 =	sadd.s32 s3, s2  }
0x8d: {  	s2 =	sadd.s32 s2, s16  }
0x8e: {  	[smem:$0x3FC4] =	sst s2  }
0x8f: {  	_ = 	snop  }
0x90: {  	(tm) =	ssettm $0x1  }
0x91: {  	s17 =	sld [smem:$0x3FFB];
	_ =	sdelay $0x3  }
0x92: {  	_ =	strace s17  }
0x93: {  	s2 =	sld [smem:$0x3FFC];
	_ =	sdelay $0x3  }
0x94: {  	_ =	strace s2  }
0x95: {  	s2 =	sld [smem:$0x3FFD];
	_ =	sdelay $0x3  }
0x96: {  	_ =	strace s2  }
0x97: {  	_ =	strace $0x8FFFFFFF  }
0x98: {  	s18 =	sld [smem:$0x3FDB];
	_ =	sdelay $0x1  }
0x99: {  	s19 =	simm.s32 $_scs_section_size  }
0x9a: {  	s4 =	simm.s32 $_size__tile_overlayer_lowered;
	s5 =	simm.s32 $_tile_overlayer_lowered  }
0x9b: {  	s22 =	simm.s32 $0x1BFF;
	s21 =	sshll.u32 s5, $0x1;
	s2 =	sadd.s32 s19, s18  }
0x9c: {  	s6 =	simm.s32 $0x0;
	s20 =	sshll.u32 s4, $0x1;
	s4 =	sadd.s32 s21, s2  }
0x9d: {  	[timem:s6], [sflag:s22] =	dma.local [hbm:s4], s20  }
0x9e: {  	_ =	swait.ge [sflag:s22], s20  }
0x9f: {  	s3 =	ssub.s32 $0x0, s20;
	[sflag:s22] =	ssyncset.done $0x0  }
0xa0: {  	[sflag:s22] =	ssyncadd.s32 s3;
	_ =	sdelay $0x1  }
0xa1: {  	s23 =	simm.s32 $0x1B8B  }
0xa2: {  	_ =	swait.ge [sflag:s23], $0x1  }
0xa3: {  	[sflag:s23] =	ssyncset.done $0x0  }
0xa4: {  	s25 =	simm.s32 $0x1B8E;
	s24 =	sld [smem:$0x3FFE];
	[sflag:s23] =	ssyncadd.s32 $0xFFFFFFFF  }
0xa5: {  	s26 =	simm.s32 $execute0_lowered;
	[smem:$0x3FD2] =	sst s25  }
0xa6: {  	s4 =	sshll.u32 s26, $0x1;
	_ =	strace $0x80000046;
	[dreg:$0x1] =	wrdreg $0xFFFFFFFF  }
0xa7: {  	s28 =	simm.s32 $_size_execute0_lowered;
	s2 =	sadd.s32 s2, s4;
	[dreg:$0x0] =	wrdreg $0x0  }
0xa8: {  	s4 =	sshll.u32 s28, $0x1;
	[dreg:$0x2] =	wrdreg s2  }
0xa9: {  	[dreg:$0x3] =	wrdreg s4  }
0xaa: {  	[dreg:$0x4] =	wrdreg $0xC0  }
0xab: {  	_ =	task [dreg:s6], $0x5FFFF  }
0xac: {  	[dreg:$0x1] =	wrdreg $0xFFFFFFFF  }
0xad: {  	[dreg:$0x0] =	wrdreg $0x60  }
0xae: {  	[dreg:$0x2] =	wrdreg s24  }
0xaf: {  	[dreg:$0x3] =	wrdreg $0x16800  }
0xb0: {  	[dreg:$0x4] =	wrdreg $0x19200  }
0xb1: {  	[dreg:$0x5] =	wrdreg $0x9  }
0xb2: {  	_ =	task.clear_ibuf [dreg:s6], $0x6FFFF;
	_ =	strace $0x90000046  }
0xb3: {  	s29 =	simm.s32 $0x9;
	_ =	strace $0x80000048  }
0xb4: {  	_ =	swait.ge [sflag:s29], $0x1  }
0xb5: {  	[sflag:s29] =	ssyncadd.s32 $0xFFFFFFFF  }
0xb6: {  	_ =	strace $0x90000048  }
0xb7: {  	_ =	sfence  }
0xb8: {  	s30 =	sld [smem:$0x0];
	_ =	sdelay $0x2  }
0xb9: {  	s31 =	sshll.u32 s1, $0xD;
	s1 =	sshrl.u32 s1, $0x2  }
0xba: {  	s3 =	sand.u32 $0x4000, s31;
	s1 =	sadd.s32 s1, s30  }
0xbb: {  	s0 =	sor.u32 s3, s0;
	s1 =	sshll.u32 s1, $0x11  }
0xbc: {  	s0 =	sor.u32 s1, s0  }
0xbd: {  	s0 =	sadd.s32 $0x8F2B, s0  }
0xbe: {  	[sflag:s0] =	ssyncadd.remote.s32 $0x1  }
0xbf: {  	_ =	sfence.sel $0xFFFF  }
0xc0: {  	[dreg:$0x0] =	wrdreg $0xFFFFFFFF;
	(pc) =	sbr.abs _section_cstart, $3  }
0xc1: {  	[dreg:$0x1] =	wrdreg $0xFFFFFFFF  }
0xc2: {  	_ =	task.clear_ibuf [dreg:s6], $0x2FFFF;
	_ =	strace $0x9FFFFFFF  }
0xc3: {  	(tm) =	ssettm $0x7FFFFFFF  }
tec
execute0_lowered:
.L_overlay_start_1:
0x0: {  	(tag) =	ssettag $0x1  }
0x1: {  	s4 =	rddreg [dreg:$0x0]  }
0x2: {  	s0 =	srdreg.scid;
	s1 =	rddreg [dreg:$0x1]  }
0x3: {  	s6 =	stileid.u32;
	s2 =	rddreg [dreg:$0x2];
	s3 =	simm.s32 $0x0  }
0x4: {  	s30 =	simm.s32 $0x280;
	s31 =	simm.s32 $0x500;
	s11 =	simm.s32 $0x1280  }
0x5: {  	s12 =	simm.s32 $0xC80;
	s13 =	simm.s32 $0xF00;
	s14 =	simm.s32 $0x1300  }
0x6: {  	s15 =	simm.s32 $0xD00;
	s16 =	simm.s32 $0xF80;
	s17 =	simm.s32 $0x1380  }
0x7: {  	s18 =	simm.s32 $0xD80;
	s19 =	simm.s32 $0x1000;
	s20 =	simm.s32 $0x1400  }
0x8: {  	s21 =	simm.s32 $0xE00;
	s5 =	sand.u32 $0x1, s0;
	[smem:$0x7FF] =	sst s3  }
0x9: {  	s9 =	sadd.s32 $0x4800, s4;
	s29 =	sshll.u32 s6, $0x4;
	p0 =	sne.s32 s6, $0x0  }
0xa: {  	s0 =	sshll.u32 s5, $0x4;
	s10 =	smul.u32 $0x540, s5;
	s5 =	ssub.s32 $0x2, s5  }
0xb: {  	s7 =	sor.u32 s6, s0;
	s0 =	rddreg [dreg:$0x3];
	_ =	strace $0x80000047  }
0xc: {  	[dreg:$0x4] =	wrdreg s9;
	s8 =	smul.u32 $0x50, s7;
	s7 =	sshll.u32 s7, $0x1  }
0xd: {  	s26 =	sshrl.u32 s5, $0x1;
	[dreg:$0xd] =	wrdreg s30;
	s7 =	sadd.s32 s7, s4  }
0xe: {  	[dreg:$0xe] =	wrdreg s31;
	s8 =	sadd.s32 s8, s4;
	s7 =	sadd.s32 $0x4A00, s7  }
0xf: {  	s6 =	simm.s32 $0x780;
	s22 =	sadd.s32 $0x1000, s8;
	[dreg:$0xa] =	wrdreg s7  }
0x10: {  	s9 =	simm.s32 $0x1200;
	s23 =	sadd.s32 $0x3800, s8;
	[dreg:$0x5] =	wrdreg s22  }
0x11: {  	s5 =	ssub.s32 s5, s26;
	s24 =	sadd.s32 $0x2400, s8;
	[dreg:$0x6] =	wrdreg s23  }
0x12: {  	s26 =	simm.s32 $0x1;
	s25 =	sadd.s32 $0x2E00, s8;
	[dreg:$0x7] =	wrdreg s24  }
0x13: {  	s4 =	sadd.s32 s10, s4;
	s8 =	sadd.s32 $0x1A00, s8;
	[dreg:$0x8] =	wrdreg s25  }
0x14: {  	s10 =	simm.s32 $0x80;
	s28 =	sadd.s32 $0x5800, s4;
	[dreg:$0x9] =	wrdreg s8  }
0x15: {  	s4 =	sadd.s32 $0x4C00, s4;
	s7 =	simm.s32 $0xA00;
	[dreg:$0xb] =	wrdreg s28  }
0x16: {  	s24 =	sor.u32 $0x2800, s29;
	[dreg:$0xc] =	wrdreg s4;
	s4 =	smax.u32 s5, $0x1  }
0x17: {  	v0 =	vlaneseq.u32;
	s5 =	simm.s32 $0x2;
	s8 =	simm.s32 $0x1180;
	s22 =	simm.s32 $0x1080  }
0x18: {  	s23 =	simm.s32 $0x1480;
	s25 =	simm.s32 $0x1100;
	v0 =	vor.u32 s24, v0;
	s24 =	simm.s32 $0xE80  }
.LBB2_1:
0x19: {  	s28 =	rddreg [dreg:$0x5]  }
0x1a: {  	[tilespmem:s3], [sflag:$0x2] =	stream.linear.gather [hbm4b:s28+s3], $0x280, $0x38;
	[tilespmem:$0x1BC0] =	vst v63  }
0x1b: {  	_ =	swait.ge [sflag:s5], $0x280  }
0x1c: {  	s30 =	rddreg [dreg:$0x6];
	[sflag:s5] =	ssyncset.done $0x0  }
0x1d: {  	s29 =	rddreg [dreg:$0xd];
	[sflag:s5] =	ssyncadd.s32 $0xFFFFFD80  }
0x1e: {  	[tilespmem:s29], [sflag:$0x2] =	stream.linear.gather [hbm4b:s30+s3], $0x280, $0x38;
	[tilespmem:$0x1BC0] =	vst v63  }
0x1f: {  	_ =	swait.ge [sflag:s5], $0x280  }
0x20: {  	s31 =	rddreg [dreg:$0x7];
	[sflag:s5] =	ssyncset.done $0x0  }
0x21: {  	s30 =	rddreg [dreg:$0xe];
	[sflag:s5] =	ssyncadd.s32 $0xFFFFFD80  }
0x22: {  	[tilespmem:s30], [sflag:$0x2] =	stream.linear.gather [hbm4b:s31+s3], $0x280, $0x38;
	[tilespmem:$0x1BC0] =	vst v63  }
0x23: {  	_ =	swait.ge [sflag:s5], $0x280  }
0x24: {  	[sflag:s5] =	ssyncset.done $0x0  }
0x25: {  	s31 =	rddreg [dreg:$0x8];
	[sflag:s5] =	ssyncadd.s32 $0xFFFFFD80  }
0x26: {  	[tilespmem:s6], [sflag:$0x2] =	stream.linear.gather [hbm4b:s31+s3], $0x280, $0x38;
	[tilespmem:$0x1BC0] =	vst v63  }
0x27: {  	_ =	swait.ge [sflag:s5], $0x280  }
0x28: {  	[sflag:s5] =	ssyncset.done $0x0  }
0x29: {  	s29 =	rddreg [dreg:$0x9];
	[sflag:s5] =	ssyncadd.s32 $0xFFFFFD80  }
0x2a: {  	[tilespmem:s7], [sflag:$0x2] =	stream.linear.gather [hbm4b:s29+s3], $0x280, $0x38;
	[tilespmem:$0x1BC0] =	vst v63  }
0x2b: {  	_ =	swait.ge [sflag:s5], $0x280  }
0x2c: {  	[sflag:s5] =	ssyncset.done $0x0  }
0x2d: {  	s30 =	rddreg [dreg:$0x4];
	[sflag:s5] =	ssyncadd.s32 $0xFFFFFD80  }
0x2e: {  	[tilespmem:s8], [sflag:$0x2] =	stream.linear.gather [hbm4b:s30+s3], $0x80, $0x38;
	[tilespmem:$0x1BC0] =	vst v63  }
0x2f: {  	_ =	swait.ge [sflag:s5], $0x80  }
0x30: {  	[sflag:s5] =	ssyncset.done $0x0  }
0x31: {  	s31 =	rddreg [dreg:$0xa];
	[sflag:s5] =	ssyncadd.s32 $0xFFFFFF80  }
0x32: {  	[tilespmem:s9], [sflag:$0x2] =	stream.linear.gather [hbm4b:s31+s3], $0x10, $0x38;
	[tilespmem:$0x1BC0] =	vst v63  }
0x33: {  	_ =	swait.ge [sflag:s5], $0x10  }
0x34: {  	[sflag:s5] =	ssyncset.done $0x0  }
0x35: {  	[sflag:s5] =	ssyncadd.s32 $0xFFFFFFF0  }
0x36: {  	v1 =	vld [tilespmem:$0x1180]  }
0x37: {  	v3 =	vld [tilespmem:$0x1200]  }
0x38: {  	v2 =	vld [tilespmem:$0x0]  }
0x39: {  	v4 =	vld [tilespmem:$0x280]  }
0x3a: {  	v5 =	vld [tilespmem:$0x780]  }
0x3b: {  	v6 =	vld [tilespmem:$0x500]  }
0x3c: {  	v7 =	vld [tilespmem:$0xA00]  }
0x3d: {  	v8 =	vld [tilespmem:$0x10]  }
0x3e: {  	v9 =	vld [tilespmem:$0x290]  }
0x3f: {  	v10 =	vld [tilespmem:$0x790]  }
0x40: {  	v11 =	vld [tilespmem:$0x510]  }
0x41: {  	v12 =	vld [tilespmem:$0xA10]  }
0x42: {  	v13 =	vld [tilespmem:$0x20]  }
0x43: {  	v14 =	vld [tilespmem:$0x2A0]  }
0x44: {  	v15 =	vld [tilespmem:$0x7A0]  }
0x45: {  	v16 =	vld [tilespmem:$0x520]  }
0x46: {  	v17 =	vld [tilespmem:$0xA20]  }
0x47: {  	v18 =	vld [tilespmem:$0x30]  }
0x48: {  	v20 =	vld [tilespmem:$0x2B0]  }
0x49: {  	v61 =	vld [tilespmem:$0x7B0]  }
0x4a: {  	v21 =	vld [tilespmem:$0x530]  }
0x4b: {  	v22 =	vld [tilespmem:$0xA30]  }
0x4c: {  	v25 =	vld [tilespmem:$0x40]  }
0x4d: {  	v27 =	vld [tilespmem:$0x7C0]  }
0x4e: {  	v63 =	vld [tilespmem:$0xA40]  }
0x4f: {  	v29 =	vld [tilespmem:$0x50]  }
0x50: {  	v31 =	vld [tilespmem:$0x2D0]  }
0x51: {  	v32 =	vld [tilespmem:$0x7D0]  }
0x52: {  	v33 =	vld [tilespmem:$0x2E0]  }
0x53: {  	v53 =	vld [tilespmem:$0x70]  }
0x54: {  	v34 =	vld [tilespmem:$0x7E0]  }
0x55: {  	v46 =	vld [tilespmem:$0x60];
	v2 =	vsub.s32 v2, v1;
	v8 =	vsub.s32 v8, v1  }
0x56: {  	v35 =	vld [tilespmem:$0xA60];
	v4 =	vadd.f32 v5, v4;
	v18 =	vsub.s32 v18, v1;
	v47 =	vadd.f32 v15, v14  }
0x57: {  	v36 =	vld [tilespmem:$0x2F0];
	v49 =	vadd.f32 v17, v16;
	v50 =	vsub.s32 v25, v1;
	v55 =	vadd.f32 v61, v20  }
0x58: {  	v38 =	vld [tilespmem:$0xA70];
	v56 =	vadd.f32 v22, v21;
	v59 =	vsub.s32 v29, v1;
	v16 =	vsub.s32 v53, v1  }
0x59: {  	v29 =	vld [tilespmem:$0x570];
	v53 =	vadd.f32 v34, v33;
	v19 =	vsub.s32 $0x0, v2;
	v24 =	vsub.s32 $0x0, v8  }
0x5a: {  	v21 =	vld [tilespmem:$0x7F0];
	v48 =	vsub.s32 $0x0, v18;
	v60 =	vsub.s32 $0x0, v59;
	v2 =	vmin.u32 v2, v19  }
0x5b: {  	v25 =	vld [tilespmem:$0x560];
	v8 =	vmin.u32 v8, v24;
	v14 =	vmin.u32 v18, v48;
	v61 =	vmin.u32 v59, v60  }
0x5c: {  	v24 =	vld [tilespmem:$0x2C0];
	vm0 =	vlt.s32 v2, $0x1;
	vm13 =	vlt.s32 v8, $0x1;
	vm5 =	vlt.s32 v61, $0x1  }
0x5d: {  	v33 =	vld [tilespmem:$0x320];
	v2 =	vnsel vm0, $0x1, v2;
	v62 =	vnsel vm13, $0x1, v8;
	v18 =	vnsel vm5, $0x1, v61  }
0x5e: {  	v23 =	vsub.s32 $0x1, v2;
	v28 =	vsub.s32 $0x1, v62;
	v61 =	vadd.f32 v38, v29;
	v38 =	vld [tilespmem:$0x830]  }
0x5f: {  	v21 =	vadd.f32 v21, v36;
	v36 =	vld [tilespmem:$0xC0];
	v26 =	vmul.u32 v3, v23;
	v23 =	vadd.s32 v3, v23  }
0x60: {  	v2 =	vmul.u32 v0, v2;
	v39 =	vmul.u32 v23, v28;
	v43 =	vadd.s32 v23, v28;
	v23 =	vld [tilespmem:$0xA50]  }
0x61: {  	v5 =	vmul.u32 v0, v62;
	v3 =	vsub.s32 v13, v1;
	v62 =	vadd.f32 v27, v24;
	v27 =	vld [tilespmem:$0x90]  }
0x62: {  	v6 =	vadd.f32 v7, v6;
	v40 =	vsub.s32 $0x0, v3;
	v2 =	vadd.s32 v2, v26;
	v26 =	vld [tilespmem:$0x540]  }
0x63: {  	v9 =	vadd.f32 v10, v9;
	v42 =	vadd.f32 v12, v11;
	v30 =	vmin.u32 v3, v40;
	v40 =	vld [tilespmem:$0x800]  }
0x64: {  	v51 =	vsub.s32 $0x0, v50;
	v10 =	vmul.f32 $5.000000000e-01, v4;
	v5 =	vadd.s32 v5, v39;
	v39 =	vld [tilespmem:$0x80]  }
0x65: {  	[tilespmem:$0x1FFD0] =	vst v2;
	vm14 =	vlt.s32 v30, $0x1;
	v2 =	vmul.f32 $5.000000000e-01, v9;
	v9 =	vmul.f32 $5.000000000e-01, v42;
	v42 =	vld [tilespmem:$0xA80]  }
0x66: {  	v15 =	vmin.u32 v50, v51;
	v12 =	vmul.f32 $5.000000000e-01, v56;
	v41 =	vnsel vm14, $0x1, v30;
	v30 =	vld [tilespmem:$0x550]  }
0x67: {  	v51 =	vsub.s32 $0x0, v16;
	vm15 =	vlt.s32 v14, $0x1;
	vm4 =	vlt.s32 v15, $0x1;
	v3 =	vld [tilespmem:$0x1FFD0]  }
0x68: {  	v8 =	vmul.f32 $5.000000000e-01, v6;
	v44 =	vsub.s32 $0x1, v41;
	v4 =	vmul.u32 v0, v41;
	v41 =	vld [tilespmem:$0x580]  }
0x69: {  	v14 =	vnsel vm15, $0x1, v14;
	[tilespmem:$0x1FFE0] =	vst v2;
	v2 =	vmul.f32 $5.000000000e-01, v49;
	v49 =	vadd.f32 v32, v31;
	v31 =	vld [tilespmem:$0x310]  }
0x6a: {  	v6 =	vmul.f32 $5.000000000e-01, v47;
	v15 =	vnsel vm4, $0x1, v15;
	v52 =	vsub.s32 $0x1, v14;
	v32 =	vld [tilespmem:$0x590]  }
0x6b: {  	v14 =	vmul.u32 v0, v14;
	v45 =	vmul.u32 v43, v44;
	v11 =	vadd.s32 v43, v44;
	v44 =	vld [tilespmem:$0xA90]  }
0x6c: {  	v58 =	vsub.s32 $0x1, v15;
	v15 =	vmul.u32 v0, v15;
	v24 =	vmul.f32 $5.000000000e-01, v49;
	v49 =	vld [tilespmem:$0x330]  }
0x6d: {  	v47 =	vmul.u32 v0, v18;
	v25 =	vadd.f32 v35, v25;
	v28 =	vmul.f32 $5.000000000e-01, v53;
	[tilespmem:$0x1FFF0] =	vst v2;
	v2 =	vld [tilespmem:$0x890]  }
0x6e: {  	v43 =	vmin.u32 v16, v51;
	v54 =	vmul.u32 v11, v52;
	v56 =	vsub.s32 v39, v1;
	v39 =	vld [tilespmem:$0x820]  }
0x6f: {  	v57 =	vadd.s32 v11, v52;
	v13 =	vadd.f32 v63, v26;
	v23 =	vadd.f32 v23, v30;
	v30 =	vld [tilespmem:$0x810]  }
0x70: {  	vm7 =	vlt.s32 v43, $0x1;
	v26 =	vmul.f32 $5.000000000e-01, v25;
	v37 =	vmul.u32 v57, v58;
	[tilespmem:$0x1280] =	vst v3;
	v3 =	vld [tilespmem:$0xB10]  }
0x71: {  	v7 =	vadd.s32 v4, v45;
	v63 =	vadd.s32 v57, v58;
	v45 =	vsub.s32 v46, v1;
	[tilespmem:$0xCD0] =	vst v24;
	v24 =	vld [tilespmem:$0x150]  }
0x72: {  	v4 =	vsub.s32 $0x1, v18;
	v48 =	vsub.s32 $0x0, v45;
	v11 =	vadd.s32 v15, v37;
	v37 =	vld [tilespmem:$0x300]  }
0x73: {  	v18 =	vmul.f32 $5.000000000e-01, v62;
	v17 =	vadd.s32 v14, v54;
	v22 =	vmin.u32 v45, v48;
	v45 =	vld [tilespmem:$0xA0]  }
0x74: {  	v14 =	vmul.f32 $5.000000000e-01, v55;
	v46 =	vmul.u32 v63, v4;
	v19 =	vadd.s32 v63, v4;
	v48 =	vld [tilespmem:$0xB0]  }
0x75: {  	v54 =	vnsel vm7, $0x1, v43;
	v58 =	vsub.s32 $0x0, v56;
	v53 =	vadd.f32 v42, v41;
	v41 =	vld [tilespmem:$0x340]  }
0x76: {  	v15 =	vmul.f32 $5.000000000e-01, v13;
	v43 =	vsub.s32 $0x1, v54;
	v59 =	vmin.u32 v56, v58;
	v42 =	vld [tilespmem:$0x5C0]  }
0x77: {  	[tilespmem:$0x12B0] =	vst v17;
	v17 =	vld [tilespmem:$0x630];
	v13 =	vadd.s32 v47, v46;
	vm6 =	vlt.s32 v22, $0x1;
	v20 =	vmul.f32 $5.000000000e-01, v23  }
0x78: {  	v46 =	vld [tilespmem:$0x5A0];
	v23 =	vmul.u32 v0, v54;
	vm8 =	vlt.s32 v59, $0x1;
	v22 =	vnsel vm6, $0x1, v22  }
0x79: {  	v47 =	vld [tilespmem:$0xAA0];
	v60 =	vnsel vm8, $0x1, v59;
	v38 =	vadd.f32 v38, v49;
	v50 =	vsub.s32 $0x1, v22  }
0x7a: {  	v49 =	vld [tilespmem:$0xAE0];
	v22 =	vmul.u32 v0, v22;
	v63 =	vsub.s32 $0x1, v60;
	v52 =	vmul.u32 v19, v50  }
0x7b: {  	[tilespmem:$0xF50] =	vst v20;
	v20 =	vld [tilespmem:$0x3D0];
	v55 =	vadd.s32 v19, v50;
	v19 =	vmul.f32 $5.000000000e-01, v21;
	v21 =	vmul.u32 v0, v60  }
0x7c: {  	v50 =	vsub.s32 v27, v1;
	v57 =	vmul.u32 v55, v43;
	v62 =	vadd.s32 v55, v43;
	v43 =	vld [tilespmem:$0x5B0]  }
0x7d: {  	v27 =	vmul.f32 $5.000000000e-01, v61;
	v30 =	vadd.f32 v30, v31;
	v51 =	vadd.f32 v40, v37;
	v37 =	vld [tilespmem:$0xAB0]  }
0x7e: {  	v31 =	vadd.f32 v39, v33;
	v54 =	vsub.s32 v45, v1;
	v45 =	vld [tilespmem:$0x840];
	v60 =	vsub.s32 v48, v1  }
0x7f: {  	v48 =	vld [tilespmem:$0x350];
	v16 =	vadd.s32 v22, v52;
	v4 =	vmul.u32 v62, v63;
	v52 =	vsub.s32 $0x0, v50  }
0x80: {  	v55 =	vsub.s32 $0x0, v54;
	v29 =	vadd.s32 v62, v63;
	v62 =	vadd.f32 v47, v46;
	v46 =	vld [tilespmem:$0xE0]  }
0x81: {  	v22 =	vadd.s32 v23, v57;
	v35 =	vmin.u32 v50, v52;
	v23 =	vmul.f32 $5.000000000e-01, v51;
	v51 =	vld [tilespmem:$0xAC0]  }
0x82: {  	v40 =	vmin.u32 v54, v55;
	v57 =	vadd.f32 v44, v32;
	v54 =	vsub.s32 $0x0, v60;
	v55 =	vld [tilespmem:$0x850]  }
0x83: {  	v32 =	vmul.f32 $5.000000000e-01, v30;
	v25 =	vadd.s32 v21, v4;
	v61 =	vmin.u32 v60, v54;
	v54 =	vld [tilespmem:$0x5D0]  }
0x84: {  	vm9 =	vlt.s32 v35, $0x1;
	v21 =	vmul.f32 $5.000000000e-01, v53;
	vm10 =	vlt.s32 v40, $0x1;
	[tilespmem:$0x12F0] =	vst v22;
	v22 =	vld [tilespmem:$0x160]  }
0x85: {  	v60 =	vsub.s32 v36, v1;
	v36 =	vmul.f32 $5.000000000e-01, v31;
	v58 =	vnsel vm10, $0x1, v40;
	v40 =	vld [tilespmem:$0xD0]  }
0x86: {  	v33 =	vmul.f32 $5.000000000e-01, v62;
	v35 =	vnsel vm9, $0x1, v35;
	v30 =	vmul.f32 $5.000000000e-01, v57;
	v57 =	vld [tilespmem:$0x860]  }
0x87: {  	vm11 =	vlt.s32 v61, $0x1;
	[tilespmem:$0xD10] =	vst v32;
	v32 =	vld [tilespmem:$0x8F0];
	v56 =	vsub.s32 $0x1, v35;
	v35 =	vmul.u32 v0, v35  }
0x88: {  	v59 =	vsub.s32 $0x1, v58;
	v53 =	vmul.u32 v0, v58;
	v37 =	vadd.f32 v37, v43;
	v43 =	vld [tilespmem:$0xF0]  }
0x89: {  	v63 =	vnsel vm11, $0x1, v61;
	[tilespmem:$0xD20] =	vst v36;
	v36 =	vld [tilespmem:$0x680];
	v50 =	vmul.u32 v29, v56;
	v34 =	vadd.s32 v29, v56  }
0x8a: {  	[tilespmem:$0xFA0] =	vst v33;
	v33 =	vld [tilespmem:$0x410];
	v4 =	vsub.s32 $0x1, v63;
	v39 =	vmul.u32 v0, v63;
	v56 =	vsub.s32 $0x0, v60  }
0x8b: {  	v46 =	vsub.s32 v46, v1;
	[tilespmem:$0xF90] =	vst v30;
	v30 =	vld [tilespmem:$0x450];
	v52 =	vmul.u32 v34, v59;
	v34 =	vadd.s32 v34, v59  }
0x8c: {  	v47 =	vmin.u32 v60, v56;
	v56 =	vld [tilespmem:$0x5E0];
	v42 =	vadd.f32 v51, v42;
	v48 =	vadd.f32 v55, v48  }
0x8d: {  	v60 =	vld [tilespmem:$0x870];
	v35 =	vadd.s32 v35, v50;
	v61 =	vmul.u32 v34, v4;
	vm12 =	vlt.s32 v47, $0x1  }
0x8e: {  	v51 =	vld [tilespmem:$0x100];
	v44 =	vadd.s32 v34, v4;
	v4 =	vadd.f32 v45, v41;
	v29 =	vadd.s32 v53, v52  }
0x8f: {  	v55 =	vld [tilespmem:$0x390];
	v62 =	vnsel vm12, $0x1, v47;
	v40 =	vsub.s32 v40, v1;
	v31 =	vadd.s32 v39, v61  }
0x90: {  	v50 =	vld [tilespmem:$0x360];
	v47 =	vsub.s32 $0x1, v62;
	v63 =	vsub.s32 $0x0, v40;
	v39 =	vmul.u32 v0, v62  }
0x91: {  	v45 =	vld [tilespmem:$0xAF0];
	v41 =	vmul.f32 $5.000000000e-01, v4;
	v4 =	vsub.s32 $0x0, v46;
	v43 =	vsub.s32 v43, v1  }
0x92: {  	v52 =	vld [tilespmem:$0xAD0];
	v58 =	vmul.u32 v44, v47;
	v59 =	vmin.u32 v40, v63;
	v40 =	vmul.f32 $5.000000000e-01, v38  }
0x93: {  	[tilespmem:$0xF00] =	vst v8;
	v53 =	vld [tilespmem:$0x370];
	v38 =	vmul.f32 $5.000000000e-01, v37;
	v44 =	vadd.s32 v44, v47;
	vm13 =	vlt.s32 v59, $0x1  }
0x94: {  	[tilespmem:$0x1310] =	vst v35;
	v35 =	vld [tilespmem:$0x3F0];
	v51 =	vsub.s32 v51, v1;
	v8 =	vadd.f32 v49, v56;
	v34 =	vadd.s32 v39, v58  }
0x95: {  	v61 =	vld [tilespmem:$0x5F0];
	v63 =	vnsel vm13, $0x1, v59;
	v39 =	vmul.f32 $5.000000000e-01, v42;
	v42 =	vmin.u32 v46, v4  }
0x96: {  	v62 =	vld [tilespmem:$0x380];
	v4 =	vsub.s32 $0x0, v43;
	v50 =	vadd.f32 v57, v50;
	v49 =	vsub.s32 $0x0, v51  }
0x97: {  	[tilespmem:$0x1320] =	vst v29;
	v29 =	vld [tilespmem:$0xB70];
	v47 =	vsub.s32 $0x1, v63;
	v59 =	vmul.u32 v0, v63;
	vm14 =	vlt.s32 v42, $0x1  }
0x98: {  	v56 =	vld [tilespmem:$0x3A0];
	v52 =	vadd.f32 v52, v54;
	v43 =	vmin.u32 v43, v4;
	v49 =	vmin.u32 v51, v49  }
0x99: {  	v46 =	vld [tilespmem:$0x600];
	v53 =	vadd.f32 v60, v53;
	v58 =	vmul.u32 v44, v47;
	v42 =	vnsel vm14, $0x1, v42  }
0x9a: {  	v57 =	vld [tilespmem:$0x620];
	v44 =	vadd.s32 v44, v47;
	vm15 =	vlt.s32 v43, $0x1;
	vm4 =	vlt.s32 v49, $0x1  }
0x9b: {  	v63 =	vld [tilespmem:$0x880];
	v4 =	vsub.s32 $0x1, v42;
	v42 =	vmul.u32 v0, v42;
	v43 =	vnsel vm15, $0x1, v43  }
0x9c: {  	[tilespmem:$0xC80] =	vst v10;
	v54 =	vld [tilespmem:$0x110];
	v10 =	vmul.f32 $5.000000000e-01, v52;
	v37 =	vadd.s32 v59, v58;
	v59 =	vmul.u32 v44, v4  }
0x9d: {  	[tilespmem:$0xCA0] =	vst v6;
	v51 =	vld [tilespmem:$0x8A0];
	v60 =	vnsel vm4, $0x1, v49;
	v44 =	vadd.s32 v44, v4;
	v47 =	vsub.s32 $0x1, v43  }
0x9e: {  	[tilespmem:$0xF10] =	vst v9;
	v52 =	vld [tilespmem:$0x120];
	v43 =	vmul.u32 v0, v43;
	v42 =	vadd.s32 v42, v59;
	v59 =	vmul.u32 v44, v47  }
0x9f: {  	[tilespmem:$0x12A0] =	vst v7;
	v9 =	vmul.u32 v0, v60;
	v7 =	vadd.s32 v44, v47;
	v44 =	vsub.s32 $0x1, v60;
	v60 =	vld [tilespmem:$0x1FFF0]  }
0xa0: {  	[tilespmem:$0xCE0] =	vst v28;
	v2 =	vadd.f32 v2, v55;
	v43 =	vadd.s32 v43, v59;
	v59 =	vld [tilespmem:$0x1FFE0]  }
0xa1: {  	[tilespmem:$0x1290] =	vst v5;
	v48 =	vmul.f32 $5.000000000e-01, v48;
	v8 =	vmul.f32 $5.000000000e-01, v8;
	v58 =	vld [tilespmem:$0xB00]  }
0xa2: {  	[tilespmem:$0x12E0] =	vst v16;
	v22 =	vsub.s32 v22, v1;
	v16 =	vmul.f32 $5.000000000e-01, v2;
	v5 =	vmul.f32 $5.000000000e-01, v50;
	v4 =	vld [tilespmem:$0x610]  }
0xa3: {  	[tilespmem:$0xCB0] =	vst v14;
	v50 =	vsub.s32 v54, v1;
	v14 =	vadd.f32 v63, v62;
	v63 =	vsub.s32 v52, v1;
	v52 =	vld [tilespmem:$0xB30]  }
0xa4: {  	v54 =	vsub.s32 $0x0, v50;
	v6 =	vmul.u32 v7, v44;
	[tilespmem:$0xF20] =	vst v60;
	v60 =	vadd.s32 v7, v44;
	v44 =	vld [tilespmem:$0x8B0]  }
0xa5: {  	v32 =	vadd.f32 v32, v35;
	v28 =	vadd.f32 v51, v56;
	[tilespmem:$0xC90] =	vst v59;
	v59 =	vmin.u32 v50, v54;
	v50 =	vld [tilespmem:$0xB20]  }
0xa6: {  	[tilespmem:$0xF30] =	vst v12;
	v12 =	vmul.f32 $5.000000000e-01, v14;
	v62 =	vsub.s32 $0x0, v63;
	v54 =	vld [tilespmem:$0x3B0];
	vm5 =	vlt.s32 v59, $0x1  }
0xa7: {  	v47 =	vld [tilespmem:$0x130];
	v3 =	vadd.f32 v3, v4;
	v7 =	vmul.f32 $5.000000000e-01, v53;
	v49 =	vnsel vm5, $0x1, v59  }
0xa8: {  	v53 =	vadd.f32 v58, v46;
	v58 =	vld [tilespmem:$0x140];
	v59 =	vadd.f32 v45, v61;
	v61 =	vsub.s32 $0x1, v49  }
0xa9: {  	[tilespmem:$0x12C0] =	vst v11;
	v55 =	vld [tilespmem:$0x640];
	v45 =	vadd.s32 v9, v6;
	v9 =	vmul.u32 v0, v49;
	v6 =	vmul.u32 v60, v61  }
0xaa: {  	[tilespmem:$0xF40] =	vst v15;
	v51 =	vld [tilespmem:$0x650];
	v15 =	vmul.f32 $5.000000000e-01, v53;
	v17 =	vadd.f32 v52, v17;
	v11 =	vmul.f32 $5.000000000e-01, v59  }
0xab: {  	[tilespmem:$0xCF0] =	vst v19;
	v56 =	vld [tilespmem:$0x660];
	v50 =	vadd.f32 v50, v57;
	v19 =	vadd.f32 v44, v54;
	v46 =	vadd.s32 v9, v6  }
0xac: {  	v53 =	vld [tilespmem:$0xB50];
	v6 =	vmin.u32 v63, v62;
	v63 =	vsub.s32 v47, v1;
	v62 =	vadd.s32 v60, v61  }
0xad: {  	v49 =	vld [tilespmem:$0x8C0];
	v61 =	vsub.s32 v58, v1;
	vm6 =	vlt.s32 v6, $0x1;
	v59 =	vsub.s32 $0x0, v63  }
0xae: {  	[tilespmem:$0x1300] =	vst v25;
	v44 =	vld [tilespmem:$0x3E0];
	v25 =	vmul.f32 $5.000000000e-01, v19;
	v6 =	vnsel vm6, $0x1, v6;
	v9 =	vmin.u32 v63, v59  }
0xaf: {  	v54 =	vld [tilespmem:$0x8E0];
	v63 =	vsub.s32 $0x1, v6;
	vm7 =	vlt.s32 v9, $0x1;
	v6 =	vmul.u32 v0, v6  }
0xb0: {  	[tilespmem:$0xCC0] =	vst v18;
	v47 =	vld [tilespmem:$0x3C0];
	v60 =	vmul.u32 v62, v63;
	v18 =	vnsel vm7, $0x1, v9;
	v4 =	vadd.s32 v62, v63  }
0xb1: {  	[tilespmem:$0x12D0] =	vst v13;
	v59 =	vld [tilespmem:$0xB40];
	v62 =	vsub.s32 $0x0, v61;
	v63 =	vsub.s32 v24, v1;
	v13 =	vsub.s32 $0x1, v18  }
0xb2: {  	[tilespmem:$0xF60] =	vst v26;
	v57 =	vld [tilespmem:$0xB60];
	v14 =	vmul.u32 v0, v18;
	v2 =	vmin.u32 v61, v62;
	v24 =	vsub.s32 $0x0, v63  }
0xb3: {  	[tilespmem:$0x1330] =	vst v31;
	v31 =	vld [tilespmem:$0x900];
	v18 =	vmul.f32 $5.000000000e-01, v3;
	v9 =	vadd.s32 v6, v60;
	v6 =	vmul.u32 v4, v13  }
0xb4: {  	[tilespmem:$0xFB0] =	vst v38;
	v38 =	vld [tilespmem:$0x910];
	vm8 =	vlt.s32 v2, $0x1;
	v3 =	vmin.u32 v63, v24;
	v4 =	vadd.s32 v4, v13  }
0xb5: {  	[tilespmem:$0xFC0] =	vst v39;
	v39 =	vld [tilespmem:$0x420];
	v63 =	vadd.f32 v49, v47;
	v24 =	vmul.f32 $5.000000000e-01, v17;
	v2 =	vnsel vm8, $0x1, v2  }
0xb6: {  	[tilespmem:$0xF70] =	vst v27;
	v62 =	vld [tilespmem:$0x170];
	vm9 =	vlt.s32 v3, $0x1;
	v47 =	vadd.f32 v59, v55;
	v55 =	vadd.f32 v53, v51  }
0xb7: {  	[tilespmem:$0xFE0] =	vst v8;
	v8 =	vld [tilespmem:$0x6A0];
	v59 =	vadd.f32 v54, v44;
	v54 =	vadd.f32 v57, v56;
	v6 =	vadd.s32 v14, v6  }
0xb8: {  	[tilespmem:$0xD00] =	vst v23;
	v60 =	vld [tilespmem:$0x8D0];
	v26 =	vsub.s32 $0x1, v2;
	v2 =	vmul.u32 v0, v2;
	v3 =	vnsel vm9, $0x1, v3  }
0xb9: {  	[tilespmem:$0xF80] =	vst v21;
	v44 =	vld [tilespmem:$0xB80];
	v27 =	vmul.u32 v4, v26;
	v4 =	vadd.s32 v4, v26;
	v61 =	vsub.s32 $0x1, v3  }
0xba: {  	[tilespmem:$0xD40] =	vst v41;
	v53 =	vld [tilespmem:$0x1A0];
	v3 =	vmul.u32 v0, v3;
	v26 =	vmul.f32 $5.000000000e-01, v28;
	v19 =	vmul.f32 $5.000000000e-01, v47  }
0xbb: {  	[tilespmem:$0x1350] =	vst v37;
	v37 =	vld [tilespmem:$0x690];
	v21 =	vmul.f32 $5.000000000e-01, v55;
	v41 =	vmul.f32 $5.000000000e-01, v54;
	v23 =	vsub.s32 v62, v1  }
0xbc: {  	[tilespmem:$0x1360] =	vst v42;
	v42 =	vld [tilespmem:$0x920];
	v14 =	vadd.s32 v2, v27;
	v2 =	vmul.u32 v4, v61;
	v27 =	vmul.f32 $5.000000000e-01, v50  }
0xbd: {  	v28 =	vld [tilespmem:$0x400];
	v49 =	vadd.f32 v60, v20;
	v20 =	vmul.f32 $5.000000000e-01, v63;
	v60 =	vsub.s32 $0x0, v23  }
0xbe: {  	[tilespmem:$0x1390] =	vst v46;
	v46 =	vld [tilespmem:$0xBD0];
	v4 =	vadd.s32 v4, v61;
	v61 =	vmin.u32 v23, v60;
	v23 =	vmul.f32 $5.000000000e-01, v59  }
0xbf: {  	v56 =	vld [tilespmem:$0xB90];
	v59 =	vsub.s32 v53, v1;
	v47 =	vadd.f32 v44, v36;
	v53 =	vadd.f32 v38, v33  }
0xc0: {  	[tilespmem:$0xD50] =	vst v48;
	v50 =	vld [tilespmem:$0x180];
	v13 =	vadd.s32 v3, v2;
	v2 =	vsub.s32 $0x0, v22;
	vm11 =	vlt.s32 v61, $0x1  }
0xc1: {  	[tilespmem:$0x1340] =	vst v34;
	v3 =	vld [tilespmem:$0x670];
	v17 =	vmul.f32 $5.000000000e-01, v49;
	v2 =	vmin.u32 v22, v2;
	v34 =	vnsel vm11, $0x1, v61  }
0xc2: {  	[tilespmem:$0xD90] =	vst v16;
	v63 =	vld [tilespmem:$0x190];
	v60 =	vadd.f32 v31, v28;
	v61 =	vsub.s32 $0x0, v59;
	vm10 =	vlt.s32 v2, $0x1  }
0xc3: {  	[tilespmem:$0x13A0] =	vst v9;
	v44 =	vld [tilespmem:$0x6D0];
	v9 =	vmul.f32 $5.000000000e-01, v47;
	v16 =	vmul.f32 $5.000000000e-01, v53;
	v2 =	vnsel vm10, $0x1, v2  }
0xc4: {  	[tilespmem:$0xFD0] =	vst v10;
	v36 =	vld [tilespmem:$0x200];
	v51 =	vsub.s32 $0x1, v34;
	v34 =	vmul.u32 v0, v34;
	v52 =	vsub.s32 $0x1, v2  }
0xc5: {  	[tilespmem:$0xDE0] =	vst v23;
	v23 =	vld [tilespmem:$0x6F0];
	v62 =	vsub.s32 v50, v1;
	v2 =	vmul.u32 v0, v2;
	v58 =	vmul.u32 v4, v52  }
0xc6: {  	[tilespmem:$0xD70] =	vst v7;
	v7 =	vmul.f32 $5.000000000e-01, v60;
	v60 =	vld [tilespmem:$0x1D0];
	v4 =	vadd.s32 v4, v52;
	v3 =	vadd.f32 v29, v3  }
0xc7: {  	[tilespmem:$0x1380] =	vst v45;
	v50 =	vld [tilespmem:$0x6B0];
	v29 =	vmul.f32 $5.000000000e-01, v32;
	v52 =	vmul.u32 v4, v51;
	v22 =	vadd.s32 v2, v58  }
0xc8: {  	[tilespmem:$0xDB0] =	vst v25;
	v58 =	vsub.s32 v63, v1;
	v63 =	vmin.u32 v59, v61;
	v59 =	vadd.f32 v42, v39;
	v42 =	vld [tilespmem:$0x950]  }
0xc9: {  	v25 =	vsub.s32 v36, v1;
	v4 =	vadd.s32 v4, v51;
	v2 =	vsub.s32 $0x0, v62;
	[tilespmem:$0xDF0] =	vst v29;
	v29 =	vld [tilespmem:$0xBF0]  }
0xca: {  	[tilespmem:$0xFF0] =	vst v11;
	v3 =	vmul.f32 $5.000000000e-01, v3;
	v2 =	vmin.u32 v62, v2;
	v10 =	vadd.s32 v34, v52;
	v34 =	vld [tilespmem:$0xBA0]  }
0xcb: {  	[tilespmem:$0x1020] =	vst v27;
	v62 =	vld [tilespmem:$0x1B0];
	vm14 =	vlt.s32 v63, $0x1;
	v27 =	vsub.s32 v60, v1;
	vm12 =	vlt.s32 v2, $0x1  }
0xcc: {  	[tilespmem:$0x13D0] =	vst v13;
	v52 =	vld [tilespmem:$0xBB0];
	v11 =	vnsel vm14, $0x1, v63;
	v48 =	vsub.s32 $0x0, v27;
	v13 =	vmul.f32 $5.000000000e-01, v59  }
0xcd: {  	v45 =	vld [tilespmem:$0x1C0];
	[tilespmem:$0x1070] =	vst v3;
	v3 =	vadd.f32 v46, v44;
	v2 =	vnsel vm12, $0x1, v2;
	v49 =	vsub.s32 $0x1, v11  }
0xce: {  	v63 =	vld [tilespmem:$0x1E0];
	v11 =	vmul.u32 v0, v11;
	v55 =	vsub.s32 $0x1, v2;
	v2 =	vmul.u32 v0, v2  }
0xcf: {  	v28 =	vld [tilespmem:$0x430];
	v57 =	vmul.u32 v4, v55;
	v4 =	vadd.s32 v4, v55;
	v55 =	vadd.f32 v56, v37  }
0xd0: {  	[tilespmem:$0x1030] =	vst v24;
	v32 =	vld [tilespmem:$0x930];
	v3 =	vmul.f32 $5.000000000e-01, v3;
	v24 =	vadd.f32 v42, v30;
	v29 =	vadd.f32 v29, v23  }
0xd1: {  	[tilespmem:$0xD60] =	vst v5;
	v31 =	vsub.s32 v62, v1;
	v8 =	vadd.f32 v34, v8;
	v47 =	vadd.f32 v52, v50  }
0xd2: {  	[tilespmem:$0x1010] =	vst v18;
	v5 =	vadd.s32 v2, v57;
	v2 =	vsub.s32 $0x0, v58;
	v56 =	vsub.s32 $0x0, v31  }
0xd3: {  	[tilespmem:$0x1080] =	vst v9;
	v18 =	vmul.f32 $5.000000000e-01, v55;
	v50 =	vsub.s32 v63, v1;
	v9 =	vmul.f32 $5.000000000e-01, v24  }
0xd4: {  	[tilespmem:$0xD80] =	vst v12;
	v54 =	vld [tilespmem:$0x440];
	v2 =	vmin.u32 v58, v2;
	v12 =	vmin.u32 v31, v56;
	v58 =	vsub.s32 v45, v1  }
0xd5: {  	v38 =	vld [tilespmem:$0xBC0];
	v45 =	vadd.f32 v32, v28;
	v53 =	vsub.s32 $0x0, v50;
	v8 =	vmul.f32 $5.000000000e-01, v8  }
0xd6: {  	v60 =	vld [tilespmem:$0x470];
	[tilespmem:$0x1400] =	vst v5;
	v37 =	vmul.f32 $5.000000000e-01, v47;
	v5 =	vmul.f32 $5.000000000e-01, v29;
	vm13 =	vlt.s32 v2, $0x1  }
0xd7: {  	[tilespmem:$0xD30] =	vst v40;
	v57 =	vld [tilespmem:$0x940];
	vm15 =	vlt.s32 v12, $0x1;
	v35 =	vsub.s32 $0x0, v58;
	v55 =	vmin.u32 v50, v53  }
0xd8: {  	[tilespmem:$0x1000] =	vst v15;
	v31 =	vld [tilespmem:$0x6C0];
	v2 =	vnsel vm13, $0x1, v2;
	v12 =	vnsel vm15, $0x1, v12;
	v15 =	vmin.u32 v58, v35  }
0xd9: {  	[tilespmem:$0xDC0] =	vst v20;
	v56 =	vld [tilespmem:$0x1F0];
	vm6 =	vlt.s32 v55, $0x1;
	v20 =	vmul.f32 $5.000000000e-01, v45;
	v40 =	vsub.s32 $0x1, v2  }
0xda: {  	[tilespmem:$0x1370] =	vst v43;
	v42 =	vld [tilespmem:$0x210];
	v2 =	vmul.u32 v0, v2;
	v61 =	vsub.s32 $0x1, v12;
	vm4 =	vlt.s32 v15, $0x1  }
0xdb: {  	[tilespmem:$0x1050] =	vst v21;
	v32 =	vld [tilespmem:$0x4A0];
	v12 =	vmul.u32 v0, v12;
	v21 =	vnsel vm6, $0x1, v55;
	v43 =	vmul.u32 v4, v40  }
0xdc: {  	v58 =	vld [tilespmem:$0xBE0];
	v4 =	vadd.s32 v4, v40;
	v15 =	vnsel vm4, $0x1, v15;
	v52 =	vadd.f32 v57, v54  }
0xdd: {  	v45 =	vld [tilespmem:$0x700];
	v51 =	vmul.u32 v4, v49;
	v4 =	vadd.s32 v4, v49;
	v39 =	vsub.s32 $0x1, v15  }
0xde: {  	[tilespmem:$0xDA0] =	vst v26;
	v35 =	vld [tilespmem:$0x9A0];
	v15 =	vmul.u32 v0, v15;
	v31 =	vadd.f32 v38, v31;
	v26 =	vsub.s32 v56, v1  }
0xdf: {  	[tilespmem:$0x13B0] =	vst v6;
	v54 =	vld [tilespmem:$0x6E0];
	v2 =	vadd.s32 v2, v43;
	v62 =	vmul.u32 v4, v61;
	v4 =	vadd.s32 v4, v61  }
0xe0: {  	[tilespmem:$0x1040] =	vst v19;
	v55 =	vld [tilespmem:$0x990];
	v61 =	vsub.s32 $0x1, v21;
	v21 =	vmul.u32 v0, v21;
	v30 =	vsub.s32 $0x0, v26  }
0xe1: {  	[tilespmem:$0xDD0] =	vst v17;
	v49 =	vld [tilespmem:$0x460];
	v17 =	vmul.f32 $5.000000000e-01, v52;
	v11 =	vadd.s32 v11, v51;
	v43 =	vmul.u32 v4, v39  }
0xe2: {  	[tilespmem:$0x1060] =	vst v41;
	v51 =	vld [tilespmem:$0x960];
	v4 =	vadd.s32 v4, v39;
	v38 =	vmin.u32 v26, v30;
	v40 =	vmul.f32 $5.000000000e-01, v31  }
0xe3: {  	[tilespmem:$0x13C0] =	vst v14;
	v52 =	vld [tilespmem:$0x490];
	v12 =	vadd.s32 v12, v62;
	v14 =	vadd.s32 v15, v43;
	v15 =	vmin.u32 v27, v48  }
0xe4: {  	[tilespmem:$0xE10] =	vst v16;
	v62 =	vld [tilespmem:$0x970];
	vm7 =	vlt.s32 v38, $0x1;
	v46 =	vadd.f32 v58, v54;
	vm5 =	vlt.s32 v15, $0x1  }
0xe5: {  	[tilespmem:$0xE00] =	vst v7;
	v39 =	vld [tilespmem:$0x480];
	v19 =	vnsel vm7, $0x1, v38;
	v54 =	vsub.s32 v42, v1;
	v15 =	vnsel vm5, $0x1, v15  }
0xe6: {  	[tilespmem:$0x1420] =	vst v11;
	v43 =	vld [tilespmem:$0x980];
	v44 =	vsub.s32 $0x1, v19;
	v11 =	vmul.f32 $5.000000000e-01, v46;
	v57 =	vsub.s32 $0x1, v15  }
0xe7: {  	[tilespmem:$0x13E0] =	vst v22;
	v48 =	vld [tilespmem:$0xC00];
	v15 =	vmul.u32 v0, v15;
	v41 =	vadd.f32 v51, v49;
	v49 =	vmul.u32 v0, v19  }
0xe8: {  	[tilespmem:$0x10B0] =	vst v37;
	v37 =	vld [tilespmem:$0x720];
	v51 =	vsub.s32 $0x0, v25;
	v59 =	vmul.u32 v4, v57;
	v4 =	vadd.s32 v4, v57  }
0xe9: {  	[tilespmem:$0x1410] =	vst v2;
	v58 =	vld [tilespmem:$0x710];
	v50 =	vadd.f32 v62, v60;
	v53 =	vmin.u32 v25, v51;
	v57 =	vsub.s32 $0x0, v54  }
0xea: {  	[tilespmem:$0x10C0] =	vst v40;
	v40 =	vld [tilespmem:$0xC20];
	v63 =	vmul.u32 v4, v61;
	v2 =	vmul.f32 $5.000000000e-01, v41;
	v4 =	vadd.s32 v4, v61  }
0xeb: {  	[tilespmem:$0x1090] =	vst v18;
	v46 =	vld [tilespmem:$0x9B0];
	vm8 =	vlt.s32 v53, $0x1;
	v18 =	vmin.u32 v54, v57;
	v36 =	vadd.f32 v43, v39  }
0xec: {  	[tilespmem:$0x13F0] =	vst v10;
	v51 =	vld [tilespmem:$0x730];
	v38 =	vadd.f32 v48, v45;
	v45 =	vadd.f32 v55, v52;
	v10 =	vadd.s32 v15, v59  }
0xed: {  	[tilespmem:$0x10A0] =	vst v8;
	v61 =	vld [tilespmem:$0xC10];
	v47 =	vmul.u32 v4, v44;
	v8 =	vmul.f32 $5.000000000e-01, v50;
	v16 =	vnsel vm8, $0x1, v53  }
0xee: {  	[tilespmem:$0xE20] =	vst v13;
	v52 =	vld [tilespmem:$0xC30];
	v4 =	vadd.s32 v4, v44;
	vm9 =	vlt.s32 v18, $0x1;
	v15 =	vadd.s32 v21, v63  }
0xef: {  	[tilespmem:$0x10D0] =	vst v3;
	v55 =	vld [tilespmem:$0x250];
	v60 =	vsub.s32 $0x1, v16;
	v16 =	vmul.u32 v0, v16;
	v18 =	vnsel vm9, $0x1, v18  }
0xf0: {  	[tilespmem:$0xE50] =	vst v9;
	v59 =	vld [tilespmem:$0x220];
	v41 =	vmul.f32 $5.000000000e-01, v36;
	v3 =	vmul.f32 $5.000000000e-01, v38;
	v56 =	vadd.s32 v49, v47  }
0xf1: {  	[tilespmem:$0x10F0] =	vst v5;
	v44 =	vld [tilespmem:$0x4B0];
	v62 =	vmul.u32 v4, v60;
	v4 =	vadd.s32 v4, v60;
	v30 =	vsub.s32 $0x1, v18  }
0xf2: {  	[tilespmem:$0xE30] =	vst v20;
	v63 =	vld [tilespmem:$0x230];
	v18 =	vmul.u32 v0, v18;
	v60 =	vadd.f32 v35, v32;
	v34 =	vmul.u32 v4, v30  }
0xf3: {  	[tilespmem:$0xE40] =	vst v17;
	v4 =	vadd.s32 v4, v30;
	v33 =	vadd.s32 v16, v62;
	v53 =	vadd.f32 v61, v58  }
0xf4: {  	[tilespmem:$0x1430] =	vst v12;
	v49 =	vld [tilespmem:$0x240];
	v62 =	vadd.f32 v40, v37;
	v9 =	vmul.f32 $5.000000000e-01, v60;
	v12 =	vsub.s32 v55, v1  }
0xf5: {  	v24 =	vld [tilespmem:$0x740];
	[tilespmem:$0x1100] =	vst v3;
	v3 =	vadd.f32 v52, v51;
	v19 =	vsub.s32 v59, v1;
	v16 =	vadd.s32 v18, v34  }
0xf6: {  	v27 =	vld [tilespmem:$0xC40];
	[tilespmem:$0x1440] =	vst v14;
	v59 =	vmul.f32 $5.000000000e-01, v45;
	v28 =	vadd.f32 v46, v44;
	v30 =	vsub.s32 $0x0, v12  }
0xf7: {  	[tilespmem:$0x10E0] =	vst v11;
	v58 =	vld [tilespmem:$0x4C0];
	v39 =	vsub.s32 $0x0, v19;
	v43 =	vsub.s32 v63, v1;
	v11 =	vmul.f32 $5.000000000e-01, v53  }
0xf8: {  	[tilespmem:$0x1450] =	vst v10;
	v61 =	vld [tilespmem:$0x9C0];
	v12 =	vmin.u32 v12, v30;
	v5 =	vmul.f32 $5.000000000e-01, v62;
	v3 =	vmul.f32 $5.000000000e-01, v3  }
0xf9: {  	v29 =	vld [tilespmem:$0x4D0];
	[tilespmem:$0xE60] =	vst v2;
	v42 =	vmin.u32 v19, v39;
	v25 =	vsub.s32 $0x0, v43;
	v18 =	vsub.s32 v49, v1  }
0xfa: {  	[tilespmem:$0x1480] =	vst v33;
	v33 =	vld [tilespmem:$0x260];
	vm13 =	vlt.s32 v12, $0x1;
	v10 =	vmul.f32 $5.000000000e-01, v28;
	vm10 =	vlt.s32 v42, $0x1  }
0xfb: {  	v31 =	vld [tilespmem:$0x9D0];
	[tilespmem:$0x1460] =	vst v15;
	v48 =	vmin.u32 v43, v25;
	v63 =	vsub.s32 $0x0, v18;
	v36 =	vnsel vm13, $0x1, v12  }
0xfc: {  	[tilespmem:$0xE70] =	vst v8;
	v35 =	vld [tilespmem:$0x750];
	v43 =	vadd.f32 v27, v24;
	v47 =	vnsel vm10, $0x1, v42;
	vm11 =	vlt.s32 v48, $0x1  }
0xfd: {  	[tilespmem:$0x1470] =	vst v56;
	v37 =	vld [tilespmem:$0xC50];
	v13 =	vmin.u32 v18, v63;
	v38 =	vsub.s32 $0x1, v36;
	v40 =	vadd.f32 v61, v58  }
0xfe: {  	v52 =	vld [tilespmem:$0xC60];
	[tilespmem:$0x1110] =	vst v11;
	v11 =	vmul.u32 v0, v36;
	v50 =	vsub.s32 $0x1, v47;
	v7 =	vmul.u32 v0, v47  }
0xff: {  	[tilespmem:$0xE80] =	vst v41;
	v39 =	vld [tilespmem:$0x270];
	v17 =	vnsel vm11, $0x1, v48;
	vm12 =	vlt.s32 v13, $0x1;
	v44 =	vsub.s32 v33, v1  }
0x100: {  	v49 =	vld [tilespmem:$0x760];
	[tilespmem:$0x1130] =	vst v3;
	v47 =	vadd.f32 v31, v29;
	v3 =	vmul.f32 $5.000000000e-01, v43;
	v2 =	vmul.u32 v4, v50  }
0x101: {  	[tilespmem:$0x1490] =	vst v16;
	v4 =	vadd.s32 v4, v50;
	v54 =	vsub.s32 $0x1, v17;
	v57 =	vmul.u32 v0, v17  }
0x102: {  	[tilespmem:$0xEA0] =	vst v9;
	v13 =	vnsel vm12, $0x1, v13;
	v48 =	vsub.s32 $0x0, v44;
	v50 =	vadd.f32 v37, v35  }
0x103: {  	v45 =	vld [tilespmem:$0x9E0];
	[tilespmem:$0xE90] =	vst v59;
	v9 =	vmul.f32 $5.000000000e-01, v40;
	v56 =	vmul.u32 v4, v54;
	v4 =	vadd.s32 v4, v54  }
0x104: {  	[tilespmem:$0x1120] =	vst v5;
	v42 =	vld [tilespmem:$0x4E0];
	v32 =	vsub.s32 $0x1, v13;
	v13 =	vmul.u32 v0, v13;
	v51 =	vmin.u32 v44, v48  }
0x105: {  	[tilespmem:$0xEB0] =	vst v10;
	v53 =	vmul.f32 $5.000000000e-01, v47;
	v1 =	vsub.s32 v39, v1;
	v63 =	vadd.f32 v52, v49  }
0x106: {  	[tilespmem:$0x1140] =	vst v3;
	v2 =	vadd.s32 v7, v2;
	v34 =	vmul.u32 v4, v32;
	v4 =	vadd.s32 v4, v32  }
0x107: {  	v59 =	vld [tilespmem:$0x770];
	vm14 =	vlt.s32 v51, $0x1;
	v55 =	vsub.s32 $0x0, v1;
	[tilespmem:$0xEC0] =	vst v9;
	v7 =	vadd.s32 v57, v56  }
0x108: {  	v54 =	vld [tilespmem:$0x4F0];
	[tilespmem:$0x14A0] =	vst v2;
	v41 =	vmul.u32 v4, v38;
	v57 =	vmul.f32 $5.000000000e-01, v50;
	v58 =	vnsel vm14, $0x1, v51  }
0x109: {  	v56 =	vld [tilespmem:$0x9F0];
	v1 =	vmin.u32 v1, v55;
	v60 =	vadd.f32 v45, v42;
	[tilespmem:$0xED0] =	vst v53;
	v5 =	vmul.f32 $5.000000000e-01, v63  }
0x10a: {  	v61 =	vld [tilespmem:$0xC70];
	v2 =	vadd.s32 v13, v34;
	[tilespmem:$0x14B0] =	vst v7;
	v3 =	vsub.s32 $0x1, v58;
	vm15 =	vlt.s32 v1, $0x1  }
0x10b: {  	v10 =	vmul.u32 v0, v58;
	[tilespmem:$0x14C0] =	vst v2;
	v2 =	vadd.s32 v4, v38;
	v1 =	vnsel vm15, $0x1, v1  }
0x10c: {  	[tilespmem:$0x1150] =	vst v57;
	v62 =	vmul.u32 v2, v3;
	v2 =	vadd.s32 v2, v3;
	v3 =	vsub.s32 $0x1, v1  }
0x10d: {  	v46 =	vadd.s32 v11, v41;
	[tilespmem:$0x1160] =	vst v5;
	v2 =	vmul.u32 v2, v3;
	v3 =	vmul.f32 $5.000000000e-01, v60  }
0x10e: {  	[tilespmem:$0x14D0] =	vst v46;
	v1 =	vmul.u32 v0, v1;
	v6 =	vadd.f32 v56, v54  }
0x10f: {  	v7 =	vadd.s32 v10, v62;
	[tilespmem:$0xEE0] =	vst v3;
	v3 =	vadd.f32 v61, v59  }
0x110: {  	[tilespmem:$0x14E0] =	vst v7;
	v1 =	vadd.s32 v1, v2;
	v2 =	vmul.f32 $5.000000000e-01, v6  }
0x111: {  	[tilespmem:$0x14F0] =	vst v1;
	v1 =	vmul.f32 $5.000000000e-01, v3  }
0x112: {  	[tilespmem:$0xEF0] =	vst v2  }
0x113: {  	[tilespmem:$0x1170] =	vst v1  }
0x114: {  	[spmem:s1] =	stream.indirect.scatter [tilespmem:s12], [sflag:$0x1], $0x1, s11, s10, $0xb8;
	[tilespmem:$0x1BC0] =	vst v63  }
0x115: {  	_ = 	snop  }
0x116: {  	[spmem:s2] =	stream.indirect.scatter [tilespmem:s13], [sflag:$0x1], $0x1, s11, s10, $0xb8;
	[tilespmem:$0x1BC0] =	vst v63  }
0x117: {  	_ = 	snop  }
0x118: {  	[spmem:s1] =	stream.indirect.scatter [tilespmem:s15], [sflag:$0x1], $0x1, s14, s10, $0xb8;
	[tilespmem:$0x1BC0] =	vst v63  }
0x119: {  	_ = 	snop  }
0x11a: {  	[spmem:s2] =	stream.indirect.scatter [tilespmem:s16], [sflag:$0x1], $0x1, s14, s10, $0xb8;
	[tilespmem:$0x1BC0] =	vst v63  }
0x11b: {  	_ = 	snop  }
0x11c: {  	[spmem:s1] =	stream.indirect.scatter [tilespmem:s18], [sflag:$0x1], $0x1, s17, s10, $0xb8;
	[tilespmem:$0x1BC0] =	vst v63  }
0x11d: {  	_ = 	snop  }
0x11e: {  	[spmem:s2] =	stream.indirect.scatter [tilespmem:s19], [sflag:$0x1], $0x1, s17, s10, $0xb8;
	[tilespmem:$0x1BC0] =	vst v63  }
0x11f: {  	_ = 	snop  }
0x120: {  	[spmem:s1] =	stream.indirect.scatter [tilespmem:s21], [sflag:$0x1], $0x1, s20, s10, $0xb8;
	[tilespmem:$0x1BC0] =	vst v63  }
0x121: {  	_ = 	snop  }
0x122: {  	[spmem:s2] =	stream.indirect.scatter [tilespmem:s22], [sflag:$0x1], $0x1, s20, s10, $0xb8;
	[tilespmem:$0x1BC0] =	vst v63  }
0x123: {  	_ = 	snop  }
0x124: {  	[spmem:s1] =	stream.indirect.scatter [tilespmem:s24], [sflag:$0x1], $0x1, s23, s10, $0xb8;
	[tilespmem:$0x1BC0] =	vst v63  }
0x125: {  	_ = 	snop  }
0x126: {  	[spmem:s2] =	stream.indirect.scatter [tilespmem:s25], [sflag:$0x1], $0x1, s23, s10, $0xb8;
	[tilespmem:$0x1BC0] =	vst v63  }
0x127: {  	_ =	swait.ge [sflag:s26], $0x80  }
0x128: {  	[sflag:s26] =	ssyncset.done $0x0  }
0x129: {  	[sflag:s26] =	ssyncadd.s32 $0xFFFFFF80  }
0x12a: {  	_ =	swait.ge [sflag:s26], $0x80  }
0x12b: {  	[sflag:s26] =	ssyncset.done $0x0  }
0x12c: {  	[sflag:s26] =	ssyncadd.s32 $0xFFFFFF80  }
0x12d: {  	_ =	swait.ge [sflag:s26], $0x80  }
0x12e: {  	[sflag:s26] =	ssyncset.done $0x0  }
0x12f: {  	[sflag:s26] =	ssyncadd.s32 $0xFFFFFF80  }
0x130: {  	_ =	swait.ge [sflag:s26], $0x80  }
0x131: {  	[sflag:s26] =	ssyncset.done $0x0  }
0x132: {  	[sflag:s26] =	ssyncadd.s32 $0xFFFFFF80  }
0x133: {  	_ =	swait.ge [sflag:s26], $0x80  }
0x134: {  	[sflag:s26] =	ssyncset.done $0x0  }
0x135: {  	[sflag:s26] =	ssyncadd.s32 $0xFFFFFF80  }
0x136: {  	_ =	swait.ge [sflag:s26], $0x80  }
0x137: {  	[sflag:s26] =	ssyncset.done $0x0  }
0x138: {  	[sflag:s26] =	ssyncadd.s32 $0xFFFFFF80  }
0x139: {  	_ =	swait.ge [sflag:s26], $0x80  }
0x13a: {  	[sflag:s26] =	ssyncset.done $0x0  }
0x13b: {  	[sflag:s26] =	ssyncadd.s32 $0xFFFFFF80  }
0x13c: {  	_ =	swait.ge [sflag:s26], $0x80  }
0x13d: {  	[sflag:s26] =	ssyncset.done $0x0  }
0x13e: {  	[sflag:s26] =	ssyncadd.s32 $0xFFFFFF80  }
0x13f: {  	_ =	swait.ge [sflag:s26], $0x80  }
0x140: {  	[sflag:s26] =	ssyncset.done $0x0  }
0x141: {  	[sflag:s26] =	ssyncadd.s32 $0xFFFFFF80  }
0x142: {  	_ =	swait.ge [sflag:s26], $0x80  }
0x143: {  	[sflag:s26] =	ssyncset.done $0x0  }
0x144: {  	[sflag:s26] =	ssyncadd.s32 $0xFFFFFF80  }
0x145: {  	[bflag:$0x0] =	sbarrier.arrive $0xFFFF  }
0x146: {  	s29 =	sshrl.u32 @!p0 s1, $0x3;
	s30 =	simm.s32 @!p0 $0x1C02;
	s28 =	rddreg [dreg:$0xb]  }
0x147: {  	[hbm:s28], [sflag:s30] =	dma.local @!p0 [spmem:s29], $0x540  }
0x148: {  	s28 =	simm.s32 @!p0 $0x2  }
0x149: {  	s4 =	sadd.s32 $0xFFFFFFFF, s4;
	_ =	swait.ge @!p0 [sflag:s28], $0x540  }
0x14a: {  	p1 =	sne.s32 s4, $0x0;
	s31 =	sshrl.u32 @!p0 s2, $0x3;
	[sflag:s28] =	ssyncset.done @!p0 $0x0  }
.Ltmp0:
0x14b: {  	s29 =	rddreg [dreg:$0xc];
	[sflag:s28] =	ssyncadd.s32 @!p0 $0xFFFFFAC0;
	(pc) =	sbr.rel @p1 .LBB2_1-.Ltmp0, $4  }
0x14c: {  	[hbm:s29], [sflag:s30] =	dma.local @!p0 [spmem:s31], $0x540  }
0x14d: {  	_ =	swait.ge @!p0 [sflag:s28], $0x540  }
0x14e: {  	[sflag:s28] =	ssyncset.done @!p0 $0x0  }
0x14f: {  	[sflag:s28] =	ssyncadd.s32 @!p0 $0xFFFFFAC0  }
0x150: {  	_ =	sfence.sel $0x180000  }
0x151: {  	[bflag:$0x0] =	sbarrier.arrive $0xFFFF  }
0x152: {  	_ =	strace $0x90000047  }
0x153: {  	s0 =	sadd.s32 @!p0 $0x100000, s0;
	[bflag:$0x2] =	sbarrier.arrive $0xFFFF  }
0x154: {  	[sflag:s0] =	ssyncadd.tile.s32 @!p0 $0x1;
	_ =	shalt  }
.Lfunc_end2:
_tile_overlayer_lowered:
.L_overlay_start_2:
0x155: {  	(tag) =	ssettag $0x2  }
0x156: {  	s0 =	rddreg [dreg:$0x0];
	s2 =	stileid.u32  }
0x157: {  	s1 =	rddreg [dreg:$0x1];
	p0 =	sne.s32 s2, $0x0  }
0x158: {  	s3 =	rddreg [dreg:$0x2];
	[bflag:$0x3] =	sbarrier.arrive $0xFFFF;
	s2 =	simm.s32 @!p0 $0x1C02  }
0x159: {  	[timem:s3], [sflag:s2] =	dma.local @!p0 [hbm:s0], s1  }
0x15a: {  	s0 =	simm.s32 @!p0 $0x2  }
0x15b: {  	_ =	swait.ge @!p0 [sflag:s0], s1  }
0x15c: {  	s1 =	ssub.s32 @!p0 $0x0, s1;
	[sflag:s0] =	ssyncset.done @!p0 $0x0  }
0x15d: {  	[sflag:s0] =	ssyncadd.s32 @!p0 s1  }
0x15e: {  	[bflag:$0x3] =	sbarrier.arrive $0xFFFF  }
0x15f: {  	_ =	shalt  }

</sc_bundles>
